<compile_context>
chip_gen: v7x
topology: tpu7x:2x2x1
jax: 0.10.2.dev20260603
libtpu: 0.0.44.dev20260713+nightly
codegen_flags: <defaults>
</compile_context>

<pallas_src>
import functools

import jax
import jax.numpy as jnp
from jax import lax
from jax.experimental import pallas as pl
from jax.experimental.pallas import tpu as pltpu
from jax.experimental.pallas import tpu_sc as plsc

_PREC = jax.lax.Precision.DEFAULT


def _three_nn_kernel(q_ref, p_ref, ind_ref, w_ref, *, n_keys, n_tiles,
                     b_base=0):
    q = q_ref[0]
    p = p_ref[0]
    pp = jnp.sum(p * p, axis=1, keepdims=True)
    qp = jax.lax.dot_general(p, q, (((1,), (0,)), ((), ())),
                             precision=jax.lax.Precision.DEFAULT)
    s = pp - 2.0 * qp
    qq = jnp.sum(q * q, axis=0, keepdims=True)
    iota = jax.lax.broadcasted_iota(jnp.int32, s.shape, 0)
    sentinel = n_keys
    mins, args = [], []
    cur = s
    for k in range(3):
        m = jnp.min(cur, axis=0, keepdims=True)
        a = jnp.min(jnp.where(cur == m, iota, sentinel),
                    axis=0, keepdims=True)
        mins.append(m)
        args.append(a)
        if k < 2:
            cur = jnp.where(cur == m, jnp.inf, cur)
    sqs = [jnp.maximum(m + qq, 0.0) for m in mins]
    dists = [jnp.where(d < 1e-10, 1e-10, d) for d in sqs]
    invs = [1.0 / (d + 1e-8) for d in dists]
    norm = invs[0] + invs[1] + invs[2]
    boff = (b_base + pl.program_id(0) // n_tiles) * n_keys
    ind_ref[...] = jnp.concatenate(args, axis=0) + boff
    w_ref[...] = jnp.concatenate([iv / norm for iv in invs], axis=0)


def _sc_interp(table, idx, wts, *, q_total, d_feat):
    info = plsc.get_sparse_core_info()
    nw = info.num_cores * info.num_subcores
    q_per_w = q_total // nw
    G = 32
    n_chunks = q_per_w // G
    nl = 16
    mesh = plsc.VectorSubcoreMesh(core_axis_name="c", subcore_axis_name="s")

    idx4 = idx.reshape(3, nw, n_chunks, G)
    wts4 = wts.reshape(3, nw, 1, q_per_w)

    @functools.partial(
        pl.kernel, mesh=mesh,
        out_type=jax.ShapeDtypeStruct((q_total, d_feat), jnp.float32),
        scratch_types=[pltpu.VMEM((3, n_chunks, G), jnp.int32),
                       pltpu.VMEM((3, 1, q_per_w + nl), jnp.float32),
                       pltpu.VMEM((G, d_feat), jnp.float32),
                       pltpu.VMEM((G, d_feat), jnp.float32),
                       pltpu.VMEM((G, d_feat), jnp.float32),
                       pltpu.VMEM((G, d_feat), jnp.float32),
                       pltpu.VMEM((G, d_feat), jnp.float32),
                       pltpu.VMEM((G, d_feat), jnp.float32),
                       pltpu.VMEM((G, d_feat), jnp.float32),
                       pltpu.VMEM((G, d_feat), jnp.float32),
                       pltpu.SemaphoreType.DMA,
                       pltpu.SemaphoreType.DMA,
                       pltpu.SemaphoreType.DMA,
                       pltpu.SemaphoreType.DMA],
    )
    def gather_kernel(table_hbm, idx_hbm, w_hbm, out_hbm,
                      idx_v, w_v, ra0, ra1, ra2, rb0, rb1, rb2,
                      ova, ovb, gsa, gsb, wsa, wsb):
        wid = lax.axis_index("s") * info.num_cores + lax.axis_index("c")
        wbase = wid * q_per_w
        rbufs = ((ra0, ra1, ra2), (rb0, rb1, rb2))
        ovs = (ova, ovb)
        gsems = (gsa, gsb)
        wsems = (wsa, wsb)

        for k in range(3):
            pltpu.sync_copy(idx_hbm.at[k, wid], idx_v.at[k])
            pltpu.sync_copy(w_hbm.at[k, wid],
                            w_v.at[k, pl.ds(0, 1), pl.ds(0, q_per_w)])

        def fire(c, side):
            for k in range(3):
                pltpu.async_copy(table_hbm.at[idx_v.at[k, c]],
                                 rbufs[side][k], gsems[side])

        def drain_gather(side):
            for k in range(3):
                pltpu.make_async_copy(table_hbm.at[pl.ds(0, G)],
                                      rbufs[side][k], gsems[side]).wait()

        def compute(c, side):
            r0, r1, r2 = rbufs[side]
            ov = ovs[side]

            def q_body(g, qcarry):
                qi = c * G + g
                wv0 = lax.broadcast(w_v[0, 0, pl.ds(qi, nl)][0], (nl,))
                wv1 = lax.broadcast(w_v[1, 0, pl.ds(qi, nl)][0], (nl,))
                wv2 = lax.broadcast(w_v[2, 0, pl.ds(qi, nl)][0], (nl,))
                for cc in range(d_feat // nl):
                    sl = pl.ds(cc * nl, nl)
                    ov[g, sl] = (wv0 * r0[g, sl] + wv1 * r1[g, sl]
                                 + wv2 * r2[g, sl])
                return qcarry

            lax.fori_loop(0, G, q_body, 0)

        def fire_wb(c, side):
            pltpu.async_copy(ovs[side], out_hbm.at[pl.ds(wbase + c * G, G)],
                             wsems[side])

        def drain_wb(side):
            pltpu.make_async_copy(table_hbm.at[pl.ds(0, G)], ovs[side],
                                  wsems[side]).wait()

        fire(0, 0)
        fire(1, 1)

        def pair_body(i, carry):
            c0 = 2 * i
            for side in range(2):
                c = c0 + side
                drain_gather(side)

                @pl.when(i > 0)
                def _():
                    drain_wb(side)

                compute(c, side)
                fire_wb(c, side)

                @pl.when(c + 2 < n_chunks)
                def _():
                    fire(c + 2, side)

            return carry

        lax.fori_loop(0, n_chunks // 2, pair_body, 0)
        drain_wb(0)
        drain_wb(1)

    return gather_kernel(table, idx4, wts4)


def _conv1_kernel(f_ref, skip_ref, W1_ref, y1_ref, st_ref, *, cprev):
    b = pl.program_id(0)
    t = pl.program_id(1)

    @pl.when(jnp.logical_and(b == 0, t == 0))
    def _init():
        st_ref[...] = jnp.zeros_like(st_ref)

    x = f_ref[0]
    skipb = skip_ref[0]
    W1 = W1_ref[...]
    y1 = (jax.lax.dot_general(x, W1[:, :cprev], (((1,), (1,)), ((), ())),
                              precision=_PREC)
          + jax.lax.dot_general(skipb, W1[:, cprev:], (((0,), (1,)), ((), ())),
                                precision=_PREC))
    y1_ref[0] = y1
    s1 = jnp.sum(y1, axis=0, keepdims=True)
    s2 = jnp.sum(y1 * y1, axis=0, keepdims=True)
    st_ref[...] += jnp.concatenate([s1, s2], axis=0)


def _bn_conv2_kernel(y1_ref, st_ref, g_ref, b_ref, W2_ref,
                     y2_ref, st2_ref, *, count):
    b = pl.program_id(0)
    t = pl.program_id(1)

    @pl.when(jnp.logical_and(b == 0, t == 0))
    def _init():
        st2_ref[...] = jnp.zeros_like(st2_ref)

    st = st_ref[...]
    inv_cnt = 1.0 / count
    mean = st[0:1, :] * inv_cnt
    var = st[1:2, :] * inv_cnt - mean * mean
    inv = jax.lax.rsqrt(var + 1e-3)
    z = (y1_ref[0] - mean) * inv * g_ref[...] + b_ref[...]
    z = jnp.where(z >= 0, z, 0.01 * z)
    y2 = jax.lax.dot_general(z, W2_ref[...], (((1,), (1,)), ((), ())),
                             precision=_PREC)
    y2_ref[0] = y2
    s1 = jnp.sum(y2, axis=0, keepdims=True)
    s2 = jnp.sum(y2 * y2, axis=0, keepdims=True)
    st2_ref[...] += jnp.concatenate([s1, s2], axis=0)


def _bn_out_kernel(y2_ref, st_ref, g_ref, b_ref, out_ref, *, count):
    st = st_ref[...]
    inv_cnt = 1.0 / count
    mean = st[0:1, :] * inv_cnt
    var = st[1:2, :] * inv_cnt - mean * mean
    inv = jax.lax.rsqrt(var + 1e-3)
    z = (y2_ref[0] - mean) * inv * g_ref[...] + b_ref[...]
    z = jnp.where(z >= 0, z, 0.01 * z)
    out_ref[0] = z.T


def kernel(xyz, skip, xyz_prev, feat_prev, W1, g1, b1, W2, g2, b2):
    B, _, N0 = xyz.shape
    N = xyz_prev.shape[2]
    Cprev = feat_prev.shape[1]
    Cskip = skip.shape[1]
    C1 = W1.shape[0]
    C2 = W2.shape[0]
    TQ = 1024
    nt = N0 // TQ
    TC = 1024
    ntc = N0 // TC
    Q = B * N0
    count = float(Q)

    p_t = jnp.transpose(xyz_prev, (0, 2, 1))

    table = jnp.transpose(feat_prev, (0, 2, 1)).reshape(B * N, Cprev)

    idx_flat, w_flat = pl.pallas_call(
        functools.partial(_three_nn_kernel, n_keys=N, n_tiles=nt),
        grid=(B * nt,),
        in_specs=[pl.BlockSpec((1, 3, TQ), lambda i: (i // nt, 0, i % nt)),
                  pl.BlockSpec((1, N, 3), lambda i: (i // nt, 0, 0))],
        out_specs=[pl.BlockSpec((3, TQ), lambda i: (0, i)),
                   pl.BlockSpec((3, TQ), lambda i: (0, i))],
        out_shape=[jax.ShapeDtypeStruct((3, Q), jnp.int32),
                   jax.ShapeDtypeStruct((3, Q), jnp.float32)],
    )(xyz, p_t)

    feats = _sc_interp(table, idx_flat, w_flat, q_total=Q, d_feat=Cprev)
    feats = feats.reshape(B, N0, Cprev)

    y1, st1 = pl.pallas_call(
        functools.partial(_conv1_kernel, cprev=Cprev),
        grid=(B, ntc),
        in_specs=[pl.BlockSpec((1, TC, Cprev), lambda b, t: (b, t, 0)),
                  pl.BlockSpec((1, Cskip, TC), lambda b, t: (b, 0, t)),
                  pl.BlockSpec((C1, Cprev + Cskip), lambda b, t: (0, 0))],
        out_specs=[pl.BlockSpec((1, TC, C1), lambda b, t: (b, t, 0)),
                   pl.BlockSpec((2, C1), lambda b, t: (0, 0))],
        out_shape=[jax.ShapeDtypeStruct((B, N0, C1), jnp.float32),
                   jax.ShapeDtypeStruct((2, C1), jnp.float32)],
    )(feats, skip, W1)

    y2, st2 = pl.pallas_call(
        functools.partial(_bn_conv2_kernel, count=count),
        grid=(B, ntc),
        in_specs=[pl.BlockSpec((1, TC, C1), lambda b, t: (b, t, 0)),
                  pl.BlockSpec((2, C1), lambda b, t: (0, 0)),
                  pl.BlockSpec((1, C1), lambda b, t: (0, 0)),
                  pl.BlockSpec((1, C1), lambda b, t: (0, 0)),
                  pl.BlockSpec((C2, C1), lambda b, t: (0, 0))],
        out_specs=[pl.BlockSpec((1, TC, C2), lambda b, t: (b, t, 0)),
                   pl.BlockSpec((2, C2), lambda b, t: (0, 0))],
        out_shape=[jax.ShapeDtypeStruct((B, N0, C2), jnp.float32),
                   jax.ShapeDtypeStruct((2, C2), jnp.float32)],
    )(y1, st1, g1.reshape(1, -1), b1.reshape(1, -1), W2)

    y = pl.pallas_call(
        functools.partial(_bn_out_kernel, count=count),
        grid=(B, ntc),
        in_specs=[pl.BlockSpec((1, TC, C2), lambda b, t: (b, t, 0)),
                  pl.BlockSpec((2, C2), lambda b, t: (0, 0)),
                  pl.BlockSpec((1, C2), lambda b, t: (0, 0)),
                  pl.BlockSpec((1, C2), lambda b, t: (0, 0))],
        out_specs=pl.BlockSpec((1, C2, TC), lambda b, t: (b, 0, t)),
        out_shape=jax.ShapeDtypeStruct((B, C2, N0), jnp.float32),
    )(y2, st2, g2.reshape(1, -1), b2.reshape(1, -1))

    return (xyz, y)

# --- scband reference (transcript-rebuilt; emitter-appended) ---
"""Pipeline reference for scband-dense-fpmodule-14482629722282 (READ-ONLY COPY).

The authoritative reference and input builder live on the scoring server;
editing this copy changes nothing except your own understanding.
"""

import jax, jax.numpy as jnp
import numpy as np


def setup_inputs(seed: int = 0) -> dict:
    key = jax.random.key(seed)
    ks = jax.random.split(key, 8)
    B, N0, N = 4, 8192, 2048
    Cskip, Cprev = 128, 256
    Cin = Cprev + Cskip
    xyz = jax.random.normal(ks[0], (B, 3, N0), dtype=jnp.float32)
    skip = jax.random.normal(ks[1], (B, Cskip, N0), dtype=jnp.float32)
    xyz_prev = jax.random.normal(ks[2], (B, 3, N), dtype=jnp.float32)
    feat_prev = jax.random.normal(ks[3], (B, Cprev, N), dtype=jnp.float32)
    W1 = jax.random.normal(ks[4], (256, Cin), dtype=jnp.float32) * (1.0 / np.sqrt(Cin))
    g1 = jnp.ones((256,), jnp.float32)
    b1 = jnp.zeros((256,), jnp.float32)
    W2 = jax.random.normal(ks[5], (128, 256), dtype=jnp.float32) * (1.0 / np.sqrt(256))
    g2 = jnp.ones((128,), jnp.float32)
    b2 = jnp.zeros((128,), jnp.float32)
    return {"xyz": xyz, "skip": skip, "xyz_prev": xyz_prev, "feat_prev": feat_prev,
            "W1": W1, "g1": g1, "b1": b1, "W2": W2, "g2": g2, "b2": b2}


def _three_nn(q, p):
    # q: [B, N0, 3] queries; p: [B, N, 3] keys. Returns (dist, ind) with k=3 nearest.
    sq = (jnp.sum(q * q, axis=-1, keepdims=True)
          - 2.0 * jnp.einsum('bnd,bmd->bnm', q, p)
          + jnp.sum(p * p, axis=-1)[:, None, :])
    sq = jnp.maximum(sq, 0.0)
    d = jnp.sqrt(sq)
    neg_vals, ind = jax.lax.top_k(-d, 3)
    return -neg_vals, ind


def _group_gather_by_index(feat, ind):
    # feat: [B, C, N]; ind: [B, N0, 3] -> [B, C, N0, 3]
    return jax.vmap(lambda f, i: f[:, i])(feat, ind)


def _conv_bn_act(x, W, g, b):
    # 1x1 Conv1d (no bias) + BatchNorm1d (training-mode batch stats, eps=1e-3) + LeakyReLU(0.01)
    y = jnp.einsum('oc,bcn->bon', W, x)
    mean = jnp.mean(y, axis=(0, 2), keepdims=True)
    var = jnp.var(y, axis=(0, 2), keepdims=True)
    y = (y - mean) / jnp.sqrt(var + 1e-3)
    y = y * g[None, :, None] + b[None, :, None]
    return jnp.where(y >= 0, y, 0.01 * y)


def reference(xyz, skip, xyz_prev, feat_prev, W1, g1, b1, W2, g2, b2):
    q = jnp.transpose(xyz, (0, 2, 1))
    p = jnp.transpose(xyz_prev, (0, 2, 1))
    dist, ind = _three_nn(q, p)
    dist = dist * dist
    dist = jnp.where(dist < 1e-10, 1e-10, dist)
    inverse_dist = 1.0 / (dist + 1e-8)
    norm = jnp.sum(inverse_dist, axis=2, keepdims=True)
    weights = inverse_dist / norm
    gathered = _group_gather_by_index(feat_prev, ind)
    new_features = jnp.sum(gathered * weights[:, None, :, :], axis=3)
    new_features = jnp.concatenate([new_features, skip], axis=1)
    y = _conv_bn_act(new_features, W1, g1, b1)
    y = _conv_bn_act(y, W2, g2, b2)
    return (xyz, y)

if __name__ == "__main__":
    import jax
    _d = setup_inputs()
    print(jax.jit(kernel)(*tuple(_d.values())))

</pallas_src>

<mosaic_0001>
#map = affine_map<(d0, d1) -> (0, 0)>
#map1 = affine_map<(d0, d1) -> (0, 0, 0, 0)>
module attributes {stable_mosaic.version = 14 : i64} {
  func.func @gather_kernel(%arg0: i32, %arg1: i32, %arg2: memref<8192x256xf32, #tpu.memory_space<hbm>>, %arg3: memref<3x32x32x32xi32, #tpu.memory_space<hbm>>, %arg4: memref<3x32x1x1024xf32, #tpu.memory_space<hbm>>, %arg5: memref<32768x256xf32, #tpu.memory_space<hbm>>, %arg6: memref<3x32x32xi32, #tpu.memory_space<vmem>>, %arg7: memref<3x1x1040xf32, #tpu.memory_space<vmem>>, %arg8: memref<32x256xf32, #tpu.memory_space<vmem>>, %arg9: memref<32x256xf32, #tpu.memory_space<vmem>>, %arg10: memref<32x256xf32, #tpu.memory_space<vmem>>, %arg11: memref<32x256xf32, #tpu.memory_space<vmem>>, %arg12: memref<32x256xf32, #tpu.memory_space<vmem>>, %arg13: memref<32x256xf32, #tpu.memory_space<vmem>>, %arg14: memref<32x256xf32, #tpu.memory_space<vmem>>, %arg15: memref<32x256xf32, #tpu.memory_space<vmem>>, %arg16: memref<!tpu.dma_semaphore, #tpu.memory_space<semaphore_mem>>, %arg17: memref<!tpu.dma_semaphore, #tpu.memory_space<semaphore_mem>>, %arg18: memref<!tpu.dma_semaphore, #tpu.memory_space<semaphore_mem>>, %arg19: memref<!tpu.dma_semaphore, #tpu.memory_space<semaphore_mem>>) attributes {dimension_semantics = [#tpu.dimension_semantics<core_parallel>, #tpu.dimension_semantics<subcore_parallel>], iteration_bounds = array<i64: 2, 16>, scalar_prefetch = 0 : i64, scratch_operands = 14 : i64, tpu.core_type = #tpu.core_type<sc_vector_subcore>, window_params = [{transform_indices = #map}, {transform_indices = #map1}, {transform_indices = #map1}, {transform_indices = #map}]} {
    %mul3A = arith.constant 2 : i32
    %mul3A_0 = arith.muli %arg1, %mul3A : i32
    %add3A = arith.addi %mul3A_0, %arg0 : i32
    %mul3A_1 = arith.constant 1024 : i32
    %mul3A_2 = arith.muli %add3A, %mul3A_1 : i32
    %run_scoped3A = arith.constant 0 : i32
    %run_scoped3A_3 = arith.constant 0 : i32
    "tpu.region"() ({
      %run_scoped3A_77 = tpu.sem_alloc : memref<!tpu.dma_semaphore, #tpu.memory_space<semaphore_mem>>
      %dma_start3A_78 = arith.constant 0 : i32
      %dma_start3A_79 = arith.constant 0 : i32
      %dma_start3A_80 = tpu.memref_slice %arg6[%run_scoped3A_3, %dma_start3A_78, %dma_start3A_79] : memref<3x32x32xi32, #tpu.memory_space<vmem>> -> memref<1x32x32xi32, #tpu.memory_space<vmem>>
      %dma_start3A_81 = tpu.memref_squeeze %dma_start3A_80 : memref<1x32x32xi32, #tpu.memory_space<vmem>> -> memref<32x32xi32, #tpu.memory_space<vmem>>
      %dma_start3A_82 = arith.constant 0 : i32
      %dma_start3A_83 = arith.constant 0 : i32
      %dma_start3A_84 = tpu.memref_slice %arg3[%run_scoped3A, %add3A, %dma_start3A_82, %dma_start3A_83] : memref<3x32x32x32xi32, #tpu.memory_space<hbm>> -> memref<1x1x32x32xi32, #tpu.memory_space<hbm>>
      %dma_start3A_85 = tpu.memref_squeeze %dma_start3A_84 : memref<1x1x32x32xi32, #tpu.memory_space<hbm>> -> memref<32x32xi32, #tpu.memory_space<hbm>>
      %dma_start3A_86 = arith.constant 0 : i32
      %dma_start3A_87 = arith.constant 0 : i32
      %dma_start3A_88 = tpu.memref_slice %arg6[%run_scoped3A_3, %dma_start3A_86, %dma_start3A_87] : memref<3x32x32xi32, #tpu.memory_space<vmem>> -> memref<1x32x32xi32, #tpu.memory_space<vmem>>
      %dma_start3A_89 = tpu.memref_squeeze %dma_start3A_88 : memref<1x32x32xi32, #tpu.memory_space<vmem>> -> memref<32x32xi32, #tpu.memory_space<vmem>>
      %dma_start3A_90 = arith.constant 0 : i32
      %dma_start3A_91 = arith.constant 0 : i32
      %dma_start3A_92 = tpu.memref_slice %arg3[%run_scoped3A, %add3A, %dma_start3A_90, %dma_start3A_91] : memref<3x32x32x32xi32, #tpu.memory_space<hbm>> -> memref<1x1x32x32xi32, #tpu.memory_space<hbm>>
      %dma_start3A_93 = tpu.memref_squeeze %dma_start3A_92 : memref<1x1x32x32xi32, #tpu.memory_space<hbm>> -> memref<32x32xi32, #tpu.memory_space<hbm>>
      tpu.enqueue_dma source(%dma_start3A_93 : memref<32x32xi32, #tpu.memory_space<hbm>>) target(%dma_start3A_89 : memref<32x32xi32, #tpu.memory_space<vmem>>) target_semaphore(%run_scoped3A_77 : memref<!tpu.dma_semaphore, #tpu.memory_space<semaphore_mem>>)
      %dma_wait3A_94 = arith.constant 0 : i32
      %dma_wait3A_95 = arith.constant 0 : i32
      %dma_wait3A_96 = tpu.memref_slice %arg6[%run_scoped3A_3, %dma_wait3A_94, %dma_wait3A_95] : memref<3x32x32xi32, #tpu.memory_space<vmem>> -> memref<1x32x32xi32, #tpu.memory_space<vmem>>
      %dma_wait3A_97 = tpu.memref_squeeze %dma_wait3A_96 : memref<1x32x32xi32, #tpu.memory_space<vmem>> -> memref<32x32xi32, #tpu.memory_space<vmem>>
      %dma_wait3A_98 = arith.constant 0 : i32
      %dma_wait3A_99 = arith.constant 0 : i32
      %dma_wait3A_100 = tpu.memref_slice %arg3[%run_scoped3A, %add3A, %dma_wait3A_98, %dma_wait3A_99] : memref<3x32x32x32xi32, #tpu.memory_space<hbm>> -> memref<1x1x32x32xi32, #tpu.memory_space<hbm>>
      %dma_wait3A_101 = tpu.memref_squeeze %dma_wait3A_100 : memref<1x1x32x32xi32, #tpu.memory_space<hbm>> -> memref<32x32xi32, #tpu.memory_space<hbm>>
      %dma_wait3A_102 = arith.constant 0 : i32
      %dma_wait3A_103 = arith.constant 0 : i32
      %dma_wait3A_104 = tpu.memref_slice %arg6[%run_scoped3A_3, %dma_wait3A_102, %dma_wait3A_103] : memref<3x32x32xi32, #tpu.memory_space<vmem>> -> memref<1x32x32xi32, #tpu.memory_space<vmem>>
      %dma_wait3A_105 = tpu.memref_squeeze %dma_wait3A_104 : memref<1x32x32xi32, #tpu.memory_space<vmem>> -> memref<32x32xi32, #tpu.memory_space<vmem>>
      %dma_wait3A_106 = arith.constant 0 : i32
      %dma_wait3A_107 = arith.constant 0 : i32
      %dma_wait3A_108 = tpu.memref_slice %arg3[%run_scoped3A, %add3A, %dma_wait3A_106, %dma_wait3A_107] : memref<3x32x32x32xi32, #tpu.memory_space<hbm>> -> memref<1x1x32x32xi32, #tpu.memory_space<hbm>>
      %dma_wait3A_109 = tpu.memref_squeeze %dma_wait3A_108 : memref<1x1x32x32xi32, #tpu.memory_space<hbm>> -> memref<32x32xi32, #tpu.memory_space<hbm>>
      tpu.wait_dma2 semaphore(%run_scoped3A_77 : memref<!tpu.dma_semaphore, #tpu.memory_space<semaphore_mem>>) src(%dma_wait3A_109 : memref<32x32xi32, #tpu.memory_space<hbm>>) dst(%dma_wait3A_105 : memref<32x32xi32, #tpu.memory_space<vmem>>)
      tpu.yield
    }) : () -> ()
    %run_scoped3A_4 = arith.constant 0 : i32
    %run_scoped3A_5 = arith.constant 0 : i32
    "tpu.region"() ({
      %run_scoped3A_77 = tpu.sem_alloc : memref<!tpu.dma_semaphore, #tpu.memory_space<semaphore_mem>>
      %dma_start3A_78 = arith.constant 0 : i32
      %dma_start3A_79 = arith.constant 0 : i32
      %dma_start3A_80 = tpu.memref_slice %arg7[%run_scoped3A_5, %dma_start3A_78, %dma_start3A_79] : memref<3x1x1040xf32, #tpu.memory_space<vmem>> -> memref<1x1x1024xf32, #tpu.memory_space<vmem>>
      %dma_start3A_81 = tpu.memref_squeeze %dma_start3A_80 : memref<1x1x1024xf32, #tpu.memory_space<vmem>> -> memref<1x1024xf32, #tpu.memory_space<vmem>>
      %dma_start3A_82 = arith.constant 0 : i32
      %dma_start3A_83 = arith.constant 0 : i32
      %dma_start3A_84 = tpu.memref_slice %arg4[%run_scoped3A_4, %add3A, %dma_start3A_82, %dma_start3A_83] : memref<3x32x1x1024xf32, #tpu.memory_space<hbm>> -> memref<1x1x1x1024xf32, #tpu.memory_space<hbm>>
      %dma_start3A_85 = tpu.memref_squeeze %dma_start3A_84 : memref<1x1x1x1024xf32, #tpu.memory_space<hbm>> -> memref<1x1024xf32, #tpu.memory_space<hbm>>
      %dma_start3A_86 = arith.constant 0 : i32
      %dma_start3A_87 = arith.constant 0 : i32
      %dma_start3A_88 = tpu.memref_slice %arg7[%run_scoped3A_5, %dma_start3A_86, %dma_start3A_87] : memref<3x1x1040xf32, #tpu.memory_space<vmem>> -> memref<1x1x1024xf32, #tpu.memory_space<vmem>>
      %dma_start3A_89 = tpu.memref_squeeze %dma_start3A_88 : memref<1x1x1024xf32, #tpu.memory_space<vmem>> -> memref<1x1024xf32, #tpu.memory_space<vmem>>
      %dma_start3A_90 = arith.constant 0 : i32
      %dma_start3A_91 = arith.constant 0 : i32
      %dma_start3A_92 = tpu.memref_slice %arg4[%run_scoped3A_4, %add3A, %dma_start3A_90, %dma_start3A_91] : memref<3x32x1x1024xf32, #tpu.memory_space<hbm>> -> memref<1x1x1x1024xf32, #tpu.memory_space<hbm>>
      %dma_start3A_93 = tpu.memref_squeeze %dma_start3A_92 : memref<1x1x1x1024xf32, #tpu.memory_space<hbm>> -> memref<1x1024xf32, #tpu.memory_space<hbm>>
      tpu.enqueue_dma source(%dma_start3A_93 : memref<1x1024xf32, #tpu.memory_space<hbm>>) target(%dma_start3A_89 : memref<1x1024xf32, #tpu.memory_space<vmem>>) target_semaphore(%run_scoped3A_77 : memref<!tpu.dma_semaphore, #tpu.memory_space<semaphore_mem>>)
      %dma_wait3A_94 = arith.constant 0 : i32
      %dma_wait3A_95 = arith.constant 0 : i32
      %dma_wait3A_96 = tpu.memref_slice %arg7[%run_scoped3A_5, %dma_wait3A_94, %dma_wait3A_95] : memref<3x1x1040xf32, #tpu.memory_space<vmem>> -> memref<1x1x1024xf32, #tpu.memory_space<vmem>>
      %dma_wait3A_97 = tpu.memref_squeeze %dma_wait3A_96 : memref<1x1x1024xf32, #tpu.memory_space<vmem>> -> memref<1x1024xf32, #tpu.memory_space<vmem>>
      %dma_wait3A_98 = arith.constant 0 : i32
      %dma_wait3A_99 = arith.constant 0 : i32
      %dma_wait3A_100 = tpu.memref_slice %arg4[%run_scoped3A_4, %add3A, %dma_wait3A_98, %dma_wait3A_99] : memref<3x32x1x1024xf32, #tpu.memory_space<hbm>> -> memref<1x1x1x1024xf32, #tpu.memory_space<hbm>>
      %dma_wait3A_101 = tpu.memref_squeeze %dma_wait3A_100 : memref<1x1x1x1024xf32, #tpu.memory_space<hbm>> -> memref<1x1024xf32, #tpu.memory_space<hbm>>
      %dma_wait3A_102 = arith.constant 0 : i32
      %dma_wait3A_103 = arith.constant 0 : i32
      %dma_wait3A_104 = tpu.memref_slice %arg7[%run_scoped3A_5, %dma_wait3A_102, %dma_wait3A_103] : memref<3x1x1040xf32, #tpu.memory_space<vmem>> -> memref<1x1x1024xf32, #tpu.memory_space<vmem>>
      %dma_wait3A_105 = tpu.memref_squeeze %dma_wait3A_104 : memref<1x1x1024xf32, #tpu.memory_space<vmem>> -> memref<1x1024xf32, #tpu.memory_space<vmem>>
      %dma_wait3A_106 = arith.constant 0 : i32
      %dma_wait3A_107 = arith.constant 0 : i32
      %dma_wait3A_108 = tpu.memref_slice %arg4[%run_scoped3A_4, %add3A, %dma_wait3A_106, %dma_wait3A_107] : memref<3x32x1x1024xf32, #tpu.memory_space<hbm>> -> memref<1x1x1x1024xf32, #tpu.memory_space<hbm>>
      %dma_wait3A_109 = tpu.memref_squeeze %dma_wait3A_108 : memref<1x1x1x1024xf32, #tpu.memory_space<hbm>> -> memref<1x1024xf32, #tpu.memory_space<hbm>>
      tpu.wait_dma2 semaphore(%run_scoped3A_77 : memref<!tpu.dma_semaphore, #tpu.memory_space<semaphore_mem>>) src(%dma_wait3A_109 : memref<1x1024xf32, #tpu.memory_space<hbm>>) dst(%dma_wait3A_105 : memref<1x1024xf32, #tpu.memory_space<vmem>>)
      tpu.yield
    }) : () -> ()
    %run_scoped3A_6 = arith.constant 1 : i32
    %run_scoped3A_7 = arith.constant 1 : i32
    "tpu.region"() ({
      %run_scoped3A_77 = tpu.sem_alloc : memref<!tpu.dma_semaphore, #tpu.memory_space<semaphore_mem>>
      %dma_start3A_78 = arith.constant 0 : i32
      %dma_start3A_79 = arith.constant 0 : i32
      %dma_start3A_80 = tpu.memref_slice %arg6[%run_scoped3A_7, %dma_start3A_78, %dma_start3A_79] : memref<3x32x32xi32, #tpu.memory_space<vmem>> -> memref<1x32x32xi32, #tpu.memory_space<vmem>>
      %dma_start3A_81 = tpu.memref_squeeze %dma_start3A_80 : memref<1x32x32xi32, #tpu.memory_space<vmem>> -> memref<32x32xi32, #tpu.memory_space<vmem>>
      %dma_start3A_82 = arith.constant 0 : i32
      %dma_start3A_83 = arith.constant 0 : i32
      %dma_start3A_84 = tpu.memref_slice %arg3[%run_scoped3A_6, %add3A, %dma_start3A_82, %dma_start3A_83] : memref<3x32x32x32xi32, #tpu.memory_space<hbm>> -> memref<1x1x32x32xi32, #tpu.memory_space<hbm>>
      %dma_start3A_85 = tpu.memref_squeeze %dma_start3A_84 : memref<1x1x32x32xi32, #tpu.memory_space<hbm>> -> memref<32x32xi32, #tpu.memory_space<hbm>>
      %dma_start3A_86 = arith.constant 0 : i32
      %dma_start3A_87 = arith.constant 0 : i32
      %dma_start3A_88 = tpu.memref_slice %arg6[%run_scoped3A_7, %dma_start3A_86, %dma_start3A_87] : memref<3x32x32xi32, #tpu.memory_space<vmem>> -> memref<1x32x32xi32, #tpu.memory_space<vmem>>
      %dma_start3A_89 = tpu.memref_squeeze %dma_start3A_88 : memref<1x32x32xi32, #tpu.memory_space<vmem>> -> memref<32x32xi32, #tpu.memory_space<vmem>>
      %dma_start3A_90 = arith.constant 0 : i32
      %dma_start3A_91 = arith.constant 0 : i32
      %dma_start3A_92 = tpu.memref_slice %arg3[%run_scoped3A_6, %add3A, %dma_start3A_90, %dma_start3A_91] : memref<3x32x32x32xi32, #tpu.memory_space<hbm>> -> memref<1x1x32x32xi32, #tpu.memory_space<hbm>>
      %dma_start3A_93 = tpu.memref_squeeze %dma_start3A_92 : memref<1x1x32x32xi32, #tpu.memory_space<hbm>> -> memref<32x32xi32, #tpu.memory_space<hbm>>
      tpu.enqueue_dma source(%dma_start3A_93 : memref<32x32xi32, #tpu.memory_space<hbm>>) target(%dma_start3A_89 : memref<32x32xi32, #tpu.memory_space<vmem>>) target_semaphore(%run_scoped3A_77 : memref<!tpu.dma_semaphore, #tpu.memory_space<semaphore_mem>>)
      %dma_wait3A_94 = arith.constant 0 : i32
      %dma_wait3A_95 = arith.constant 0 : i32
      %dma_wait3A_96 = tpu.memref_slice %arg6[%run_scoped3A_7, %dma_wait3A_94, %dma_wait3A_95] : memref<3x32x32xi32, #tpu.memory_space<vmem>> -> memref<1x32x32xi32, #tpu.memory_space<vmem>>
      %dma_wait3A_97 = tpu.memref_squeeze %dma_wait3A_96 : memref<1x32x32xi32, #tpu.memory_space<vmem>> -> memref<32x32xi32, #tpu.memory_space<vmem>>
      %dma_wait3A_98 = arith.constant 0 : i32
      %dma_wait3A_99 = arith.constant 0 : i32
      %dma_wait3A_100 = tpu.memref_slice %arg3[%run_scoped3A_6, %add3A, %dma_wait3A_98, %dma_wait3A_99] : memref<3x32x32x32xi32, #tpu.memory_space<hbm>> -> memref<1x1x32x32xi32, #tpu.memory_space<hbm>>
      %dma_wait3A_101 = tpu.memref_squeeze %dma_wait3A_100 : memref<1x1x32x32xi32, #tpu.memory_space<hbm>> -> memref<32x32xi32, #tpu.memory_space<hbm>>
      %dma_wait3A_102 = arith.constant 0 : i32
      %dma_wait3A_103 = arith.constant 0 : i32
      %dma_wait3A_104 = tpu.memref_slice %arg6[%run_scoped3A_7, %dma_wait3A_102, %dma_wait3A_103] : memref<3x32x32xi32, #tpu.memory_space<vmem>> -> memref<1x32x32xi32, #tpu.memory_space<vmem>>
      %dma_wait3A_105 = tpu.memref_squeeze %dma_wait3A_104 : memref<1x32x32xi32, #tpu.memory_space<vmem>> -> memref<32x32xi32, #tpu.memory_space<vmem>>
      %dma_wait3A_106 = arith.constant 0 : i32
      %dma_wait3A_107 = arith.constant 0 : i32
      %dma_wait3A_108 = tpu.memref_slice %arg3[%run_scoped3A_6, %add3A, %dma_wait3A_106, %dma_wait3A_107] : memref<3x32x32x32xi32, #tpu.memory_space<hbm>> -> memref<1x1x32x32xi32, #tpu.memory_space<hbm>>
      %dma_wait3A_109 = tpu.memref_squeeze %dma_wait3A_108 : memref<1x1x32x32xi32, #tpu.memory_space<hbm>> -> memref<32x32xi32, #tpu.memory_space<hbm>>
      tpu.wait_dma2 semaphore(%run_scoped3A_77 : memref<!tpu.dma_semaphore, #tpu.memory_space<semaphore_mem>>) src(%dma_wait3A_109 : memref<32x32xi32, #tpu.memory_space<hbm>>) dst(%dma_wait3A_105 : memref<32x32xi32, #tpu.memory_space<vmem>>)
      tpu.yield
    }) : () -> ()
    %run_scoped3A_8 = arith.constant 1 : i32
    %run_scoped3A_9 = arith.constant 1 : i32
    "tpu.region"() ({
      %run_scoped3A_77 = tpu.sem_alloc : memref<!tpu.dma_semaphore, #tpu.memory_space<semaphore_mem>>
      %dma_start3A_78 = arith.constant 0 : i32
      %dma_start3A_79 = arith.constant 0 : i32
      %dma_start3A_80 = tpu.memref_slice %arg7[%run_scoped3A_9, %dma_start3A_78, %dma_start3A_79] : memref<3x1x1040xf32, #tpu.memory_space<vmem>> -> memref<1x1x1024xf32, #tpu.memory_space<vmem>>
      %dma_start3A_81 = tpu.memref_squeeze %dma_start3A_80 : memref<1x1x1024xf32, #tpu.memory_space<vmem>> -> memref<1x1024xf32, #tpu.memory_space<vmem>>
      %dma_start3A_82 = arith.constant 0 : i32
      %dma_start3A_83 = arith.constant 0 : i32
      %dma_start3A_84 = tpu.memref_slice %arg4[%run_scoped3A_8, %add3A, %dma_start3A_82, %dma_start3A_83] : memref<3x32x1x1024xf32, #tpu.memory_space<hbm>> -> memref<1x1x1x1024xf32, #tpu.memory_space<hbm>>
      %dma_start3A_85 = tpu.memref_squeeze %dma_start3A_84 : memref<1x1x1x1024xf32, #tpu.memory_space<hbm>> -> memref<1x1024xf32, #tpu.memory_space<hbm>>
      %dma_start3A_86 = arith.constant 0 : i32
      %dma_start3A_87 = arith.constant 0 : i32
      %dma_start3A_88 = tpu.memref_slice %arg7[%run_scoped3A_9, %dma_start3A_86, %dma_start3A_87] : memref<3x1x1040xf32, #tpu.memory_space<vmem>> -> memref<1x1x1024xf32, #tpu.memory_space<vmem>>
      %dma_start3A_89 = tpu.memref_squeeze %dma_start3A_88 : memref<1x1x1024xf32, #tpu.memory_space<vmem>> -> memref<1x1024xf32, #tpu.memory_space<vmem>>
      %dma_start3A_90 = arith.constant 0 : i32
      %dma_start3A_91 = arith.constant 0 : i32
      %dma_start3A_92 = tpu.memref_slice %arg4[%run_scoped3A_8, %add3A, %dma_start3A_90, %dma_start3A_91] : memref<3x32x1x1024xf32, #tpu.memory_space<hbm>> -> memref<1x1x1x1024xf32, #tpu.memory_space<hbm>>
      %dma_start3A_93 = tpu.memref_squeeze %dma_start3A_92 : memref<1x1x1x1024xf32, #tpu.memory_space<hbm>> -> memref<1x1024xf32, #tpu.memory_space<hbm>>
      tpu.enqueue_dma source(%dma_start3A_93 : memref<1x1024xf32, #tpu.memory_space<hbm>>) target(%dma_start3A_89 : memref<1x1024xf32, #tpu.memory_space<vmem>>) target_semaphore(%run_scoped3A_77 : memref<!tpu.dma_semaphore, #tpu.memory_space<semaphore_mem>>)
      %dma_wait3A_94 = arith.constant 0 : i32
      %dma_wait3A_95 = arith.constant 0 : i32
      %dma_wait3A_96 = tpu.memref_slice %arg7[%run_scoped3A_9, %dma_wait3A_94, %dma_wait3A_95] : memref<3x1x1040xf32, #tpu.memory_space<vmem>> -> memref<1x1x1024xf32, #tpu.memory_space<vmem>>
      %dma_wait3A_97 = tpu.memref_squeeze %dma_wait3A_96 : memref<1x1x1024xf32, #tpu.memory_space<vmem>> -> memref<1x1024xf32, #tpu.memory_space<vmem>>
      %dma_wait3A_98 = arith.constant 0 : i32
      %dma_wait3A_99 = arith.constant 0 : i32
      %dma_wait3A_100 = tpu.memref_slice %arg4[%run_scoped3A_8, %add3A, %dma_wait3A_98, %dma_wait3A_99] : memref<3x32x1x1024xf32, #tpu.memory_space<hbm>> -> memref<1x1x1x1024xf32, #tpu.memory_space<hbm>>
      %dma_wait3A_101 = tpu.memref_squeeze %dma_wait3A_100 : memref<1x1x1x1024xf32, #tpu.memory_space<hbm>> -> memref<1x1024xf32, #tpu.memory_space<hbm>>
      %dma_wait3A_102 = arith.constant 0 : i32
      %dma_wait3A_103 = arith.constant 0 : i32
      %dma_wait3A_104 = tpu.memref_slice %arg7[%run_scoped3A_9, %dma_wait3A_102, %dma_wait3A_103] : memref<3x1x1040xf32, #tpu.memory_space<vmem>> -> memref<1x1x1024xf32, #tpu.memory_space<vmem>>
      %dma_wait3A_105 = tpu.memref_squeeze %dma_wait3A_104 : memref<1x1x1024xf32, #tpu.memory_space<vmem>> -> memref<1x1024xf32, #tpu.memory_space<vmem>>
      %dma_wait3A_106 = arith.constant 0 : i32
      %dma_wait3A_107 = arith.constant 0 : i32
      %dma_wait3A_108 = tpu.memref_slice %arg4[%run_scoped3A_8, %add3A, %dma_wait3A_106, %dma_wait3A_107] : memref<3x32x1x1024xf32, #tpu.memory_space<hbm>> -> memref<1x1x1x1024xf32, #tpu.memory_space<hbm>>
      %dma_wait3A_109 = tpu.memref_squeeze %dma_wait3A_108 : memref<1x1x1x1024xf32, #tpu.memory_space<hbm>> -> memref<1x1024xf32, #tpu.memory_space<hbm>>
      tpu.wait_dma2 semaphore(%run_scoped3A_77 : memref<!tpu.dma_semaphore, #tpu.memory_space<semaphore_mem>>) src(%dma_wait3A_109 : memref<1x1024xf32, #tpu.memory_space<hbm>>) dst(%dma_wait3A_105 : memref<1x1024xf32, #tpu.memory_space<vmem>>)
      tpu.yield
    }) : () -> ()
    %run_scoped3A_10 = arith.constant 2 : i32
    %run_scoped3A_11 = arith.constant 2 : i32
    "tpu.region"() ({
      %run_scoped3A_77 = tpu.sem_alloc : memref<!tpu.dma_semaphore, #tpu.memory_space<semaphore_mem>>
      %dma_start3A_78 = arith.constant 0 : i32
      %dma_start3A_79 = arith.constant 0 : i32
      %dma_start3A_80 = tpu.memref_slice %arg6[%run_scoped3A_11, %dma_start3A_78, %dma_start3A_79] : memref<3x32x32xi32, #tpu.memory_space<vmem>> -> memref<1x32x32xi32, #tpu.memory_space<vmem>>
      %dma_start3A_81 = tpu.memref_squeeze %dma_start3A_80 : memref<1x32x32xi32, #tpu.memory_space<vmem>> -> memref<32x32xi32, #tpu.memory_space<vmem>>
      %dma_start3A_82 = arith.constant 0 : i32
      %dma_start3A_83 = arith.constant 0 : i32
      %dma_start3A_84 = tpu.memref_slice %arg3[%run_scoped3A_10, %add3A, %dma_start3A_82, %dma_start3A_83] : memref<3x32x32x32xi32, #tpu.memory_space<hbm>> -> memref<1x1x32x32xi32, #tpu.memory_space<hbm>>
      %dma_start3A_85 = tpu.memref_squeeze %dma_start3A_84 : memref<1x1x32x32xi32, #tpu.memory_space<hbm>> -> memref<32x32xi32, #tpu.memory_space<hbm>>
      %dma_start3A_86 = arith.constant 0 : i32
      %dma_start3A_87 = arith.constant 0 : i32
      %dma_start3A_88 = tpu.memref_slice %arg6[%run_scoped3A_11, %dma_start3A_86, %dma_start3A_87] : memref<3x32x32xi32, #tpu.memory_space<vmem>> -> memref<1x32x32xi32, #tpu.memory_space<vmem>>
      %dma_start3A_89 = tpu.memref_squeeze %dma_start3A_88 : memref<1x32x32xi32, #tpu.memory_space<vmem>> -> memref<32x32xi32, #tpu.memory_space<vmem>>
      %dma_start3A_90 = arith.constant 0 : i32
      %dma_start3A_91 = arith.constant 0 : i32
      %dma_start3A_92 = tpu.memref_slice %arg3[%run_scoped3A_10, %add3A, %dma_start3A_90, %dma_start3A_91] : memref<3x32x32x32xi32, #tpu.memory_space<hbm>> -> memref<1x1x32x32xi32, #tpu.memory_space<hbm>>
      %dma_start3A_93 = tpu.memref_squeeze %dma_start3A_92 : memref<1x1x32x32xi32, #tpu.memory_space<hbm>> -> memref<32x32xi32, #tpu.memory_space<hbm>>
      tpu.enqueue_dma source(%dma_start3A_93 : memref<32x32xi32, #tpu.memory_space<hbm>>) target(%dma_start3A_89 : memref<32x32xi32, #tpu.memory_space<vmem>>) target_semaphore(%run_scoped3A_77 : memref<!tpu.dma_semaphore, #tpu.memory_space<semaphore_mem>>)
      %dma_wait3A_94 = arith.constant 0 : i32
      %dma_wait3A_95 = arith.constant 0 : i32
      %dma_wait3A_96 = tpu.memref_slice %arg6[%run_scoped3A_11, %dma_wait3A_94, %dma_wait3A_95] : memref<3x32x32xi32, #tpu.memory_space<vmem>> -> memref<1x32x32xi32, #tpu.memory_space<vmem>>
      %dma_wait3A_97 = tpu.memref_squeeze %dma_wait3A_96 : memref<1x32x32xi32, #tpu.memory_space<vmem>> -> memref<32x32xi32, #tpu.memory_space<vmem>>
      %dma_wait3A_98 = arith.constant 0 : i32
      %dma_wait3A_99 = arith.constant 0 : i32
      %dma_wait3A_100 = tpu.memref_slice %arg3[%run_scoped3A_10, %add3A, %dma_wait3A_98, %dma_wait3A_99] : memref<3x32x32x32xi32, #tpu.memory_space<hbm>> -> memref<1x1x32x32xi32, #tpu.memory_space<hbm>>
      %dma_wait3A_101 = tpu.memref_squeeze %dma_wait3A_100 : memref<1x1x32x32xi32, #tpu.memory_space<hbm>> -> memref<32x32xi32, #tpu.memory_space<hbm>>
      %dma_wait3A_102 = arith.constant 0 : i32
      %dma_wait3A_103 = arith.constant 0 : i32
      %dma_wait3A_104 = tpu.memref_slice %arg6[%run_scoped3A_11, %dma_wait3A_102, %dma_wait3A_103] : memref<3x32x32xi32, #tpu.memory_space<vmem>> -> memref<1x32x32xi32, #tpu.memory_space<vmem>>
      %dma_wait3A_105 = tpu.memref_squeeze %dma_wait3A_104 : memref<1x32x32xi32, #tpu.memory_space<vmem>> -> memref<32x32xi32, #tpu.memory_space<vmem>>
      %dma_wait3A_106 = arith.constant 0 : i32
      %dma_wait3A_107 = arith.constant 0 : i32
      %dma_wait3A_108 = tpu.memref_slice %arg3[%run_scoped3A_10, %add3A, %dma_wait3A_106, %dma_wait3A_107] : memref<3x32x32x32xi32, #tpu.memory_space<hbm>> -> memref<1x1x32x32xi32, #tpu.memory_space<hbm>>
      %dma_wait3A_109 = tpu.memref_squeeze %dma_wait3A_108 : memref<1x1x32x32xi32, #tpu.memory_space<hbm>> -> memref<32x32xi32, #tpu.memory_space<hbm>>
      tpu.wait_dma2 semaphore(%run_scoped3A_77 : memref<!tpu.dma_semaphore, #tpu.memory_space<semaphore_mem>>) src(%dma_wait3A_109 : memref<32x32xi32, #tpu.memory_space<hbm>>) dst(%dma_wait3A_105 : memref<32x32xi32, #tpu.memory_space<vmem>>)
      tpu.yield
    }) : () -> ()
    %run_scoped3A_12 = arith.constant 2 : i32
    %run_scoped3A_13 = arith.constant 2 : i32
    "tpu.region"() ({
      %run_scoped3A_77 = tpu.sem_alloc : memref<!tpu.dma_semaphore, #tpu.memory_space<semaphore_mem>>
      %dma_start3A_78 = arith.constant 0 : i32
      %dma_start3A_79 = arith.constant 0 : i32
      %dma_start3A_80 = tpu.memref_slice %arg7[%run_scoped3A_13, %dma_start3A_78, %dma_start3A_79] : memref<3x1x1040xf32, #tpu.memory_space<vmem>> -> memref<1x1x1024xf32, #tpu.memory_space<vmem>>
      %dma_start3A_81 = tpu.memref_squeeze %dma_start3A_80 : memref<1x1x1024xf32, #tpu.memory_space<vmem>> -> memref<1x1024xf32, #tpu.memory_space<vmem>>
      %dma_start3A_82 = arith.constant 0 : i32
      %dma_start3A_83 = arith.constant 0 : i32
      %dma_start3A_84 = tpu.memref_slice %arg4[%run_scoped3A_12, %add3A, %dma_start3A_82, %dma_start3A_83] : memref<3x32x1x1024xf32, #tpu.memory_space<hbm>> -> memref<1x1x1x1024xf32, #tpu.memory_space<hbm>>
      %dma_start3A_85 = tpu.memref_squeeze %dma_start3A_84 : memref<1x1x1x1024xf32, #tpu.memory_space<hbm>> -> memref<1x1024xf32, #tpu.memory_space<hbm>>
      %dma_start3A_86 = arith.constant 0 : i32
      %dma_start3A_87 = arith.constant 0 : i32
      %dma_start3A_88 = tpu.memref_slice %arg7[%run_scoped3A_13, %dma_start3A_86, %dma_start3A_87] : memref<3x1x1040xf32, #tpu.memory_space<vmem>> -> memref<1x1x1024xf32, #tpu.memory_space<vmem>>
      %dma_start3A_89 = tpu.memref_squeeze %dma_start3A_88 : memref<1x1x1024xf32, #tpu.memory_space<vmem>> -> memref<1x1024xf32, #tpu.memory_space<vmem>>
      %dma_start3A_90 = arith.constant 0 : i32
      %dma_start3A_91 = arith.constant 0 : i32
      %dma_start3A_92 = tpu.memref_slice %arg4[%run_scoped3A_12, %add3A, %dma_start3A_90, %dma_start3A_91] : memref<3x32x1x1024xf32, #tpu.memory_space<hbm>> -> memref<1x1x1x1024xf32, #tpu.memory_space<hbm>>
      %dma_start3A_93 = tpu.memref_squeeze %dma_start3A_92 : memref<1x1x1x1024xf32, #tpu.memory_space<hbm>> -> memref<1x1024xf32, #tpu.memory_space<hbm>>
      tpu.enqueue_dma source(%dma_start3A_93 : memref<1x1024xf32, #tpu.memory_space<hbm>>) target(%dma_start3A_89 : memref<1x1024xf32, #tpu.memory_space<vmem>>) target_semaphore(%run_scoped3A_77 : memref<!tpu.dma_semaphore, #tpu.memory_space<semaphore_mem>>)
      %dma_wait3A_94 = arith.constant 0 : i32
      %dma_wait3A_95 = arith.constant 0 : i32
      %dma_wait3A_96 = tpu.memref_slice %arg7[%run_scoped3A_13, %dma_wait3A_94, %dma_wait3A_95] : memref<3x1x1040xf32, #tpu.memory_space<vmem>> -> memref<1x1x1024xf32, #tpu.memory_space<vmem>>
      %dma_wait3A_97 = tpu.memref_squeeze %dma_wait3A_96 : memref<1x1x1024xf32, #tpu.memory_space<vmem>> -> memref<1x1024xf32, #tpu.memory_space<vmem>>
      %dma_wait3A_98 = arith.constant 0 : i32
      %dma_wait3A_99 = arith.constant 0 : i32
      %dma_wait3A_100 = tpu.memref_slice %arg4[%run_scoped3A_12, %add3A, %dma_wait3A_98, %dma_wait3A_99] : memref<3x32x1x1024xf32, #tpu.memory_space<hbm>> -> memref<1x1x1x1024xf32, #tpu.memory_space<hbm>>
      %dma_wait3A_101 = tpu.memref_squeeze %dma_wait3A_100 : memref<1x1x1x1024xf32, #tpu.memory_space<hbm>> -> memref<1x1024xf32, #tpu.memory_space<hbm>>
      %dma_wait3A_102 = arith.constant 0 : i32
      %dma_wait3A_103 = arith.constant 0 : i32
      %dma_wait3A_104 = tpu.memref_slice %arg7[%run_scoped3A_13, %dma_wait3A_102, %dma_wait3A_103] : memref<3x1x1040xf32, #tpu.memory_space<vmem>> -> memref<1x1x1024xf32, #tpu.memory_space<vmem>>
      %dma_wait3A_105 = tpu.memref_squeeze %dma_wait3A_104 : memref<1x1x1024xf32, #tpu.memory_space<vmem>> -> memref<1x1024xf32, #tpu.memory_space<vmem>>
      %dma_wait3A_106 = arith.constant 0 : i32
      %dma_wait3A_107 = arith.constant 0 : i32
      %dma_wait3A_108 = tpu.memref_slice %arg4[%run_scoped3A_12, %add3A, %dma_wait3A_106, %dma_wait3A_107] : memref<3x32x1x1024xf32, #tpu.memory_space<hbm>> -> memref<1x1x1x1024xf32, #tpu.memory_space<hbm>>
      %dma_wait3A_109 = tpu.memref_squeeze %dma_wait3A_108 : memref<1x1x1x1024xf32, #tpu.memory_space<hbm>> -> memref<1x1024xf32, #tpu.memory_space<hbm>>
      tpu.wait_dma2 semaphore(%run_scoped3A_77 : memref<!tpu.dma_semaphore, #tpu.memory_space<semaphore_mem>>) src(%dma_wait3A_109 : memref<1x1024xf32, #tpu.memory_space<hbm>>) dst(%dma_wait3A_105 : memref<1x1024xf32, #tpu.memory_space<vmem>>)
      tpu.yield
    }) : () -> ()
    %dma_start3A = arith.constant 0 : i32
    %dma_start3A_14 = arith.constant 0 : i32
    %dma_start3A_15 = arith.constant 0 : i32
    %dma_start3A_16 = tpu.memref_slice %arg6[%dma_start3A, %dma_start3A_14, %dma_start3A_15] : memref<3x32x32xi32, #tpu.memory_space<vmem>> -> memref<1x1x32xi32, #tpu.memory_space<vmem>>
    %dma_start3A_17 = tpu.memref_squeeze %dma_start3A_16 : memref<1x1x32xi32, #tpu.memory_space<vmem>> -> memref<32xi32, #tpu.memory_space<vmem>>
    %dma_start3A_18 = arith.constant 0 : i32
    %dma_start3A_19 = arith.constant 0 : i32
    %dma_start3A_20 = tpu.memref_slice %arg2[%dma_start3A_18, %dma_start3A_19] : memref<8192x256xf32, #tpu.memory_space<hbm>> -> memref<8192x256xf32, #tpu.memory_space<hbm>>
    tpu.enqueue_indirect_dma source(%dma_start3A_20 : memref<8192x256xf32, #tpu.memory_space<hbm>>) target(%arg8 : memref<32x256xf32, #tpu.memory_space<vmem>>) offsets(%dma_start3A_17 : memref<32xi32, #tpu.memory_space<vmem>>) semaphore(%arg16 : memref<!tpu.dma_semaphore, #tpu.memory_space<semaphore_mem>>)
    %dma_start3A_21 = arith.constant 1 : i32
    %dma_start3A_22 = arith.constant 0 : i32
    %dma_start3A_23 = arith.constant 0 : i32
    %dma_start3A_24 = tpu.memref_slice %arg6[%dma_start3A_21, %dma_start3A_22, %dma_start3A_23] : memref<3x32x32xi32, #tpu.memory_space<vmem>> -> memref<1x1x32xi32, #tpu.memory_space<vmem>>
    %dma_start3A_25 = tpu.memref_squeeze %dma_start3A_24 : memref<1x1x32xi32, #tpu.memory_space<vmem>> -> memref<32xi32, #tpu.memory_space<vmem>>
    %dma_start3A_26 = arith.constant 0 : i32
    %dma_start3A_27 = arith.constant 0 : i32
    %dma_start3A_28 = tpu.memref_slice %arg2[%dma_start3A_26, %dma_start3A_27] : memref<8192x256xf32, #tpu.memory_space<hbm>> -> memref<8192x256xf32, #tpu.memory_space<hbm>>
    tpu.enqueue_indirect_dma source(%dma_start3A_28 : memref<8192x256xf32, #tpu.memory_space<hbm>>) target(%arg9 : memref<32x256xf32, #tpu.memory_space<vmem>>) offsets(%dma_start3A_25 : memref<32xi32, #tpu.memory_space<vmem>>) semaphore(%arg16 : memref<!tpu.dma_semaphore, #tpu.memory_space<semaphore_mem>>)
    %dma_start3A_29 = arith.constant 2 : i32
    %dma_start3A_30 = arith.constant 0 : i32
    %dma_start3A_31 = arith.constant 0 : i32
    %dma_start3A_32 = tpu.memref_slice %arg6[%dma_start3A_29, %dma_start3A_30, %dma_start3A_31] : memref<3x32x32xi32, #tpu.memory_space<vmem>> -> memref<1x1x32xi32, #tpu.memory_space<vmem>>
    %dma_start3A_33 = tpu.memref_squeeze %dma_start3A_32 : memref<1x1x32xi32, #tpu.memory_space<vmem>> -> memref<32xi32, #tpu.memory_space<vmem>>
    %dma_start3A_34 = arith.constant 0 : i32
    %dma_start3A_35 = arith.constant 0 : i32
    %dma_start3A_36 = tpu.memref_slice %arg2[%dma_start3A_34, %dma_start3A_35] : memref<8192x256xf32, #tpu.memory_space<hbm>> -> memref<8192x256xf32, #tpu.memory_space<hbm>>
    tpu.enqueue_indirect_dma source(%dma_start3A_36 : memref<8192x256xf32, #tpu.memory_space<hbm>>) target(%arg10 : memref<32x256xf32, #tpu.memory_space<vmem>>) offsets(%dma_start3A_33 : memref<32xi32, #tpu.memory_space<vmem>>) semaphore(%arg16 : memref<!tpu.dma_semaphore, #tpu.memory_space<semaphore_mem>>)
    %dma_start3A_37 = arith.constant 0 : i32
    %dma_start3A_38 = arith.constant 1 : i32
    %dma_start3A_39 = arith.constant 0 : i32
    %dma_start3A_40 = tpu.memref_slice %arg6[%dma_start3A_37, %dma_start3A_38, %dma_start3A_39] : memref<3x32x32xi32, #tpu.memory_space<vmem>> -> memref<1x1x32xi32, #tpu.memory_space<vmem>>
    %dma_start3A_41 = tpu.memref_squeeze %dma_start3A_40 : memref<1x1x32xi32, #tpu.memory_space<vmem>> -> memref<32xi32, #tpu.memory_space<vmem>>
    %dma_start3A_42 = arith.constant 0 : i32
    %dma_start3A_43 = arith.constant 0 : i32
    %dma_start3A_44 = tpu.memref_slice %arg2[%dma_start3A_42, %dma_start3A_43] : memref<8192x256xf32, #tpu.memory_space<hbm>> -> memref<8192x256xf32, #tpu.memory_space<hbm>>
    tpu.enqueue_indirect_dma source(%dma_start3A_44 : memref<8192x256xf32, #tpu.memory_space<hbm>>) target(%arg11 : memref<32x256xf32, #tpu.memory_space<vmem>>) offsets(%dma_start3A_41 : memref<32xi32, #tpu.memory_space<vmem>>) semaphore(%arg17 : memref<!tpu.dma_semaphore, #tpu.memory_space<semaphore_mem>>)
    %dma_start3A_45 = arith.constant 1 : i32
    %dma_start3A_46 = arith.constant 1 : i32
    %dma_start3A_47 = arith.constant 0 : i32
    %dma_start3A_48 = tpu.memref_slice %arg6[%dma_start3A_45, %dma_start3A_46, %dma_start3A_47] : memref<3x32x32xi32, #tpu.memory_space<vmem>> -> memref<1x1x32xi32, #tpu.memory_space<vmem>>
    %dma_start3A_49 = tpu.memref_squeeze %dma_start3A_48 : memref<1x1x32xi32, #tpu.memory_space<vmem>> -> memref<32xi32, #tpu.memory_space<vmem>>
    %dma_start3A_50 = arith.constant 0 : i32
    %dma_start3A_51 = arith.constant 0 : i32
    %dma_start3A_52 = tpu.memref_slice %arg2[%dma_start3A_50, %dma_start3A_51] : memref<8192x256xf32, #tpu.memory_space<hbm>> -> memref<8192x256xf32, #tpu.memory_space<hbm>>
    tpu.enqueue_indirect_dma source(%dma_start3A_52 : memref<8192x256xf32, #tpu.memory_space<hbm>>) target(%arg12 : memref<32x256xf32, #tpu.memory_space<vmem>>) offsets(%dma_start3A_49 : memref<32xi32, #tpu.memory_space<vmem>>) semaphore(%arg17 : memref<!tpu.dma_semaphore, #tpu.memory_space<semaphore_mem>>)
    %dma_start3A_53 = arith.constant 2 : i32
    %dma_start3A_54 = arith.constant 1 : i32
    %dma_start3A_55 = arith.constant 0 : i32
    %dma_start3A_56 = tpu.memref_slice %arg6[%dma_start3A_53, %dma_start3A_54, %dma_start3A_55] : memref<3x32x32xi32, #tpu.memory_space<vmem>> -> memref<1x1x32xi32, #tpu.memory_space<vmem>>
    %dma_start3A_57 = tpu.memref_squeeze %dma_start3A_56 : memref<1x1x32xi32, #tpu.memory_space<vmem>> -> memref<32xi32, #tpu.memory_space<vmem>>
    %dma_start3A_58 = arith.constant 0 : i32
    %dma_start3A_59 = arith.constant 0 : i32
    %dma_start3A_60 = tpu.memref_slice %arg2[%dma_start3A_58, %dma_start3A_59] : memref<8192x256xf32, #tpu.memory_space<hbm>> -> memref<8192x256xf32, #tpu.memory_space<hbm>>
    tpu.enqueue_indirect_dma source(%dma_start3A_60 : memref<8192x256xf32, #tpu.memory_space<hbm>>) target(%arg13 : memref<32x256xf32, #tpu.memory_space<vmem>>) offsets(%dma_start3A_57 : memref<32xi32, #tpu.memory_space<vmem>>) semaphore(%arg17 : memref<!tpu.dma_semaphore, #tpu.memory_space<semaphore_mem>>)
    %scan3A = arith.constant 0 : i32
    %scan3A_61 = arith.constant 0 : i32
    %scan3A_62 = arith.constant 16 : i32
    %scan3A_63 = arith.addi %scan3A_61, %scan3A_62 : i32
    %scan3A_64 = arith.constant 1 : i32
    scf.for %scan3A_77 = %scan3A_61 to %scan3A_63 step %scan3A_64  : i32 {
      %mul3A_78 = arith.constant 2 : i32
      %mul3A_79 = arith.muli %mul3A_78, %scan3A_77 : i32
      %add3A_80 = arith.constant 0 : i32
      %add3A_81 = arith.addi %mul3A_79, %add3A_80 : i32
      %dma_wait3A_82 = arith.constant 0 : i32
      %dma_wait3A_83 = arith.constant 0 : i32
      %dma_wait3A_84 = tpu.memref_slice %arg2[%dma_wait3A_82, %dma_wait3A_83] : memref<8192x256xf32, #tpu.memory_space<hbm>> -> memref<32x256xf32, #tpu.memory_space<hbm>>
      %dma_wait3A_85 = arith.constant 0 : i32
      %dma_wait3A_86 = arith.constant 0 : i32
      %dma_wait3A_87 = tpu.memref_slice %arg2[%dma_wait3A_85, %dma_wait3A_86] : memref<8192x256xf32, #tpu.memory_space<hbm>> -> memref<32x256xf32, #tpu.memory_space<hbm>>
      tpu.wait_dma2 semaphore(%arg16 : memref<!tpu.dma_semaphore, #tpu.memory_space<semaphore_mem>>) src(%dma_wait3A_87 : memref<32x256xf32, #tpu.memory_space<hbm>>) dst(%arg8 : memref<32x256xf32, #tpu.memory_space<vmem>>)
      %dma_wait3A_88 = arith.constant 0 : i32
      %dma_wait3A_89 = arith.constant 0 : i32
      %dma_wait3A_90 = tpu.memref_slice %arg2[%dma_wait3A_88, %dma_wait3A_89] : memref<8192x256xf32, #tpu.memory_space<hbm>> -> memref<32x256xf32, #tpu.memory_space<hbm>>
      %dma_wait3A_91 = arith.constant 0 : i32
      %dma_wait3A_92 = arith.constant 0 : i32
      %dma_wait3A_93 = tpu.memref_slice %arg2[%dma_wait3A_91, %dma_wait3A_92] : memref<8192x256xf32, #tpu.memory_space<hbm>> -> memref<32x256xf32, #tpu.memory_space<hbm>>
      tpu.wait_dma2 semaphore(%arg16 : memref<!tpu.dma_semaphore, #tpu.memory_space<semaphore_mem>>) src(%dma_wait3A_93 : memref<32x256xf32, #tpu.memory_space<hbm>>) dst(%arg9 : memref<32x256xf32, #tpu.memory_space<vmem>>)
      %dma_wait3A_94 = arith.constant 0 : i32
      %dma_wait3A_95 = arith.constant 0 : i32
      %dma_wait3A_96 = tpu.memref_slice %arg2[%dma_wait3A_94, %dma_wait3A_95] : memref<8192x256xf32, #tpu.memory_space<hbm>> -> memref<32x256xf32, #tpu.memory_space<hbm>>
      %dma_wait3A_97 = arith.constant 0 : i32
      %dma_wait3A_98 = arith.constant 0 : i32
      %dma_wait3A_99 = tpu.memref_slice %arg2[%dma_wait3A_97, %dma_wait3A_98] : memref<8192x256xf32, #tpu.memory_space<hbm>> -> memref<32x256xf32, #tpu.memory_space<hbm>>
      tpu.wait_dma2 semaphore(%arg16 : memref<!tpu.dma_semaphore, #tpu.memory_space<semaphore_mem>>) src(%dma_wait3A_99 : memref<32x256xf32, #tpu.memory_space<hbm>>) dst(%arg10 : memref<32x256xf32, #tpu.memory_space<vmem>>)
      %gt3A = arith.constant 0 : i32
      %gt3A_100 = arith.cmpi sgt, %scan3A_77, %gt3A : i32
      %convert_element_type3A = arith.extui %gt3A_100 : i1 to i32
      %cond3A = arith.constant 0 : i32
      %cond3A_101 = arith.cmpi ne, %convert_element_type3A, %cond3A : i32
      scf.if %cond3A_101 {
        %dma_wait3A_166 = arith.constant 0 : i32
        %dma_wait3A_167 = arith.constant 0 : i32
        %dma_wait3A_168 = tpu.memref_slice %arg2[%dma_wait3A_166, %dma_wait3A_167] : memref<8192x256xf32, #tpu.memory_space<hbm>> -> memref<32x256xf32, #tpu.memory_space<hbm>>
        %dma_wait3A_169 = arith.constant 0 : i32
        %dma_wait3A_170 = arith.constant 0 : i32
        %dma_wait3A_171 = tpu.memref_slice %arg2[%dma_wait3A_169, %dma_wait3A_170] : memref<8192x256xf32, #tpu.memory_space<hbm>> -> memref<32x256xf32, #tpu.memory_space<hbm>>
        tpu.wait_dma2 semaphore(%arg18 : memref<!tpu.dma_semaphore, #tpu.memory_space<semaphore_mem>>) src(%dma_wait3A_171 : memref<32x256xf32, #tpu.memory_space<hbm>>) dst(%arg14 : memref<32x256xf32, #tpu.memory_space<vmem>>)
      } else {
      }
      %scan3A_102 = arith.constant 0 : i32
      %scan3A_103 = arith.constant 0 : i32
      %scan3A_104 = arith.constant 32 : i32
      %scan3A_105 = arith.addi %scan3A_103, %scan3A_104 : i32
      %scan3A_106 = arith.constant 1 : i32
      scf.for %scan3A_166 = %scan3A_103 to %scan3A_105 step %scan3A_106  : i32 {
        %mul3A_167 = arith.constant 32 : i32
        %mul3A_168 = arith.muli %add3A_81, %mul3A_167 : i32
        %add3A_169 = arith.addi %mul3A_168, %scan3A_166 : i32
        %get3A = arith.constant 0 : i32
        %get3A_170 = arith.constant 0 : i32
        %get3A_171 = arith.index_cast %get3A : i32 to index
        %get3A_172 = arith.index_cast %get3A_170 : i32 to index
        %get3A_173 = arith.index_cast %add3A_169 : i32 to index
        %get3A_174 = tpu.vector_load %arg7[%get3A_171, %get3A_172, %get3A_173] {strides = array<i32>} : memref<3x1x1040xf32, #tpu.memory_space<vmem>>, vector<1x1x16xf32>,
        %get3A_175 = vector.shape_cast %get3A_174 : vector<1x1x16xf32> to vector<16xf32>
        %slice3A = vector.extract_strided_slice %get3A_175 {offsets = [0], sizes = [1], strides = [1]} : vector<16xf32> to vector<1xf32>
        %squeeze3A = vector.extract %slice3A[0] : f32 from vector<1xf32>
        %broadcast_in_dim3A = vector.broadcast %squeeze3A : f32 to vector<16xf32>
        %get3A_176 = arith.constant 1 : i32
        %get3A_177 = arith.constant 0 : i32
        %get3A_178 = arith.index_cast %get3A_176 : i32 to index
        %get3A_179 = arith.index_cast %get3A_177 : i32 to index
        %get3A_180 = arith.index_cast %add3A_169 : i32 to index
        %get3A_181 = tpu.vector_load %arg7[%get3A_178, %get3A_179, %get3A_180] {strides = array<i32>} : memref<3x1x1040xf32, #tpu.memory_space<vmem>>, vector<1x1x16xf32>,
        %get3A_182 = vector.shape_cast %get3A_181 : vector<1x1x16xf32> to vector<16xf32>
        %slice3A_183 = vector.extract_strided_slice %get3A_182 {offsets = [0], sizes = [1], strides = [1]} : vector<16xf32> to vector<1xf32>
        %squeeze3A_184 = vector.extract %slice3A_183[0] : f32 from vector<1xf32>
        %broadcast_in_dim3A_185 = vector.broadcast %squeeze3A_184 : f32 to vector<16xf32>
        %get3A_186 = arith.constant 2 : i32
        %get3A_187 = arith.constant 0 : i32
        %get3A_188 = arith.index_cast %get3A_186 : i32 to index
        %get3A_189 = arith.index_cast %get3A_187 : i32 to index
        %get3A_190 = arith.index_cast %add3A_169 : i32 to index
        %get3A_191 = tpu.vector_load %arg7[%get3A_188, %get3A_189, %get3A_190] {strides = array<i32>} : memref<3x1x1040xf32, #tpu.memory_space<vmem>>, vector<1x1x16xf32>,
        %get3A_192 = vector.shape_cast %get3A_191 : vector<1x1x16xf32> to vector<16xf32>
        %slice3A_193 = vector.extract_strided_slice %get3A_192 {offsets = [0], sizes = [1], strides = [1]} : vector<16xf32> to vector<1xf32>
        %squeeze3A_194 = vector.extract %slice3A_193[0] : f32 from vector<1xf32>
        %broadcast_in_dim3A_195 = vector.broadcast %squeeze3A_194 : f32 to vector<16xf32>
        %get3A_196 = arith.index_cast %scan3A_166 : i32 to index
        %get3A_197 = arith.constant 0 : index
        %get3A_198 = tpu.vector_load %arg8[%get3A_196, %get3A_197] {strides = array<i32>} : memref<32x256xf32, #tpu.memory_space<vmem>>, vector<1x16xf32>,
        %get3A_199 = vector.shape_cast %get3A_198 : vector<1x16xf32> to vector<16xf32>
        %mul3A_200 = arith.mulf %broadcast_in_dim3A, %get3A_199 : vector<16xf32>
        %get3A_201 = arith.index_cast %scan3A_166 : i32 to index
        %get3A_202 = arith.constant 0 : index
        %get3A_203 = tpu.vector_load %arg9[%get3A_201, %get3A_202] {strides = array<i32>} : memref<32x256xf32, #tpu.memory_space<vmem>>, vector<1x16xf32>,
        %get3A_204 = vector.shape_cast %get3A_203 : vector<1x16xf32> to vector<16xf32>
        %mul3A_205 = arith.mulf %broadcast_in_dim3A_185, %get3A_204 : vector<16xf32>
        %add3A_206 = arith.addf %mul3A_200, %mul3A_205 : vector<16xf32>
        %get3A_207 = arith.index_cast %scan3A_166 : i32 to index
        %get3A_208 = arith.constant 0 : index
        %get3A_209 = tpu.vector_load %arg10[%get3A_207, %get3A_208] {strides = array<i32>} : memref<32x256xf32, #tpu.memory_space<vmem>>, vector<1x16xf32>,
        %get3A_210 = vector.shape_cast %get3A_209 : vector<1x16xf32> to vector<16xf32>
        %mul3A_211 = arith.mulf %broadcast_in_dim3A_195, %get3A_210 : vector<16xf32>
        %add3A_212 = arith.addf %add3A_206, %mul3A_211 : vector<16xf32>
        %swap3A = arith.index_cast %scan3A_166 : i32 to index
        %swap3A_213 = arith.constant 0 : index
        %swap3A_214 = tpu.vector_load %arg14[%swap3A, %swap3A_213] {strides = array<i32>} : memref<32x256xf32, #tpu.memory_space<vmem>>, vector<1x16xf32>,
        %swap3A_215 = vector.shape_cast %swap3A_214 : vector<1x16xf32> to vector<16xf32>
        %swap3A_216 = vector.shape_cast %add3A_212 : vector<16xf32> to vector<1x16xf32>
        tpu.vector_store %arg14[%swap3A, %swap3A_213], %swap3A_216 {strides = array<i32>} : memref<32x256xf32, #tpu.memory_space<vmem>>, vector<1x16xf32>,
        %get3A_217 = arith.index_cast %scan3A_166 : i32 to index
        %get3A_218 = arith.constant 16 : index
        %get3A_219 = tpu.vector_load %arg8[%get3A_217, %get3A_218] {strides = array<i32>} : memref<32x256xf32, #tpu.memory_space<vmem>>, vector<1x16xf32>,
        %get3A_220 = vector.shape_cast %get3A_219 : vector<1x16xf32> to vector<16xf32>
        %mul3A_221 = arith.mulf %broadcast_in_dim3A, %get3A_220 : vector<16xf32>
        %get3A_222 = arith.index_cast %scan3A_166 : i32 to index
        %get3A_223 = arith.constant 16 : index
        %get3A_224 = tpu.vector_load %arg9[%get3A_222, %get3A_223] {strides = array<i32>} : memref<32x256xf32, #tpu.memory_space<vmem>>, vector<1x16xf32>,
        %get3A_225 = vector.shape_cast %get3A_224 : vector<1x16xf32> to vector<16xf32>
        %mul3A_226 = arith.mulf %broadcast_in_dim3A_185, %get3A_225 : vector<16xf32>
        %add3A_227 = arith.addf %mul3A_221, %mul3A_226 : vector<16xf32>
        %get3A_228 = arith.index_cast %scan3A_166 : i32 to index
        %get3A_229 = arith.constant 16 : index
        %get3A_230 = tpu.vector_load %arg10[%get3A_228, %get3A_229] {strides = array<i32>} : memref<32x256xf32, #tpu.memory_space<vmem>>, vector<1x16xf32>,
        %get3A_231 = vector.shape_cast %get3A_230 : vector<1x16xf32> to vector<16xf32>
        %mul3A_232 = arith.mulf %broadcast_in_dim3A_195, %get3A_231 : vector<16xf32>
        %add3A_233 = arith.addf %add3A_227, %mul3A_232 : vector<16xf32>
        %swap3A_234 = arith.index_cast %scan3A_166 : i32 to index
        %swap3A_235 = arith.constant 16 : index
        %swap3A_236 = tpu.vector_load %arg14[%swap3A_234, %swap3A_235] {strides = array<i32>} : memref<32x256xf32, #tpu.memory_space<vmem>>, vector<1x16xf32>,
        %swap3A_237 = vector.shape_cast %swap3A_236 : vector<1x16xf32> to vector<16xf32>
        %swap3A_238 = vector.shape_cast %add3A_233 : vector<16xf32> to vector<1x16xf32>
        tpu.vector_store %arg14[%swap3A_234, %swap3A_235], %swap3A_238 {strides = array<i32>} : memref<32x256xf32, #tpu.memory_space<vmem>>, vector<1x16xf32>,
        %get3A_239 = arith.index_cast %scan3A_166 : i32 to index
        %get3A_240 = arith.constant 32 : index
        %get3A_241 = tpu.vector_load %arg8[%get3A_239, %get3A_240] {strides = array<i32>} : memref<32x256xf32, #tpu.memory_space<vmem>>, vector<1x16xf32>,
        %get3A_242 = vector.shape_cast %get3A_241 : vector<1x16xf32> to vector<16xf32>
        %mul3A_243 = arith.mulf %broadcast_in_dim3A, %get3A_242 : vector<16xf32>
        %get3A_244 = arith.index_cast %scan3A_166 : i32 to index
        %get3A_245 = arith.constant 32 : index
        %get3A_246 = tpu.vector_load %arg9[%get3A_244, %get3A_245] {strides = array<i32>} : memref<32x256xf32, #tpu.memory_space<vmem>>, vector<1x16xf32>,
        %get3A_247 = vector.shape_cast %get3A_246 : vector<1x16xf32> to vector<16xf32>
        %mul3A_248 = arith.mulf %broadcast_in_dim3A_185, %get3A_247 : vector<16xf32>
        %add3A_249 = arith.addf %mul3A_243, %mul3A_248 : vector<16xf32>
        %get3A_250 = arith.index_cast %scan3A_166 : i32 to index
        %get3A_251 = arith.constant 32 : index
        %get3A_252 = tpu.vector_load %arg10[%get3A_250, %get3A_251] {strides = array<i32>} : memref<32x256xf32, #tpu.memory_space<vmem>>, vector<1x16xf32>,
        %get3A_253 = vector.shape_cast %get3A_252 : vector<1x16xf32> to vector<16xf32>
        %mul3A_254 = arith.mulf %broadcast_in_dim3A_195, %get3A_253 : vector<16xf32>
        %add3A_255 = arith.addf %add3A_249, %mul3A_254 : vector<16xf32>
        %swap3A_256 = arith.index_cast %scan3A_166 : i32 to index
        %swap3A_257 = arith.constant 32 : index
        %swap3A_258 = tpu.vector_load %arg14[%swap3A_256, %swap3A_257] {strides = array<i32>} : memref<32x256xf32, #tpu.memory_space<vmem>>, vector<1x16xf32>,
        %swap3A_259 = vector.shape_cast %swap3A_258 : vector<1x16xf32> to vector<16xf32>
        %swap3A_260 = vector.shape_cast %add3A_255 : vector<16xf32> to vector<1x16xf32>
        tpu.vector_store %arg14[%swap3A_256, %swap3A_257], %swap3A_260 {strides = array<i32>} : memref<32x256xf32, #tpu.memory_space<vmem>>, vector<1x16xf32>,
        %get3A_261 = arith.index_cast %scan3A_166 : i32 to index
        %get3A_262 = arith.constant 48 : index
        %get3A_263 = tpu.vector_load %arg8[%get3A_261, %get3A_262] {strides = array<i32>} : memref<32x256xf32, #tpu.memory_space<vmem>>, vector<1x16xf32>,
        %get3A_264 = vector.shape_cast %get3A_263 : vector<1x16xf32> to vector<16xf32>
        %mul3A_265 = arith.mulf %broadcast_in_dim3A, %get3A_264 : vector<16xf32>
        %get3A_266 = arith.index_cast %scan3A_166 : i32 to index
        %get3A_267 = arith.constant 48 : index
        %get3A_268 = tpu.vector_load %arg9[%get3A_266, %get3A_267] {strides = array<i32>} : memref<32x256xf32, #tpu.memory_space<vmem>>, vector<1x16xf32>,
        %get3A_269 = vector.shape_cast %get3A_268 : vector<1x16xf32> to vector<16xf32>
        %mul3A_270 = arith.mulf %broadcast_in_dim3A_185, %get3A_269 : vector<16xf32>
        %add3A_271 = arith.addf %mul3A_265, %mul3A_270 : vector<16xf32>
        %get3A_272 = arith.index_cast %scan3A_166 : i32 to index
        %get3A_273 = arith.constant 48 : index
        %get3A_274 = tpu.vector_load %arg10[%get3A_272, %get3A_273] {strides = array<i32>} : memref<32x256xf32, #tpu.memory_space<vmem>>, vector<1x16xf32>,
        %get3A_275 = vector.shape_cast %get3A_274 : vector<1x16xf32> to vector<16xf32>
        %mul3A_276 = arith.mulf %broadcast_in_dim3A_195, %get3A_275 : vector<16xf32>
        %add3A_277 = arith.addf %add3A_271, %mul3A_276 : vector<16xf32>
        %swap3A_278 = arith.index_cast %scan3A_166 : i32 to index
        %swap3A_279 = arith.constant 48 : index
        %swap3A_280 = tpu.vector_load %arg14[%swap3A_278, %swap3A_279] {strides = array<i32>} : memref<32x256xf32, #tpu.memory_space<vmem>>, vector<1x16xf32>,
        %swap3A_281 = vector.shape_cast %swap3A_280 : vector<1x16xf32> to vector<16xf32>
        %swap3A_282 = vector.shape_cast %add3A_277 : vector<16xf32> to vector<1x16xf32>
        tpu.vector_store %arg14[%swap3A_278, %swap3A_279], %swap3A_282 {strides = array<i32>} : memref<32x256xf32, #tpu.memory_space<vmem>>, vector<1x16xf32>,
        %get3A_283 = arith.index_cast %scan3A_166 : i32 to index
        %get3A_284 = arith.constant 64 : index
        %get3A_285 = tpu.vector_load %arg8[%get3A_283, %get3A_284] {strides = array<i32>} : memref<32x256xf32, #tpu.memory_space<vmem>>, vector<1x16xf32>,
        %get3A_286 = vector.shape_cast %get3A_285 : vector<1x16xf32> to vector<16xf32>
        %mul3A_287 = arith.mulf %broadcast_in_dim3A, %get3A_286 : vector<16xf32>
        %get3A_288 = arith.index_cast %scan3A_166 : i32 to index
        %get3A_289 = arith.constant 64 : index
        %get3A_290 = tpu.vector_load %arg9[%get3A_288, %get3A_289] {strides = array<i32>} : memref<32x256xf32, #tpu.memory_space<vmem>>, vector<1x16xf32>,
        %get3A_291 = vector.shape_cast %get3A_290 : vector<1x16xf32> to vector<16xf32>
        %mul3A_292 = arith.mulf %broadcast_in_dim3A_185, %get3A_291 : vector<16xf32>
        %add3A_293 = arith.addf %mul3A_287, %mul3A_292 : vector<16xf32>
        %get3A_294 = arith.index_cast %scan3A_166 : i32 to index
        %get3A_295 = arith.constant 64 : index
        %get3A_296 = tpu.vector_load %arg10[%get3A_294, %get3A_295] {strides = array<i32>} : memref<32x256xf32, #tpu.memory_space<vmem>>, vector<1x16xf32>,
        %get3A_297 = vector.shape_cast %get3A_296 : vector<1x16xf32> to vector<16xf32>
        %mul3A_298 = arith.mulf %broadcast_in_dim3A_195, %get3A_297 : vector<16xf32>
        %add3A_299 = arith.addf %add3A_293, %mul3A_298 : vector<16xf32>
        %swap3A_300 = arith.index_cast %scan3A_166 : i32 to index
        %swap3A_301 = arith.constant 64 : index
        %swap3A_302 = tpu.vector_load %arg14[%swap3A_300, %swap3A_301] {strides = array<i32>} : memref<32x256xf32, #tpu.memory_space<vmem>>, vector<1x16xf32>,
        %swap3A_303 = vector.shape_cast %swap3A_302 : vector<1x16xf32> to vector<16xf32>
        %swap3A_304 = vector.shape_cast %add3A_299 : vector<16xf32> to vector<1x16xf32>
        tpu.vector_store %arg14[%swap3A_300, %swap3A_301], %swap3A_304 {strides = array<i32>} : memref<32x256xf32, #tpu.memory_space<vmem>>, vector<1x16xf32>,
        %get3A_305 = arith.index_cast %scan3A_166 : i32 to index
        %get3A_306 = arith.constant 80 : index
        %get3A_307 = tpu.vector_load %arg8[%get3A_305, %get3A_306] {strides = array<i32>} : memref<32x256xf32, #tpu.memory_space<vmem>>, vector<1x16xf32>,
        %get3A_308 = vector.shape_cast %get3A_307 : vector<1x16xf32> to vector<16xf32>
        %mul3A_309 = arith.mulf %broadcast_in_dim3A, %get3A_308 : vector<16xf32>
        %get3A_310 = arith.index_cast %scan3A_166 : i32 to index
        %get3A_311 = arith.constant 80 : index
        %get3A_312 = tpu.vector_load %arg9[%get3A_310, %get3A_311] {strides = array<i32>} : memref<32x256xf32, #tpu.memory_space<vmem>>, vector<1x16xf32>,
        %get3A_313 = vector.shape_cast %get3A_312 : vector<1x16xf32> to vector<16xf32>
        %mul3A_314 = arith.mulf %broadcast_in_dim3A_185, %get3A_313 : vector<16xf32>
        %add3A_315 = arith.addf %mul3A_309, %mul3A_314 : vector<16xf32>
        %get3A_316 = arith.index_cast %scan3A_166 : i32 to index
        %get3A_317 = arith.constant 80 : index
        %get3A_318 = tpu.vector_load %arg10[%get3A_316, %get3A_317] {strides = array<i32>} : memref<32x256xf32, #tpu.memory_space<vmem>>, vector<1x16xf32>,
        %get3A_319 = vector.shape_cast %get3A_318 : vector<1x16xf32> to vector<16xf32>
        %mul3A_320 = arith.mulf %broadcast_in_dim3A_195, %get3A_319 : vector<16xf32>
        %add3A_321 = arith.addf %add3A_315, %mul3A_320 : vector<16xf32>
        %swap3A_322 = arith.index_cast %scan3A_166 : i32 to index
        %swap3A_323 = arith.constant 80 : index
        %swap3A_324 = tpu.vector_load %arg14[%swap3A_322, %swap3A_323] {strides = array<i32>} : memref<32x256xf32, #tpu.memory_space<vmem>>, vector<1x16xf32>,
        %swap3A_325 = vector.shape_cast %swap3A_324 : vector<1x16xf32> to vector<16xf32>
        %swap3A_326 = vector.shape_cast %add3A_321 : vector<16xf32> to vector<1x16xf32>
        tpu.vector_store %arg14[%swap3A_322, %swap3A_323], %swap3A_326 {strides = array<i32>} : memref<32x256xf32, #tpu.memory_space<vmem>>, vector<1x16xf32>,
        %get3A_327 = arith.index_cast %scan3A_166 : i32 to index
        %get3A_328 = arith.constant 96 : index
        %get3A_329 = tpu.vector_load %arg8[%get3A_327, %get3A_328] {strides = array<i32>} : memref<32x256xf32, #tpu.memory_space<vmem>>, vector<1x16xf32>,
        %get3A_330 = vector.shape_cast %get3A_329 : vector<1x16xf32> to vector<16xf32>
        %mul3A_331 = arith.mulf %broadcast_in_dim3A, %get3A_330 : vector<16xf32>
        %get3A_332 = arith.index_cast %scan3A_166 : i32 to index
        %get3A_333 = arith.constant 96 : index
        %get3A_334 = tpu.vector_load %arg9[%get3A_332, %get3A_333] {strides = array<i32>} : memref<32x256xf32, #tpu.memory_space<vmem>>, vector<1x16xf32>,
        %get3A_335 = vector.shape_cast %get3A_334 : vector<1x16xf32> to vector<16xf32>
        %mul3A_336 = arith.mulf %broadcast_in_dim3A_185, %get3A_335 : vector<16xf32>
        %add3A_337 = arith.addf %mul3A_331, %mul3A_336 : vector<16xf32>
        %get3A_338 = arith.index_cast %scan3A_166 : i32 to index
        %get3A_339 = arith.constant 96 : index
        %get3A_340 = tpu.vector_load %arg10[%get3A_338, %get3A_339] {strides = array<i32>} : memref<32x256xf32, #tpu.memory_space<vmem>>, vector<1x16xf32>,
        %get3A_341 = vector.shape_cast %get3A_340 : vector<1x16xf32> to vector<16xf32>
        %mul3A_342 = arith.mulf %broadcast_in_dim3A_195, %get3A_341 : vector<16xf32>
        %add3A_343 = arith.addf %add3A_337, %mul3A_342 : vector<16xf32>
        %swap3A_344 = arith.index_cast %scan3A_166 : i32 to index
        %swap3A_345 = arith.constant 96 : index
        %swap3A_346 = tpu.vector_load %arg14[%swap3A_344, %swap3A_345] {strides = array<i32>} : memref<32x256xf32, #tpu.memory_space<vmem>>, vector<1x16xf32>,
        %swap3A_347 = vector.shape_cast %swap3A_346 : vector<1x16xf32> to vector<16xf32>
        %swap3A_348 = vector.shape_cast %add3A_343 : vector<16xf32> to vector<1x16xf32>
        tpu.vector_store %arg14[%swap3A_344, %swap3A_345], %swap3A_348 {strides = array<i32>} : memref<32x256xf32, #tpu.memory_space<vmem>>, vector<1x16xf32>,
        %get3A_349 = arith.index_cast %scan3A_166 : i32 to index
        %get3A_350 = arith.constant 112 : index
        %get3A_351 = tpu.vector_load %arg8[%get3A_349, %get3A_350] {strides = array<i32>} : memref<32x256xf32, #tpu.memory_space<vmem>>, vector<1x16xf32>,
        %get3A_352 = vector.shape_cast %get3A_351 : vector<1x16xf32> to vector<16xf32>
        %mul3A_353 = arith.mulf %broadcast_in_dim3A, %get3A_352 : vector<16xf32>
        %get3A_354 = arith.index_cast %scan3A_166 : i32 to index
        %get3A_355 = arith.constant 112 : index
        %get3A_356 = tpu.vector_load %arg9[%get3A_354, %get3A_355] {strides = array<i32>} : memref<32x256xf32, #tpu.memory_space<vmem>>, vector<1x16xf32>,
        %get3A_357 = vector.shape_cast %get3A_356 : vector<1x16xf32> to vector<16xf32>
        %mul3A_358 = arith.mulf %broadcast_in_dim3A_185, %get3A_357 : vector<16xf32>
        %add3A_359 = arith.addf %mul3A_353, %mul3A_358 : vector<16xf32>
        %get3A_360 = arith.index_cast %scan3A_166 : i32 to index
        %get3A_361 = arith.constant 112 : index
        %get3A_362 = tpu.vector_load %arg10[%get3A_360, %get3A_361] {strides = array<i32>} : memref<32x256xf32, #tpu.memory_space<vmem>>, vector<1x16xf32>,
        %get3A_363 = vector.shape_cast %get3A_362 : vector<1x16xf32> to vector<16xf32>
        %mul3A_364 = arith.mulf %broadcast_in_dim3A_195, %get3A_363 : vector<16xf32>
        %add3A_365 = arith.addf %add3A_359, %mul3A_364 : vector<16xf32>
        %swap3A_366 = arith.index_cast %scan3A_166 : i32 to index
        %swap3A_367 = arith.constant 112 : index
        %swap3A_368 = tpu.vector_load %arg14[%swap3A_366, %swap3A_367] {strides = array<i32>} : memref<32x256xf32, #tpu.memory_space<vmem>>, vector<1x16xf32>,
        %swap3A_369 = vector.shape_cast %swap3A_368 : vector<1x16xf32> to vector<16xf32>
        %swap3A_370 = vector.shape_cast %add3A_365 : vector<16xf32> to vector<1x16xf32>
        tpu.vector_store %arg14[%swap3A_366, %swap3A_367], %swap3A_370 {strides = array<i32>} : memref<32x256xf32, #tpu.memory_space<vmem>>, vector<1x16xf32>,
        %get3A_371 = arith.index_cast %scan3A_166 : i32 to index
        %get3A_372 = arith.constant 128 : index
        %get3A_373 = tpu.vector_load %arg8[%get3A_371, %get3A_372] {strides = array<i32>} : memref<32x256xf32, #tpu.memory_space<vmem>>, vector<1x16xf32>,
        %get3A_374 = vector.shape_cast %get3A_373 : vector<1x16xf32> to vector<16xf32>
        %mul3A_375 = arith.mulf %broadcast_in_dim3A, %get3A_374 : vector<16xf32>
        %get3A_376 = arith.index_cast %scan3A_166 : i32 to index
        %get3A_377 = arith.constant 128 : index
        %get3A_378 = tpu.vector_load %arg9[%get3A_376, %get3A_377] {strides = array<i32>} : memref<32x256xf32, #tpu.memory_space<vmem>>, vector<1x16xf32>,
        %get3A_379 = vector.shape_cast %get3A_378 : vector<1x16xf32> to vector<16xf32>
        %mul3A_380 = arith.mulf %broadcast_in_dim3A_185, %get3A_379 : vector<16xf32>
        %add3A_381 = arith.addf %mul3A_375, %mul3A_380 : vector<16xf32>
        %get3A_382 = arith.index_cast %scan3A_166 : i32 to index
        %get3A_383 = arith.constant 128 : index
        %get3A_384 = tpu.vector_load %arg10[%get3A_382, %get3A_383] {strides = array<i32>} : memref<32x256xf32, #tpu.memory_space<vmem>>, vector<1x16xf32>,
        %get3A_385 = vector.shape_cast %get3A_384 : vector<1x16xf32> to vector<16xf32>
        %mul3A_386 = arith.mulf %broadcast_in_dim3A_195, %get3A_385 : vector<16xf32>
        %add3A_387 = arith.addf %add3A_381, %mul3A_386 : vector<16xf32>
        %swap3A_388 = arith.index_cast %scan3A_166 : i32 to index
        %swap3A_389 = arith.constant 128 : index
        %swap3A_390 = tpu.vector_load %arg14[%swap3A_388, %swap3A_389] {strides = array<i32>} : memref<32x256xf32, #tpu.memory_space<vmem>>, vector<1x16xf32>,
        %swap3A_391 = vector.shape_cast %swap3A_390 : vector<1x16xf32> to vector<16xf32>
        %swap3A_392 = vector.shape_cast %add3A_387 : vector<16xf32> to vector<1x16xf32>
        tpu.vector_store %arg14[%swap3A_388, %swap3A_389], %swap3A_392 {strides = array<i32>} : memref<32x256xf32, #tpu.memory_space<vmem>>, vector<1x16xf32>,
        %get3A_393 = arith.index_cast %scan3A_166 : i32 to index
        %get3A_394 = arith.constant 144 : index
        %get3A_395 = tpu.vector_load %arg8[%get3A_393, %get3A_394] {strides = array<i32>} : memref<32x256xf32, #tpu.memory_space<vmem>>, vector<1x16xf32>,
        %get3A_396 = vector.shape_cast %get3A_395 : vector<1x16xf32> to vector<16xf32>
        %mul3A_397 = arith.mulf %broadcast_in_dim3A, %get3A_396 : vector<16xf32>
        %get3A_398 = arith.index_cast %scan3A_166 : i32 to index
        %get3A_399 = arith.constant 144 : index
        %get3A_400 = tpu.vector_load %arg9[%get3A_398, %get3A_399] {strides = array<i32>} : memref<32x256xf32, #tpu.memory_space<vmem>>, vector<1x16xf32>,
        %get3A_401 = vector.shape_cast %get3A_400 : vector<1x16xf32> to vector<16xf32>
        %mul3A_402 = arith.mulf %broadcast_in_dim3A_185, %get3A_401 : vector<16xf32>
        %add3A_403 = arith.addf %mul3A_397, %mul3A_402 : vector<16xf32>
        %get3A_404 = arith.index_cast %scan3A_166 : i32 to index
        %get3A_405 = arith.constant 144 : index
        %get3A_406 = tpu.vector_load %arg10[%get3A_404, %get3A_405] {strides = array<i32>} : memref<32x256xf32, #tpu.memory_space<vmem>>, vector<1x16xf32>,
        %get3A_407 = vector.shape_cast %get3A_406 : vector<1x16xf32> to vector<16xf32>
        %mul3A_408 = arith.mulf %broadcast_in_dim3A_195, %get3A_407 : vector<16xf32>
        %add3A_409 = arith.addf %add3A_403, %mul3A_408 : vector<16xf32>
        %swap3A_410 = arith.index_cast %scan3A_166 : i32 to index
        %swap3A_411 = arith.constant 144 : index
        %swap3A_412 = tpu.vector_load %arg14[%swap3A_410, %swap3A_411] {strides = array<i32>} : memref<32x256xf32, #tpu.memory_space<vmem>>, vector<1x16xf32>,
        %swap3A_413 = vector.shape_cast %swap3A_412 : vector<1x16xf32> to vector<16xf32>
        %swap3A_414 = vector.shape_cast %add3A_409 : vector<16xf32> to vector<1x16xf32>
        tpu.vector_store %arg14[%swap3A_410, %swap3A_411], %swap3A_414 {strides = array<i32>} : memref<32x256xf32, #tpu.memory_space<vmem>>, vector<1x16xf32>,
        %get3A_415 = arith.index_cast %scan3A_166 : i32 to index
        %get3A_416 = arith.constant 160 : index
        %get3A_417 = tpu.vector_load %arg8[%get3A_415, %get3A_416] {strides = array<i32>} : memref<32x256xf32, #tpu.memory_space<vmem>>, vector<1x16xf32>,
        %get3A_418 = vector.shape_cast %get3A_417 : vector<1x16xf32> to vector<16xf32>
        %mul3A_419 = arith.mulf %broadcast_in_dim3A, %get3A_418 : vector<16xf32>
        %get3A_420 = arith.index_cast %scan3A_166 : i32 to index
        %get3A_421 = arith.constant 160 : index
        %get3A_422 = tpu.vector_load %arg9[%get3A_420, %get3A_421] {strides = array<i32>} : memref<32x256xf32, #tpu.memory_space<vmem>>, vector<1x16xf32>,
        %get3A_423 = vector.shape_cast %get3A_422 : vector<1x16xf32> to vector<16xf32>
        %mul3A_424 = arith.mulf %broadcast_in_dim3A_185, %get3A_423 : vector<16xf32>
        %add3A_425 = arith.addf %mul3A_419, %mul3A_424 : vector<16xf32>
        %get3A_426 = arith.index_cast %scan3A_166 : i32 to index
        %get3A_427 = arith.constant 160 : index
        %get3A_428 = tpu.vector_load %arg10[%get3A_426, %get3A_427] {strides = array<i32>} : memref<32x256xf32, #tpu.memory_space<vmem>>, vector<1x16xf32>,
        %get3A_429 = vector.shape_cast %get3A_428 : vector<1x16xf32> to vector<16xf32>
        %mul3A_430 = arith.mulf %broadcast_in_dim3A_195, %get3A_429 : vector<16xf32>
        %add3A_431 = arith.addf %add3A_425, %mul3A_430 : vector<16xf32>
        %swap3A_432 = arith.index_cast %scan3A_166 : i32 to index
        %swap3A_433 = arith.constant 160 : index
        %swap3A_434 = tpu.vector_load %arg14[%swap3A_432, %swap3A_433] {strides = array<i32>} : memref<32x256xf32, #tpu.memory_space<vmem>>, vector<1x16xf32>,
        %swap3A_435 = vector.shape_cast %swap3A_434 : vector<1x16xf32> to vector<16xf32>
        %swap3A_436 = vector.shape_cast %add3A_431 : vector<16xf32> to vector<1x16xf32>
        tpu.vector_store %arg14[%swap3A_432, %swap3A_433], %swap3A_436 {strides = array<i32>} : memref<32x256xf32, #tpu.memory_space<vmem>>, vector<1x16xf32>,
        %get3A_437 = arith.index_cast %scan3A_166 : i32 to index
        %get3A_438 = arith.constant 176 : index
        %get3A_439 = tpu.vector_load %arg8[%get3A_437, %get3A_438] {strides = array<i32>} : memref<32x256xf32, #tpu.memory_space<vmem>>, vector<1x16xf32>,
        %get3A_440 = vector.shape_cast %get3A_439 : vector<1x16xf32> to vector<16xf32>
        %mul3A_441 = arith.mulf %broadcast_in_dim3A, %get3A_440 : vector<16xf32>
        %get3A_442 = arith.index_cast %scan3A_166 : i32 to index
        %get3A_443 = arith.constant 176 : index
        %get3A_444 = tpu.vector_load %arg9[%get3A_442, %get3A_443] {strides = array<i32>} : memref<32x256xf32, #tpu.memory_space<vmem>>, vector<1x16xf32>,
        %get3A_445 = vector.shape_cast %get3A_444 : vector<1x16xf32> to vector<16xf32>
        %mul3A_446 = arith.mulf %broadcast_in_dim3A_185, %get3A_445 : vector<16xf32>
        %add3A_447 = arith.addf %mul3A_441, %mul3A_446 : vector<16xf32>
        %get3A_448 = arith.index_cast %scan3A_166 : i32 to index
        %get3A_449 = arith.constant 176 : index
        %get3A_450 = tpu.vector_load %arg10[%get3A_448, %get3A_449] {strides = array<i32>} : memref<32x256xf32, #tpu.memory_space<vmem>>, vector<1x16xf32>,
        %get3A_451 = vector.shape_cast %get3A_450 : vector<1x16xf32> to vector<16xf32>
        %mul3A_452 = arith.mulf %broadcast_in_dim3A_195, %get3A_451 : vector<16xf32>
        %add3A_453 = arith.addf %add3A_447, %mul3A_452 : vector<16xf32>
        %swap3A_454 = arith.index_cast %scan3A_166 : i32 to index
        %swap3A_455 = arith.constant 176 : index
        %swap3A_456 = tpu.vector_load %arg14[%swap3A_454, %swap3A_455] {strides = array<i32>} : memref<32x256xf32, #tpu.memory_space<vmem>>, vector<1x16xf32>,
        %swap3A_457 = vector.shape_cast %swap3A_456 : vector<1x16xf32> to vector<16xf32>
        %swap3A_458 = vector.shape_cast %add3A_453 : vector<16xf32> to vector<1x16xf32>
        tpu.vector_store %arg14[%swap3A_454, %swap3A_455], %swap3A_458 {strides = array<i32>} : memref<32x256xf32, #tpu.memory_space<vmem>>, vector<1x16xf32>,
        %get3A_459 = arith.index_cast %scan3A_166 : i32 to index
        %get3A_460 = arith.constant 192 : index
        %get3A_461 = tpu.vector_load %arg8[%get3A_459, %get3A_460] {strides = array<i32>} : memref<32x256xf32, #tpu.memory_space<vmem>>, vector<1x16xf32>,
        %get3A_462 = vector.shape_cast %get3A_461 : vector<1x16xf32> to vector<16xf32>
        %mul3A_463 = arith.mulf %broadcast_in_dim3A, %get3A_462 : vector<16xf32>
        %get3A_464 = arith.index_cast %scan3A_166 : i32 to index
        %get3A_465 = arith.constant 192 : index
        %get3A_466 = tpu.vector_load %arg9[%get3A_464, %get3A_465] {strides = array<i32>} : memref<32x256xf32, #tpu.memory_space<vmem>>, vector<1x16xf32>,
        %get3A_467 = vector.shape_cast %get3A_466 : vector<1x16xf32> to vector<16xf32>
        %mul3A_468 = arith.mulf %broadcast_in_dim3A_185, %get3A_467 : vector<16xf32>
        %add3A_469 = arith.addf %mul3A_463, %mul3A_468 : vector<16xf32>
        %get3A_470 = arith.index_cast %scan3A_166 : i32 to index
        %get3A_471 = arith.constant 192 : index
        %get3A_472 = tpu.vector_load %arg10[%get3A_470, %get3A_471] {strides = array<i32>} : memref<32x256xf32, #tpu.memory_space<vmem>>, vector<1x16xf32>,
        %get3A_473 = vector.shape_cast %get3A_472 : vector<1x16xf32> to vector<16xf32>
        %mul3A_474 = arith.mulf %broadcast_in_dim3A_195, %get3A_473 : vector<16xf32>
        %add3A_475 = arith.addf %add3A_469, %mul3A_474 : vector<16xf32>
        %swap3A_476 = arith.index_cast %scan3A_166 : i32 to index
        %swap3A_477 = arith.constant 192 : index
        %swap3A_478 = tpu.vector_load %arg14[%swap3A_476, %swap3A_477] {strides = array<i32>} : memref<32x256xf32, #tpu.memory_space<vmem>>, vector<1x16xf32>,
        %swap3A_479 = vector.shape_cast %swap3A_478 : vector<1x16xf32> to vector<16xf32>
        %swap3A_480 = vector.shape_cast %add3A_475 : vector<16xf32> to vector<1x16xf32>
        tpu.vector_store %arg14[%swap3A_476, %swap3A_477], %swap3A_480 {strides = array<i32>} : memref<32x256xf32, #tpu.memory_space<vmem>>, vector<1x16xf32>,
        %get3A_481 = arith.index_cast %scan3A_166 : i32 to index
        %get3A_482 = arith.constant 208 : index
        %get3A_483 = tpu.vector_load %arg8[%get3A_481, %get3A_482] {strides = array<i32>} : memref<32x256xf32, #tpu.memory_space<vmem>>, vector<1x16xf32>,
        %get3A_484 = vector.shape_cast %get3A_483 : vector<1x16xf32> to vector<16xf32>
        %mul3A_485 = arith.mulf %broadcast_in_dim3A, %get3A_484 : vector<16xf32>
        %get3A_486 = arith.index_cast %scan3A_166 : i32 to index
        %get3A_487 = arith.constant 208 : index
        %get3A_488 = tpu.vector_load %arg9[%get3A_486, %get3A_487] {strides = array<i32>} : memref<32x256xf32, #tpu.memory_space<vmem>>, vector<1x16xf32>,
        %get3A_489 = vector.shape_cast %get3A_488 : vector<1x16xf32> to vector<16xf32>
        %mul3A_490 = arith.mulf %broadcast_in_dim3A_185, %get3A_489 : vector<16xf32>
        %add3A_491 = arith.addf %mul3A_485, %mul3A_490 : vector<16xf32>
        %get3A_492 = arith.index_cast %scan3A_166 : i32 to index
        %get3A_493 = arith.constant 208 : index
        %get3A_494 = tpu.vector_load %arg10[%get3A_492, %get3A_493] {strides = array<i32>} : memref<32x256xf32, #tpu.memory_space<vmem>>, vector<1x16xf32>,
        %get3A_495 = vector.shape_cast %get3A_494 : vector<1x16xf32> to vector<16xf32>
        %mul3A_496 = arith.mulf %broadcast_in_dim3A_195, %get3A_495 : vector<16xf32>
        %add3A_497 = arith.addf %add3A_491, %mul3A_496 : vector<16xf32>
        %swap3A_498 = arith.index_cast %scan3A_166 : i32 to index
        %swap3A_499 = arith.constant 208 : index
        %swap3A_500 = tpu.vector_load %arg14[%swap3A_498, %swap3A_499] {strides = array<i32>} : memref<32x256xf32, #tpu.memory_space<vmem>>, vector<1x16xf32>,
        %swap3A_501 = vector.shape_cast %swap3A_500 : vector<1x16xf32> to vector<16xf32>
        %swap3A_502 = vector.shape_cast %add3A_497 : vector<16xf32> to vector<1x16xf32>
        tpu.vector_store %arg14[%swap3A_498, %swap3A_499], %swap3A_502 {strides = array<i32>} : memref<32x256xf32, #tpu.memory_space<vmem>>, vector<1x16xf32>,
        %get3A_503 = arith.index_cast %scan3A_166 : i32 to index
        %get3A_504 = arith.constant 224 : index
        %get3A_505 = tpu.vector_load %arg8[%get3A_503, %get3A_504] {strides = array<i32>} : memref<32x256xf32, #tpu.memory_space<vmem>>, vector<1x16xf32>,
        %get3A_506 = vector.shape_cast %get3A_505 : vector<1x16xf32> to vector<16xf32>
        %mul3A_507 = arith.mulf %broadcast_in_dim3A, %get3A_506 : vector<16xf32>
        %get3A_508 = arith.index_cast %scan3A_166 : i32 to index
        %get3A_509 = arith.constant 224 : index
        %get3A_510 = tpu.vector_load %arg9[%get3A_508, %get3A_509] {strides = array<i32>} : memref<32x256xf32, #tpu.memory_space<vmem>>, vector<1x16xf32>,
        %get3A_511 = vector.shape_cast %get3A_510 : vector<1x16xf32> to vector<16xf32>
        %mul3A_512 = arith.mulf %broadcast_in_dim3A_185, %get3A_511 : vector<16xf32>
        %add3A_513 = arith.addf %mul3A_507, %mul3A_512 : vector<16xf32>
        %get3A_514 = arith.index_cast %scan3A_166 : i32 to index
        %get3A_515 = arith.constant 224 : index
        %get3A_516 = tpu.vector_load %arg10[%get3A_514, %get3A_515] {strides = array<i32>} : memref<32x256xf32, #tpu.memory_space<vmem>>, vector<1x16xf32>,
        %get3A_517 = vector.shape_cast %get3A_516 : vector<1x16xf32> to vector<16xf32>
        %mul3A_518 = arith.mulf %broadcast_in_dim3A_195, %get3A_517 : vector<16xf32>
        %add3A_519 = arith.addf %add3A_513, %mul3A_518 : vector<16xf32>
        %swap3A_520 = arith.index_cast %scan3A_166 : i32 to index
        %swap3A_521 = arith.constant 224 : index
        %swap3A_522 = tpu.vector_load %arg14[%swap3A_520, %swap3A_521] {strides = array<i32>} : memref<32x256xf32, #tpu.memory_space<vmem>>, vector<1x16xf32>,
        %swap3A_523 = vector.shape_cast %swap3A_522 : vector<1x16xf32> to vector<16xf32>
        %swap3A_524 = vector.shape_cast %add3A_519 : vector<16xf32> to vector<1x16xf32>
        tpu.vector_store %arg14[%swap3A_520, %swap3A_521], %swap3A_524 {strides = array<i32>} : memref<32x256xf32, #tpu.memory_space<vmem>>, vector<1x16xf32>,
        %get3A_525 = arith.index_cast %scan3A_166 : i32 to index
        %get3A_526 = arith.constant 240 : index
        %get3A_527 = tpu.vector_load %arg8[%get3A_525, %get3A_526] {strides = array<i32>} : memref<32x256xf32, #tpu.memory_space<vmem>>, vector<1x16xf32>,
        %get3A_528 = vector.shape_cast %get3A_527 : vector<1x16xf32> to vector<16xf32>
        %mul3A_529 = arith.mulf %broadcast_in_dim3A, %get3A_528 : vector<16xf32>
        %get3A_530 = arith.index_cast %scan3A_166 : i32 to index
        %get3A_531 = arith.constant 240 : index
        %get3A_532 = tpu.vector_load %arg9[%get3A_530, %get3A_531] {strides = array<i32>} : memref<32x256xf32, #tpu.memory_space<vmem>>, vector<1x16xf32>,
        %get3A_533 = vector.shape_cast %get3A_532 : vector<1x16xf32> to vector<16xf32>
        %mul3A_534 = arith.mulf %broadcast_in_dim3A_185, %get3A_533 : vector<16xf32>
        %add3A_535 = arith.addf %mul3A_529, %mul3A_534 : vector<16xf32>
        %get3A_536 = arith.index_cast %scan3A_166 : i32 to index
        %get3A_537 = arith.constant 240 : index
        %get3A_538 = tpu.vector_load %arg10[%get3A_536, %get3A_537] {strides = array<i32>} : memref<32x256xf32, #tpu.memory_space<vmem>>, vector<1x16xf32>,
        %get3A_539 = vector.shape_cast %get3A_538 : vector<1x16xf32> to vector<16xf32>
        %mul3A_540 = arith.mulf %broadcast_in_dim3A_195, %get3A_539 : vector<16xf32>
        %add3A_541 = arith.addf %add3A_535, %mul3A_540 : vector<16xf32>
        %swap3A_542 = arith.index_cast %scan3A_166 : i32 to index
        %swap3A_543 = arith.constant 240 : index
        %swap3A_544 = tpu.vector_load %arg14[%swap3A_542, %swap3A_543] {strides = array<i32>} : memref<32x256xf32, #tpu.memory_space<vmem>>, vector<1x16xf32>,
        %swap3A_545 = vector.shape_cast %swap3A_544 : vector<1x16xf32> to vector<16xf32>
        %swap3A_546 = vector.shape_cast %add3A_541 : vector<16xf32> to vector<1x16xf32>
        tpu.vector_store %arg14[%swap3A_542, %swap3A_543], %swap3A_546 {strides = array<i32>} : memref<32x256xf32, #tpu.memory_space<vmem>>, vector<1x16xf32>,
      }
      %scan3A_107 = arith.constant 32 : i32
      %mul3A_108 = arith.constant 32 : i32
      %mul3A_109 = arith.muli %add3A_81, %mul3A_108 : i32
      %add3A_110 = arith.addi %mul3A_2, %mul3A_109 : i32
      %dma_start3A_111 = arith.constant 0 : i32
      %dma_start3A_112 = tpu.memref_slice %arg5[%add3A_110, %dma_start3A_111] : memref<32768x256xf32, #tpu.memory_space<hbm>> -> memref<32x256xf32, #tpu.memory_space<hbm>>
      %dma_start3A_113 = arith.constant 0 : i32
      %dma_start3A_114 = tpu.memref_slice %arg5[%add3A_110, %dma_start3A_113] : memref<32768x256xf32, #tpu.memory_space<hbm>> -> memref<32x256xf32, #tpu.memory_space<hbm>>
      tpu.enqueue_dma source(%arg14 : memref<32x256xf32, #tpu.memory_space<vmem>>) target(%dma_start3A_114 : memref<32x256xf32, #tpu.memory_space<hbm>>) target_semaphore(%arg18 : memref<!tpu.dma_semaphore, #tpu.memory_space<semaphore_mem>>)
      %add3A_115 = arith.constant 2 : i32
      %add3A_116 = arith.addi %add3A_81, %add3A_115 : i32
      %lt3A = arith.constant 32 : i32
      %lt3A_117 = arith.cmpi slt, %add3A_116, %lt3A : i32
      %convert_element_type3A_118 = arith.extui %lt3A_117 : i1 to i32
      %cond3A_119 = arith.constant 0 : i32
      %cond3A_120 = arith.cmpi ne, %convert_element_type3A_118, %cond3A_119 : i32
      scf.if %cond3A_120 {
        %add3A_166 = arith.constant 2 : i32
        %add3A_167 = arith.addi %add3A_81, %add3A_166 : i32
        %dma_start3A_168 = arith.constant 0 : i32
        %dma_start3A_169 = arith.constant 0 : i32
        %dma_start3A_170 = tpu.memref_slice %arg6[%dma_start3A_168, %add3A_167, %dma_start3A_169] : memref<3x32x32xi32, #tpu.memory_space<vmem>> -> memref<1x1x32xi32, #tpu.memory_space<vmem>>
        %dma_start3A_171 = tpu.memref_squeeze %dma_start3A_170 : memref<1x1x32xi32, #tpu.memory_space<vmem>> -> memref<32xi32, #tpu.memory_space<vmem>>
        %dma_start3A_172 = arith.constant 0 : i32
        %dma_start3A_173 = arith.constant 0 : i32
        %dma_start3A_174 = tpu.memref_slice %arg2[%dma_start3A_172, %dma_start3A_173] : memref<8192x256xf32, #tpu.memory_space<hbm>> -> memref<8192x256xf32, #tpu.memory_space<hbm>>
        tpu.enqueue_indirect_dma source(%dma_start3A_174 : memref<8192x256xf32, #tpu.memory_space<hbm>>) target(%arg8 : memref<32x256xf32, #tpu.memory_space<vmem>>) offsets(%dma_start3A_171 : memref<32xi32, #tpu.memory_space<vmem>>) semaphore(%arg16 : memref<!tpu.dma_semaphore, #tpu.memory_space<semaphore_mem>>)
        %dma_start3A_175 = arith.constant 1 : i32
        %dma_start3A_176 = arith.constant 0 : i32
        %dma_start3A_177 = tpu.memref_slice %arg6[%dma_start3A_175, %add3A_167, %dma_start3A_176] : memref<3x32x32xi32, #tpu.memory_space<vmem>> -> memref<1x1x32xi32, #tpu.memory_space<vmem>>
        %dma_start3A_178 = tpu.memref_squeeze %dma_start3A_177 : memref<1x1x32xi32, #tpu.memory_space<vmem>> -> memref<32xi32, #tpu.memory_space<vmem>>
        %dma_start3A_179 = arith.constant 0 : i32
        %dma_start3A_180 = arith.constant 0 : i32
        %dma_start3A_181 = tpu.memref_slice %arg2[%dma_start3A_179, %dma_start3A_180] : memref<8192x256xf32, #tpu.memory_space<hbm>> -> memref<8192x256xf32, #tpu.memory_space<hbm>>
        tpu.enqueue_indirect_dma source(%dma_start3A_181 : memref<8192x256xf32, #tpu.memory_space<hbm>>) target(%arg9 : memref<32x256xf32, #tpu.memory_space<vmem>>) offsets(%dma_start3A_178 : memref<32xi32, #tpu.memory_space<vmem>>) semaphore(%arg16 : memref<!tpu.dma_semaphore, #tpu.memory_space<semaphore_mem>>)
        %dma_start3A_182 = arith.constant 2 : i32
        %dma_start3A_183 = arith.constant 0 : i32
        %dma_start3A_184 = tpu.memref_slice %arg6[%dma_start3A_182, %add3A_167, %dma_start3A_183] : memref<3x32x32xi32, #tpu.memory_space<vmem>> -> memref<1x1x32xi32, #tpu.memory_space<vmem>>
        %dma_start3A_185 = tpu.memref_squeeze %dma_start3A_184 : memref<1x1x32xi32, #tpu.memory_space<vmem>> -> memref<32xi32, #tpu.memory_space<vmem>>
        %dma_start3A_186 = arith.constant 0 : i32
        %dma_start3A_187 = arith.constant 0 : i32
        %dma_start3A_188 = tpu.memref_slice %arg2[%dma_start3A_186, %dma_start3A_187] : memref<8192x256xf32, #tpu.memory_space<hbm>> -> memref<8192x256xf32, #tpu.memory_space<hbm>>
        tpu.enqueue_indirect_dma source(%dma_start3A_188 : memref<8192x256xf32, #tpu.memory_space<hbm>>) target(%arg10 : memref<32x256xf32, #tpu.memory_space<vmem>>) offsets(%dma_start3A_185 : memref<32xi32, #tpu.memory_space<vmem>>) semaphore(%arg16 : memref<!tpu.dma_semaphore, #tpu.memory_space<semaphore_mem>>)
      } else {
      }
      %add3A_121 = arith.constant 1 : i32
      %add3A_122 = arith.addi %mul3A_79, %add3A_121 : i32
      %dma_wait3A_123 = arith.constant 0 : i32
      %dma_wait3A_124 = arith.constant 0 : i32
      %dma_wait3A_125 = tpu.memref_slice %arg2[%dma_wait3A_123, %dma_wait3A_124] : memref<8192x256xf32, #tpu.memory_space<hbm>> -> memref<32x256xf32, #tpu.memory_space<hbm>>
      %dma_wait3A_126 = arith.constant 0 : i32
      %dma_wait3A_127 = arith.constant 0 : i32
      %dma_wait3A_128 = tpu.memref_slice %arg2[%dma_wait3A_126, %dma_wait3A_127] : memref<8192x256xf32, #tpu.memory_space<hbm>> -> memref<32x256xf32, #tpu.memory_space<hbm>>
      tpu.wait_dma2 semaphore(%arg17 : memref<!tpu.dma_semaphore, #tpu.memory_space<semaphore_mem>>) src(%dma_wait3A_128 : memref<32x256xf32, #tpu.memory_space<hbm>>) dst(%arg11 : memref<32x256xf32, #tpu.memory_space<vmem>>)
      %dma_wait3A_129 = arith.constant 0 : i32
      %dma_wait3A_130 = arith.constant 0 : i32
      %dma_wait3A_131 = tpu.memref_slice %arg2[%dma_wait3A_129, %dma_wait3A_130] : memref<8192x256xf32, #tpu.memory_space<hbm>> -> memref<32x256xf32, #tpu.memory_space<hbm>>
      %dma_wait3A_132 = arith.constant 0 : i32
      %dma_wait3A_133 = arith.constant 0 : i32
      %dma_wait3A_134 = tpu.memref_slice %arg2[%dma_wait3A_132, %dma_wait3A_133] : memref<8192x256xf32, #tpu.memory_space<hbm>> -> memref<32x256xf32, #tpu.memory_space<hbm>>
      tpu.wait_dma2 semaphore(%arg17 : memref<!tpu.dma_semaphore, #tpu.memory_space<semaphore_mem>>) src(%dma_wait3A_134 : memref<32x256xf32, #tpu.memory_space<hbm>>) dst(%arg12 : memref<32x256xf32, #tpu.memory_space<vmem>>)
      %dma_wait3A_135 = arith.constant 0 : i32
      %dma_wait3A_136 = arith.constant 0 : i32
      %dma_wait3A_137 = tpu.memref_slice %arg2[%dma_wait3A_135, %dma_wait3A_136] : memref<8192x256xf32, #tpu.memory_space<hbm>> -> memref<32x256xf32, #tpu.memory_space<hbm>>
      %dma_wait3A_138 = arith.constant 0 : i32
      %dma_wait3A_139 = arith.constant 0 : i32
      %dma_wait3A_140 = tpu.memref_slice %arg2[%dma_wait3A_138, %dma_wait3A_139] : memref<8192x256xf32, #tpu.memory_space<hbm>> -> memref<32x256xf32, #tpu.memory_space<hbm>>
      tpu.wait_dma2 semaphore(%arg17 : memref<!tpu.dma_semaphore, #tpu.memory_space<semaphore_mem>>) src(%dma_wait3A_140 : memref<32x256xf32, #tpu.memory_space<hbm>>) dst(%arg13 : memref<32x256xf32, #tpu.memory_space<vmem>>)
      %gt3A_141 = arith.constant 0 : i32
      %gt3A_142 = arith.cmpi sgt, %scan3A_77, %gt3A_141 : i32
      %convert_element_type3A_143 = arith.extui %gt3A_142 : i1 to i32
      %cond3A_144 = arith.constant 0 : i32
      %cond3A_145 = arith.cmpi ne, %convert_element_type3A_143, %cond3A_144 : i32
      scf.if %cond3A_145 {
        %dma_wait3A_166 = arith.constant 0 : i32
        %dma_wait3A_167 = arith.constant 0 : i32
        %dma_wait3A_168 = tpu.memref_slice %arg2[%dma_wait3A_166, %dma_wait3A_167] : memref<8192x256xf32, #tpu.memory_space<hbm>> -> memref<32x256xf32, #tpu.memory_space<hbm>>
        %dma_wait3A_169 = arith.constant 0 : i32
        %dma_wait3A_170 = arith.constant 0 : i32
        %dma_wait3A_171 = tpu.memref_slice %arg2[%dma_wait3A_169, %dma_wait3A_170] : memref<8192x256xf32, #tpu.memory_space<hbm>> -> memref<32x256xf32, #tpu.memory_space<hbm>>
        tpu.wait_dma2 semaphore(%arg19 : memref<!tpu.dma_semaphore, #tpu.memory_space<semaphore_mem>>) src(%dma_wait3A_171 : memref<32x256xf32, #tpu.memory_space<hbm>>) dst(%arg15 : memref<32x256xf32, #tpu.memory_space<vmem>>)
      } else {
      }
      %scan3A_146 = arith.constant 0 : i32
      %scan3A_147 = arith.constant 0 : i32
      %scan3A_148 = arith.constant 32 : i32
      %scan3A_149 = arith.addi %scan3A_147, %scan3A_148 : i32
      %scan3A_150 = arith.constant 1 : i32
      scf.for %scan3A_166 = %scan3A_147 to %scan3A_149 step %scan3A_150  : i32 {
        %mul3A_167 = arith.constant 32 : i32
        %mul3A_168 = arith.muli %add3A_122, %mul3A_167 : i32
        %add3A_169 = arith.addi %mul3A_168, %scan3A_166 : i32
        %get3A = arith.constant 0 : i32
        %get3A_170 = arith.constant 0 : i32
        %get3A_171 = arith.index_cast %get3A : i32 to index
        %get3A_172 = arith.index_cast %get3A_170 : i32 to index
        %get3A_173 = arith.index_cast %add3A_169 : i32 to index
        %get3A_174 = tpu.vector_load %arg7[%get3A_171, %get3A_172, %get3A_173] {strides = array<i32>} : memref<3x1x1040xf32, #tpu.memory_space<vmem>>, vector<1x1x16xf32>,
        %get3A_175 = vector.shape_cast %get3A_174 : vector<1x1x16xf32> to vector<16xf32>
        %slice3A = vector.extract_strided_slice %get3A_175 {offsets = [0], sizes = [1], strides = [1]} : vector<16xf32> to vector<1xf32>
        %squeeze3A = vector.extract %slice3A[0] : f32 from vector<1xf32>
        %broadcast_in_dim3A = vector.broadcast %squeeze3A : f32 to vector<16xf32>
        %get3A_176 = arith.constant 1 : i32
        %get3A_177 = arith.constant 0 : i32
        %get3A_178 = arith.index_cast %get3A_176 : i32 to index
        %get3A_179 = arith.index_cast %get3A_177 : i32 to index
        %get3A_180 = arith.index_cast %add3A_169 : i32 to index
        %get3A_181 = tpu.vector_load %arg7[%get3A_178, %get3A_179, %get3A_180] {strides = array<i32>} : memref<3x1x1040xf32, #tpu.memory_space<vmem>>, vector<1x1x16xf32>,
        %get3A_182 = vector.shape_cast %get3A_181 : vector<1x1x16xf32> to vector<16xf32>
        %slice3A_183 = vector.extract_strided_slice %get3A_182 {offsets = [0], sizes = [1], strides = [1]} : vector<16xf32> to vector<1xf32>
        %squeeze3A_184 = vector.extract %slice3A_183[0] : f32 from vector<1xf32>
        %broadcast_in_dim3A_185 = vector.broadcast %squeeze3A_184 : f32 to vector<16xf32>
        %get3A_186 = arith.constant 2 : i32
        %get3A_187 = arith.constant 0 : i32
        %get3A_188 = arith.index_cast %get3A_186 : i32 to index
        %get3A_189 = arith.index_cast %get3A_187 : i32 to index
        %get3A_190 = arith.index_cast %add3A_169 : i32 to index
        %get3A_191 = tpu.vector_load %arg7[%get3A_188, %get3A_189, %get3A_190] {strides = array<i32>} : memref<3x1x1040xf32, #tpu.memory_space<vmem>>, vector<1x1x16xf32>,
        %get3A_192 = vector.shape_cast %get3A_191 : vector<1x1x16xf32> to vector<16xf32>
        %slice3A_193 = vector.extract_strided_slice %get3A_192 {offsets = [0], sizes = [1], strides = [1]} : vector<16xf32> to vector<1xf32>
        %squeeze3A_194 = vector.extract %slice3A_193[0] : f32 from vector<1xf32>
        %broadcast_in_dim3A_195 = vector.broadcast %squeeze3A_194 : f32 to vector<16xf32>
        %get3A_196 = arith.index_cast %scan3A_166 : i32 to index
        %get3A_197 = arith.constant 0 : index
        %get3A_198 = tpu.vector_load %arg11[%get3A_196, %get3A_197] {strides = array<i32>} : memref<32x256xf32, #tpu.memory_space<vmem>>, vector<1x16xf32>,
        %get3A_199 = vector.shape_cast %get3A_198 : vector<1x16xf32> to vector<16xf32>
        %mul3A_200 = arith.mulf %broadcast_in_dim3A, %get3A_199 : vector<16xf32>
        %get3A_201 = arith.index_cast %scan3A_166 : i32 to index
        %get3A_202 = arith.constant 0 : index
        %get3A_203 = tpu.vector_load %arg12[%get3A_201, %get3A_202] {strides = array<i32>} : memref<32x256xf32, #tpu.memory_space<vmem>>, vector<1x16xf32>,
        %get3A_204 = vector.shape_cast %get3A_203 : vector<1x16xf32> to vector<16xf32>
        %mul3A_205 = arith.mulf %broadcast_in_dim3A_185, %get3A_204 : vector<16xf32>
        %add3A_206 = arith.addf %mul3A_200, %mul3A_205 : vector<16xf32>
        %get3A_207 = arith.index_cast %scan3A_166 : i32 to index
        %get3A_208 = arith.constant 0 : index
        %get3A_209 = tpu.vector_load %arg13[%get3A_207, %get3A_208] {strides = array<i32>} : memref<32x256xf32, #tpu.memory_space<vmem>>, vector<1x16xf32>,
        %get3A_210 = vector.shape_cast %get3A_209 : vector<1x16xf32> to vector<16xf32>
        %mul3A_211 = arith.mulf %broadcast_in_dim3A_195, %get3A_210 : vector<16xf32>
        %add3A_212 = arith.addf %add3A_206, %mul3A_211 : vector<16xf32>
        %swap3A = arith.index_cast %scan3A_166 : i32 to index
        %swap3A_213 = arith.constant 0 : index
        %swap3A_214 = tpu.vector_load %arg15[%swap3A, %swap3A_213] {strides = array<i32>} : memref<32x256xf32, #tpu.memory_space<vmem>>, vector<1x16xf32>,
        %swap3A_215 = vector.shape_cast %swap3A_214 : vector<1x16xf32> to vector<16xf32>
        %swap3A_216 = vector.shape_cast %add3A_212 : vector<16xf32> to vector<1x16xf32>
        tpu.vector_store %arg15[%swap3A, %swap3A_213], %swap3A_216 {strides = array<i32>} : memref<32x256xf32, #tpu.memory_space<vmem>>, vector<1x16xf32>,
        %get3A_217 = arith.index_cast %scan3A_166 : i32 to index
        %get3A_218 = arith.constant 16 : index
        %get3A_219 = tpu.vector_load %arg11[%get3A_217, %get3A_218] {strides = array<i32>} : memref<32x256xf32, #tpu.memory_space<vmem>>, vector<1x16xf32>,
        %get3A_220 = vector.shape_cast %get3A_219 : vector<1x16xf32> to vector<16xf32>
        %mul3A_221 = arith.mulf %broadcast_in_dim3A, %get3A_220 : vector<16xf32>
        %get3A_222 = arith.index_cast %scan3A_166 : i32 to index
        %get3A_223 = arith.constant 16 : index
        %get3A_224 = tpu.vector_load %arg12[%get3A_222, %get3A_223] {strides = array<i32>} : memref<32x256xf32, #tpu.memory_space<vmem>>, vector<1x16xf32>,
        %get3A_225 = vector.shape_cast %get3A_224 : vector<1x16xf32> to vector<16xf32>
        %mul3A_226 = arith.mulf %broadcast_in_dim3A_185, %get3A_225 : vector<16xf32>
        %add3A_227 = arith.addf %mul3A_221, %mul3A_226 : vector<16xf32>
        %get3A_228 = arith.index_cast %scan3A_166 : i32 to index
        %get3A_229 = arith.constant 16 : index
        %get3A_230 = tpu.vector_load %arg13[%get3A_228, %get3A_229] {strides = array<i32>} : memref<32x256xf32, #tpu.memory_space<vmem>>, vector<1x16xf32>,
        %get3A_231 = vector.shape_cast %get3A_230 : vector<1x16xf32> to vector<16xf32>
        %mul3A_232 = arith.mulf %broadcast_in_dim3A_195, %get3A_231 : vector<16xf32>
        %add3A_233 = arith.addf %add3A_227, %mul3A_232 : vector<16xf32>
        %swap3A_234 = arith.index_cast %scan3A_166 : i32 to index
        %swap3A_235 = arith.constant 16 : index
        %swap3A_236 = tpu.vector_load %arg15[%swap3A_234, %swap3A_235] {strides = array<i32>} : memref<32x256xf32, #tpu.memory_space<vmem>>, vector<1x16xf32>,
        %swap3A_237 = vector.shape_cast %swap3A_236 : vector<1x16xf32> to vector<16xf32>
        %swap3A_238 = vector.shape_cast %add3A_233 : vector<16xf32> to vector<1x16xf32>
        tpu.vector_store %arg15[%swap3A_234, %swap3A_235], %swap3A_238 {strides = array<i32>} : memref<32x256xf32, #tpu.memory_space<vmem>>, vector<1x16xf32>,
        %get3A_239 = arith.index_cast %scan3A_166 : i32 to index
        %get3A_240 = arith.constant 32 : index
        %get3A_241 = tpu.vector_load %arg11[%get3A_239, %get3A_240] {strides = array<i32>} : memref<32x256xf32, #tpu.memory_space<vmem>>, vector<1x16xf32>,
        %get3A_242 = vector.shape_cast %get3A_241 : vector<1x16xf32> to vector<16xf32>
        %mul3A_243 = arith.mulf %broadcast_in_dim3A, %get3A_242 : vector<16xf32>
        %get3A_244 = arith.index_cast %scan3A_166 : i32 to index
        %get3A_245 = arith.constant 32 : index
        %get3A_246 = tpu.vector_load %arg12[%get3A_244, %get3A_245] {strides = array<i32>} : memref<32x256xf32, #tpu.memory_space<vmem>>, vector<1x16xf32>,
        %get3A_247 = vector.shape_cast %get3A_246 : vector<1x16xf32> to vector<16xf32>
        %mul3A_248 = arith.mulf %broadcast_in_dim3A_185, %get3A_247 : vector<16xf32>
        %add3A_249 = arith.addf %mul3A_243, %mul3A_248 : vector<16xf32>
        %get3A_250 = arith.index_cast %scan3A_166 : i32 to index
        %get3A_251 = arith.constant 32 : index
        %get3A_252 = tpu.vector_load %arg13[%get3A_250, %get3A_251] {strides = array<i32>} : memref<32x256xf32, #tpu.memory_space<vmem>>, vector<1x16xf32>,
        %get3A_253 = vector.shape_cast %get3A_252 : vector<1x16xf32> to vector<16xf32>
        %mul3A_254 = arith.mulf %broadcast_in_dim3A_195, %get3A_253 : vector<16xf32>
        %add3A_255 = arith.addf %add3A_249, %mul3A_254 : vector<16xf32>
        %swap3A_256 = arith.index_cast %scan3A_166 : i32 to index
        %swap3A_257 = arith.constant 32 : index
        %swap3A_258 = tpu.vector_load %arg15[%swap3A_256, %swap3A_257] {strides = array<i32>} : memref<32x256xf32, #tpu.memory_space<vmem>>, vector<1x16xf32>,
        %swap3A_259 = vector.shape_cast %swap3A_258 : vector<1x16xf32> to vector<16xf32>
        %swap3A_260 = vector.shape_cast %add3A_255 : vector<16xf32> to vector<1x16xf32>
        tpu.vector_store %arg15[%swap3A_256, %swap3A_257], %swap3A_260 {strides = array<i32>} : memref<32x256xf32, #tpu.memory_space<vmem>>, vector<1x16xf32>,
        %get3A_261 = arith.index_cast %scan3A_166 : i32 to index
        %get3A_262 = arith.constant 48 : index
        %get3A_263 = tpu.vector_load %arg11[%get3A_261, %get3A_262] {strides = array<i32>} : memref<32x256xf32, #tpu.memory_space<vmem>>, vector<1x16xf32>,
        %get3A_264 = vector.shape_cast %get3A_263 : vector<1x16xf32> to vector<16xf32>
        %mul3A_265 = arith.mulf %broadcast_in_dim3A, %get3A_264 : vector<16xf32>
        %get3A_266 = arith.index_cast %scan3A_166 : i32 to index
        %get3A_267 = arith.constant 48 : index
        %get3A_268 = tpu.vector_load %arg12[%get3A_266, %get3A_267] {strides = array<i32>} : memref<32x256xf32, #tpu.memory_space<vmem>>, vector<1x16xf32>,
        %get3A_269 = vector.shape_cast %get3A_268 : vector<1x16xf32> to vector<16xf32>
        %mul3A_270 = arith.mulf %broadcast_in_dim3A_185, %get3A_269 : vector<16xf32>
        %add3A_271 = arith.addf %mul3A_265, %mul3A_270 : vector<16xf32>
        %get3A_272 = arith.index_cast %scan3A_166 : i32 to index
        %get3A_273 = arith.constant 48 : index
        %get3A_274 = tpu.vector_load %arg13[%get3A_272, %get3A_273] {strides = array<i32>} : memref<32x256xf32, #tpu.memory_space<vmem>>, vector<1x16xf32>,
        %get3A_275 = vector.shape_cast %get3A_274 : vector<1x16xf32> to vector<16xf32>
        %mul3A_276 = arith.mulf %broadcast_in_dim3A_195, %get3A_275 : vector<16xf32>
        %add3A_277 = arith.addf %add3A_271, %mul3A_276 : vector<16xf32>
        %swap3A_278 = arith.index_cast %scan3A_166 : i32 to index
        %swap3A_279 = arith.constant 48 : index
        %swap3A_280 = tpu.vector_load %arg15[%swap3A_278, %swap3A_279] {strides = array<i32>} : memref<32x256xf32, #tpu.memory_space<vmem>>, vector<1x16xf32>,
        %swap3A_281 = vector.shape_cast %swap3A_280 : vector<1x16xf32> to vector<16xf32>
        %swap3A_282 = vector.shape_cast %add3A_277 : vector<16xf32> to vector<1x16xf32>
        tpu.vector_store %arg15[%swap3A_278, %swap3A_279], %swap3A_282 {strides = array<i32>} : memref<32x256xf32, #tpu.memory_space<vmem>>, vector<1x16xf32>,
        %get3A_283 = arith.index_cast %scan3A_166 : i32 to index
        %get3A_284 = arith.constant 64 : index
        %get3A_285 = tpu.vector_load %arg11[%get3A_283, %get3A_284] {strides = array<i32>} : memref<32x256xf32, #tpu.memory_space<vmem>>, vector<1x16xf32>,
        %get3A_286 = vector.shape_cast %get3A_285 : vector<1x16xf32> to vector<16xf32>
        %mul3A_287 = arith.mulf %broadcast_in_dim3A, %get3A_286 : vector<16xf32>
        %get3A_288 = arith.index_cast %scan3A_166 : i32 to index
        %get3A_289 = arith.constant 64 : index
        %get3A_290 = tpu.vector_load %arg12[%get3A_288, %get3A_289] {strides = array<i32>} : memref<32x256xf32, #tpu.memory_space<vmem>>, vector<1x16xf32>,
        %get3A_291 = vector.shape_cast %get3A_290 : vector<1x16xf32> to vector<16xf32>
        %mul3A_292 = arith.mulf %broadcast_in_dim3A_185, %get3A_291 : vector<16xf32>
        %add3A_293 = arith.addf %mul3A_287, %mul3A_292 : vector<16xf32>
        %get3A_294 = arith.index_cast %scan3A_166 : i32 to index
        %get3A_295 = arith.constant 64 : index
        %get3A_296 = tpu.vector_load %arg13[%get3A_294, %get3A_295] {strides = array<i32>} : memref<32x256xf32, #tpu.memory_space<vmem>>, vector<1x16xf32>,
        %get3A_297 = vector.shape_cast %get3A_296 : vector<1x16xf32> to vector<16xf32>
        %mul3A_298 = arith.mulf %broadcast_in_dim3A_195, %get3A_297 : vector<16xf32>
        %add3A_299 = arith.addf %add3A_293, %mul3A_298 : vector<16xf32>
        %swap3A_300 = arith.index_cast %scan3A_166 : i32 to index
        %swap3A_301 = arith.constant 64 : index
        %swap3A_302 = tpu.vector_load %arg15[%swap3A_300, %swap3A_301] {strides = array<i32>} : memref<32x256xf32, #tpu.memory_space<vmem>>, vector<1x16xf32>,
        %swap3A_303 = vector.shape_cast %swap3A_302 : vector<1x16xf32> to vector<16xf32>
        %swap3A_304 = vector.shape_cast %add3A_299 : vector<16xf32> to vector<1x16xf32>
        tpu.vector_store %arg15[%swap3A_300, %swap3A_301], %swap3A_304 {strides = array<i32>} : memref<32x256xf32, #tpu.memory_space<vmem>>, vector<1x16xf32>,
        %get3A_305 = arith.index_cast %scan3A_166 : i32 to index
        %get3A_306 = arith.constant 80 : index
        %get3A_307 = tpu.vector_load %arg11[%get3A_305, %get3A_306] {strides = array<i32>} : memref<32x256xf32, #tpu.memory_space<vmem>>, vector<1x16xf32>,
        %get3A_308 = vector.shape_cast %get3A_307 : vector<1x16xf32> to vector<16xf32>
        %mul3A_309 = arith.mulf %broadcast_in_dim3A, %get3A_308 : vector<16xf32>
        %get3A_310 = arith.index_cast %scan3A_166 : i32 to index
        %get3A_311 = arith.constant 80 : index
        %get3A_312 = tpu.vector_load %arg12[%get3A_310, %get3A_311] {strides = array<i32>} : memref<32x256xf32, #tpu.memory_space<vmem>>, vector<1x16xf32>,
        %get3A_313 = vector.shape_cast %get3A_312 : vector<1x16xf32> to vector<16xf32>
        %mul3A_314 = arith.mulf %broadcast_in_dim3A_185, %get3A_313 : vector<16xf32>
        %add3A_315 = arith.addf %mul3A_309, %mul3A_314 : vector<16xf32>
        %get3A_316 = arith.index_cast %scan3A_166 : i32 to index
        %get3A_317 = arith.constant 80 : index
        %get3A_318 = tpu.vector_load %arg13[%get3A_316, %get3A_317] {strides = array<i32>} : memref<32x256xf32, #tpu.memory_space<vmem>>, vector<1x16xf32>,
        %get3A_319 = vector.shape_cast %get3A_318 : vector<1x16xf32> to vector<16xf32>
        %mul3A_320 = arith.mulf %broadcast_in_dim3A_195, %get3A_319 : vector<16xf32>
        %add3A_321 = arith.addf %add3A_315, %mul3A_320 : vector<16xf32>
        %swap3A_322 = arith.index_cast %scan3A_166 : i32 to index
        %swap3A_323 = arith.constant 80 : index
        %swap3A_324 = tpu.vector_load %arg15[%swap3A_322, %swap3A_323] {strides = array<i32>} : memref<32x256xf32, #tpu.memory_space<vmem>>, vector<1x16xf32>,
        %swap3A_325 = vector.shape_cast %swap3A_324 : vector<1x16xf32> to vector<16xf32>
        %swap3A_326 = vector.shape_cast %add3A_321 : vector<16xf32> to vector<1x16xf32>
        tpu.vector_store %arg15[%swap3A_322, %swap3A_323], %swap3A_326 {strides = array<i32>} : memref<32x256xf32, #tpu.memory_space<vmem>>, vector<1x16xf32>,
        %get3A_327 = arith.index_cast %scan3A_166 : i32 to index
        %get3A_328 = arith.constant 96 : index
        %get3A_329 = tpu.vector_load %arg11[%get3A_327, %get3A_328] {strides = array<i32>} : memref<32x256xf32, #tpu.memory_space<vmem>>, vector<1x16xf32>,
        %get3A_330 = vector.shape_cast %get3A_329 : vector<1x16xf32> to vector<16xf32>
        %mul3A_331 = arith.mulf %broadcast_in_dim3A, %get3A_330 : vector<16xf32>
        %get3A_332 = arith.index_cast %scan3A_166 : i32 to index
        %get3A_333 = arith.constant 96 : index
        %get3A_334 = tpu.vector_load %arg12[%get3A_332, %get3A_333] {strides = array<i32>} : memref<32x256xf32, #tpu.memory_space<vmem>>, vector<1x16xf32>,
        %get3A_335 = vector.shape_cast %get3A_334 : vector<1x16xf32> to vector<16xf32>
        %mul3A_336 = arith.mulf %broadcast_in_dim3A_185, %get3A_335 : vector<16xf32>
        %add3A_337 = arith.addf %mul3A_331, %mul3A_336 : vector<16xf32>
        %get3A_338 = arith.index_cast %scan3A_166 : i32 to index
        %get3A_339 = arith.constant 96 : index
        %get3A_340 = tpu.vector_load %arg13[%get3A_338, %get3A_339] {strides = array<i32>} : memref<32x256xf32, #tpu.memory_space<vmem>>, vector<1x16xf32>,
        %get3A_341 = vector.shape_cast %get3A_340 : vector<1x16xf32> to vector<16xf32>
        %mul3A_342 = arith.mulf %broadcast_in_dim3A_195, %get3A_341 : vector<16xf32>
        %add3A_343 = arith.addf %add3A_337, %mul3A_342 : vector<16xf32>
        %swap3A_344 = arith.index_cast %scan3A_166 : i32 to index
        %swap3A_345 = arith.constant 96 : index
        %swap3A_346 = tpu.vector_load %arg15[%swap3A_344, %swap3A_345] {strides = array<i32>} : memref<32x256xf32, #tpu.memory_space<vmem>>, vector<1x16xf32>,
        %swap3A_347 = vector.shape_cast %swap3A_346 : vector<1x16xf32> to vector<16xf32>
        %swap3A_348 = vector.shape_cast %add3A_343 : vector<16xf32> to vector<1x16xf32>
        tpu.vector_store %arg15[%swap3A_344, %swap3A_345], %swap3A_348 {strides = array<i32>} : memref<32x256xf32, #tpu.memory_space<vmem>>, vector<1x16xf32>,
        %get3A_349 = arith.index_cast %scan3A_166 : i32 to index
        %get3A_350 = arith.constant 112 : index
        %get3A_351 = tpu.vector_load %arg11[%get3A_349, %get3A_350] {strides = array<i32>} : memref<32x256xf32, #tpu.memory_space<vmem>>, vector<1x16xf32>,
        %get3A_352 = vector.shape_cast %get3A_351 : vector<1x16xf32> to vector<16xf32>
        %mul3A_353 = arith.mulf %broadcast_in_dim3A, %get3A_352 : vector<16xf32>
        %get3A_354 = arith.index_cast %scan3A_166 : i32 to index
        %get3A_355 = arith.constant 112 : index
        %get3A_356 = tpu.vector_load %arg12[%get3A_354, %get3A_355] {strides = array<i32>} : memref<32x256xf32, #tpu.memory_space<vmem>>, vector<1x16xf32>,
        %get3A_357 = vector.shape_cast %get3A_356 : vector<1x16xf32> to vector<16xf32>
        %mul3A_358 = arith.mulf %broadcast_in_dim3A_185, %get3A_357 : vector<16xf32>
        %add3A_359 = arith.addf %mul3A_353, %mul3A_358 : vector<16xf32>
        %get3A_360 = arith.index_cast %scan3A_166 : i32 to index
        %get3A_361 = arith.constant 112 : index
        %get3A_362 = tpu.vector_load %arg13[%get3A_360, %get3A_361] {strides = array<i32>} : memref<32x256xf32, #tpu.memory_space<vmem>>, vector<1x16xf32>,
        %get3A_363 = vector.shape_cast %get3A_362 : vector<1x16xf32> to vector<16xf32>
        %mul3A_364 = arith.mulf %broadcast_in_dim3A_195, %get3A_363 : vector<16xf32>
        %add3A_365 = arith.addf %add3A_359, %mul3A_364 : vector<16xf32>
        %swap3A_366 = arith.index_cast %scan3A_166 : i32 to index
        %swap3A_367 = arith.constant 112 : index
        %swap3A_368 = tpu.vector_load %arg15[%swap3A_366, %swap3A_367] {strides = array<i32>} : memref<32x256xf32, #tpu.memory_space<vmem>>, vector<1x16xf32>,
        %swap3A_369 = vector.shape_cast %swap3A_368 : vector<1x16xf32> to vector<16xf32>
        %swap3A_370 = vector.shape_cast %add3A_365 : vector<16xf32> to vector<1x16xf32>
        tpu.vector_store %arg15[%swap3A_366, %swap3A_367], %swap3A_370 {strides = array<i32>} : memref<32x256xf32, #tpu.memory_space<vmem>>, vector<1x16xf32>,
        %get3A_371 = arith.index_cast %scan3A_166 : i32 to index
        %get3A_372 = arith.constant 128 : index
        %get3A_373 = tpu.vector_load %arg11[%get3A_371, %get3A_372] {strides = array<i32>} : memref<32x256xf32, #tpu.memory_space<vmem>>, vector<1x16xf32>,
        %get3A_374 = vector.shape_cast %get3A_373 : vector<1x16xf32> to vector<16xf32>
        %mul3A_375 = arith.mulf %broadcast_in_dim3A, %get3A_374 : vector<16xf32>
        %get3A_376 = arith.index_cast %scan3A_166 : i32 to index
        %get3A_377 = arith.constant 128 : index
        %get3A_378 = tpu.vector_load %arg12[%get3A_376, %get3A_377] {strides = array<i32>} : memref<32x256xf32, #tpu.memory_space<vmem>>, vector<1x16xf32>,
        %get3A_379 = vector.shape_cast %get3A_378 : vector<1x16xf32> to vector<16xf32>
        %mul3A_380 = arith.mulf %broadcast_in_dim3A_185, %get3A_379 : vector<16xf32>
        %add3A_381 = arith.addf %mul3A_375, %mul3A_380 : vector<16xf32>
        %get3A_382 = arith.index_cast %scan3A_166 : i32 to index
        %get3A_383 = arith.constant 128 : index
        %get3A_384 = tpu.vector_load %arg13[%get3A_382, %get3A_383] {strides = array<i32>} : memref<32x256xf32, #tpu.memory_space<vmem>>, vector<1x16xf32>,
        %get3A_385 = vector.shape_cast %get3A_384 : vector<1x16xf32> to vector<16xf32>
        %mul3A_386 = arith.mulf %broadcast_in_dim3A_195, %get3A_385 : vector<16xf32>
        %add3A_387 = arith.addf %add3A_381, %mul3A_386 : vector<16xf32>
        %swap3A_388 = arith.index_cast %scan3A_166 : i32 to index
        %swap3A_389 = arith.constant 128 : index
        %swap3A_390 = tpu.vector_load %arg15[%swap3A_388, %swap3A_389] {strides = array<i32>} : memref<32x256xf32, #tpu.memory_space<vmem>>, vector<1x16xf32>,
        %swap3A_391 = vector.shape_cast %swap3A_390 : vector<1x16xf32> to vector<16xf32>
        %swap3A_392 = vector.shape_cast %add3A_387 : vector<16xf32> to vector<1x16xf32>
        tpu.vector_store %arg15[%swap3A_388, %swap3A_389], %swap3A_392 {strides = array<i32>} : memref<32x256xf32, #tpu.memory_space<vmem>>, vector<1x16xf32>,
        %get3A_393 = arith.index_cast %scan3A_166 : i32 to index
        %get3A_394 = arith.constant 144 : index
        %get3A_395 = tpu.vector_load %arg11[%get3A_393, %get3A_394] {strides = array<i32>} : memref<32x256xf32, #tpu.memory_space<vmem>>, vector<1x16xf32>,
        %get3A_396 = vector.shape_cast %get3A_395 : vector<1x16xf32> to vector<16xf32>
        %mul3A_397 = arith.mulf %broadcast_in_dim3A, %get3A_396 : vector<16xf32>
        %get3A_398 = arith.index_cast %scan3A_166 : i32 to index
        %get3A_399 = arith.constant 144 : index
        %get3A_400 = tpu.vector_load %arg12[%get3A_398, %get3A_399] {strides = array<i32>} : memref<32x256xf32, #tpu.memory_space<vmem>>, vector<1x16xf32>,
        %get3A_401 = vector.shape_cast %get3A_400 : vector<1x16xf32> to vector<16xf32>
        %mul3A_402 = arith.mulf %broadcast_in_dim3A_185, %get3A_401 : vector<16xf32>
        %add3A_403 = arith.addf %mul3A_397, %mul3A_402 : vector<16xf32>
        %get3A_404 = arith.index_cast %scan3A_166 : i32 to index
        %get3A_405 = arith.constant 144 : index
        %get3A_406 = tpu.vector_load %arg13[%get3A_404, %get3A_405] {strides = array<i32>} : memref<32x256xf32, #tpu.memory_space<vmem>>, vector<1x16xf32>,
        %get3A_407 = vector.shape_cast %get3A_406 : vector<1x16xf32> to vector<16xf32>
        %mul3A_408 = arith.mulf %broadcast_in_dim3A_195, %get3A_407 : vector<16xf32>
        %add3A_409 = arith.addf %add3A_403, %mul3A_408 : vector<16xf32>
        %swap3A_410 = arith.index_cast %scan3A_166 : i32 to index
        %swap3A_411 = arith.constant 144 : index
        %swap3A_412 = tpu.vector_load %arg15[%swap3A_410, %swap3A_411] {strides = array<i32>} : memref<32x256xf32, #tpu.memory_space<vmem>>, vector<1x16xf32>,
        %swap3A_413 = vector.shape_cast %swap3A_412 : vector<1x16xf32> to vector<16xf32>
        %swap3A_414 = vector.shape_cast %add3A_409 : vector<16xf32> to vector<1x16xf32>
        tpu.vector_store %arg15[%swap3A_410, %swap3A_411], %swap3A_414 {strides = array<i32>} : memref<32x256xf32, #tpu.memory_space<vmem>>, vector<1x16xf32>,
        %get3A_415 = arith.index_cast %scan3A_166 : i32 to index
        %get3A_416 = arith.constant 160 : index
        %get3A_417 = tpu.vector_load %arg11[%get3A_415, %get3A_416] {strides = array<i32>} : memref<32x256xf32, #tpu.memory_space<vmem>>, vector<1x16xf32>,
        %get3A_418 = vector.shape_cast %get3A_417 : vector<1x16xf32> to vector<16xf32>
        %mul3A_419 = arith.mulf %broadcast_in_dim3A, %get3A_418 : vector<16xf32>
        %get3A_420 = arith.index_cast %scan3A_166 : i32 to index
        %get3A_421 = arith.constant 160 : index
        %get3A_422 = tpu.vector_load %arg12[%get3A_420, %get3A_421] {strides = array<i32>} : memref<32x256xf32, #tpu.memory_space<vmem>>, vector<1x16xf32>,
        %get3A_423 = vector.shape_cast %get3A_422 : vector<1x16xf32> to vector<16xf32>
        %mul3A_424 = arith.mulf %broadcast_in_dim3A_185, %get3A_423 : vector<16xf32>
        %add3A_425 = arith.addf %mul3A_419, %mul3A_424 : vector<16xf32>
        %get3A_426 = arith.index_cast %scan3A_166 : i32 to index
        %get3A_427 = arith.constant 160 : index
        %get3A_428 = tpu.vector_load %arg13[%get3A_426, %get3A_427] {strides = array<i32>} : memref<32x256xf32, #tpu.memory_space<vmem>>, vector<1x16xf32>,
        %get3A_429 = vector.shape_cast %get3A_428 : vector<1x16xf32> to vector<16xf32>
        %mul3A_430 = arith.mulf %broadcast_in_dim3A_195, %get3A_429 : vector<16xf32>
        %add3A_431 = arith.addf %add3A_425, %mul3A_430 : vector<16xf32>
        %swap3A_432 = arith.index_cast %scan3A_166 : i32 to index
        %swap3A_433 = arith.constant 160 : index
        %swap3A_434 = tpu.vector_load %arg15[%swap3A_432, %swap3A_433] {strides = array<i32>} : memref<32x256xf32, #tpu.memory_space<vmem>>, vector<1x16xf32>,
        %swap3A_435 = vector.shape_cast %swap3A_434 : vector<1x16xf32> to vector<16xf32>
        %swap3A_436 = vector.shape_cast %add3A_431 : vector<16xf32> to vector<1x16xf32>
        tpu.vector_store %arg15[%swap3A_432, %swap3A_433], %swap3A_436 {strides = array<i32>} : memref<32x256xf32, #tpu.memory_space<vmem>>, vector<1x16xf32>,
        %get3A_437 = arith.index_cast %scan3A_166 : i32 to index
        %get3A_438 = arith.constant 176 : index
        %get3A_439 = tpu.vector_load %arg11[%get3A_437, %get3A_438] {strides = array<i32>} : memref<32x256xf32, #tpu.memory_space<vmem>>, vector<1x16xf32>,
        %get3A_440 = vector.shape_cast %get3A_439 : vector<1x16xf32> to vector<16xf32>
        %mul3A_441 = arith.mulf %broadcast_in_dim3A, %get3A_440 : vector<16xf32>
        %get3A_442 = arith.index_cast %scan3A_166 : i32 to index
        %get3A_443 = arith.constant 176 : index
        %get3A_444 = tpu.vector_load %arg12[%get3A_442, %get3A_443] {strides = array<i32>} : memref<32x256xf32, #tpu.memory_space<vmem>>, vector<1x16xf32>,
        %get3A_445 = vector.shape_cast %get3A_444 : vector<1x16xf32> to vector<16xf32>
        %mul3A_446 = arith.mulf %broadcast_in_dim3A_185, %get3A_445 : vector<16xf32>
        %add3A_447 = arith.addf %mul3A_441, %mul3A_446 : vector<16xf32>
        %get3A_448 = arith.index_cast %scan3A_166 : i32 to index
        %get3A_449 = arith.constant 176 : index
        %get3A_450 = tpu.vector_load %arg13[%get3A_448, %get3A_449] {strides = array<i32>} : memref<32x256xf32, #tpu.memory_space<vmem>>, vector<1x16xf32>,
        %get3A_451 = vector.shape_cast %get3A_450 : vector<1x16xf32> to vector<16xf32>
        %mul3A_452 = arith.mulf %broadcast_in_dim3A_195, %get3A_451 : vector<16xf32>
        %add3A_453 = arith.addf %add3A_447, %mul3A_452 : vector<16xf32>
        %swap3A_454 = arith.index_cast %scan3A_166 : i32 to index
        %swap3A_455 = arith.constant 176 : index
        %swap3A_456 = tpu.vector_load %arg15[%swap3A_454, %swap3A_455] {strides = array<i32>} : memref<32x256xf32, #tpu.memory_space<vmem>>, vector<1x16xf32>,
        %swap3A_457 = vector.shape_cast %swap3A_456 : vector<1x16xf32> to vector<16xf32>
        %swap3A_458 = vector.shape_cast %add3A_453 : vector<16xf32> to vector<1x16xf32>
        tpu.vector_store %arg15[%swap3A_454, %swap3A_455], %swap3A_458 {strides = array<i32>} : memref<32x256xf32, #tpu.memory_space<vmem>>, vector<1x16xf32>,
        %get3A_459 = arith.index_cast %scan3A_166 : i32 to index
        %get3A_460 = arith.constant 192 : index
        %get3A_461 = tpu.vector_load %arg11[%get3A_459, %get3A_460] {strides = array<i32>} : memref<32x256xf32, #tpu.memory_space<vmem>>, vector<1x16xf32>,
        %get3A_462 = vector.shape_cast %get3A_461 : vector<1x16xf32> to vector<16xf32>
        %mul3A_463 = arith.mulf %broadcast_in_dim3A, %get3A_462 : vector<16xf32>
        %get3A_464 = arith.index_cast %scan3A_166 : i32 to index
        %get3A_465 = arith.constant 192 : index
        %get3A_466 = tpu.vector_load %arg12[%get3A_464, %get3A_465] {strides = array<i32>} : memref<32x256xf32, #tpu.memory_space<vmem>>, vector<1x16xf32>,
        %get3A_467 = vector.shape_cast %get3A_466 : vector<1x16xf32> to vector<16xf32>
        %mul3A_468 = arith.mulf %broadcast_in_dim3A_185, %get3A_467 : vector<16xf32>
        %add3A_469 = arith.addf %mul3A_463, %mul3A_468 : vector<16xf32>
        %get3A_470 = arith.index_cast %scan3A_166 : i32 to index
        %get3A_471 = arith.constant 192 : index
        %get3A_472 = tpu.vector_load %arg13[%get3A_470, %get3A_471] {strides = array<i32>} : memref<32x256xf32, #tpu.memory_space<vmem>>, vector<1x16xf32>,
        %get3A_473 = vector.shape_cast %get3A_472 : vector<1x16xf32> to vector<16xf32>
        %mul3A_474 = arith.mulf %broadcast_in_dim3A_195, %get3A_473 : vector<16xf32>
        %add3A_475 = arith.addf %add3A_469, %mul3A_474 : vector<16xf32>
        %swap3A_476 = arith.index_cast %scan3A_166 : i32 to index
        %swap3A_477 = arith.constant 192 : index
        %swap3A_478 = tpu.vector_load %arg15[%swap3A_476, %swap3A_477] {strides = array<i32>} : memref<32x256xf32, #tpu.memory_space<vmem>>, vector<1x16xf32>,
        %swap3A_479 = vector.shape_cast %swap3A_478 : vector<1x16xf32> to vector<16xf32>
        %swap3A_480 = vector.shape_cast %add3A_475 : vector<16xf32> to vector<1x16xf32>
        tpu.vector_store %arg15[%swap3A_476, %swap3A_477], %swap3A_480 {strides = array<i32>} : memref<32x256xf32, #tpu.memory_space<vmem>>, vector<1x16xf32>,
        %get3A_481 = arith.index_cast %scan3A_166 : i32 to index
        %get3A_482 = arith.constant 208 : index
        %get3A_483 = tpu.vector_load %arg11[%get3A_481, %get3A_482] {strides = array<i32>} : memref<32x256xf32, #tpu.memory_space<vmem>>, vector<1x16xf32>,
        %get3A_484 = vector.shape_cast %get3A_483 : vector<1x16xf32> to vector<16xf32>
        %mul3A_485 = arith.mulf %broadcast_in_dim3A, %get3A_484 : vector<16xf32>
        %get3A_486 = arith.index_cast %scan3A_166 : i32 to index
        %get3A_487 = arith.constant 208 : index
        %get3A_488 = tpu.vector_load %arg12[%get3A_486, %get3A_487] {strides = array<i32>} : memref<32x256xf32, #tpu.memory_space<vmem>>, vector<1x16xf32>,
        %get3A_489 = vector.shape_cast %get3A_488 : vector<1x16xf32> to vector<16xf32>
        %mul3A_490 = arith.mulf %broadcast_in_dim3A_185, %get3A_489 : vector<16xf32>
        %add3A_491 = arith.addf %mul3A_485, %mul3A_490 : vector<16xf32>
        %get3A_492 = arith.index_cast %scan3A_166 : i32 to index
        %get3A_493 = arith.constant 208 : index
        %get3A_494 = tpu.vector_load %arg13[%get3A_492, %get3A_493] {strides = array<i32>} : memref<32x256xf32, #tpu.memory_space<vmem>>, vector<1x16xf32>,
        %get3A_495 = vector.shape_cast %get3A_494 : vector<1x16xf32> to vector<16xf32>
        %mul3A_496 = arith.mulf %broadcast_in_dim3A_195, %get3A_495 : vector<16xf32>
        %add3A_497 = arith.addf %add3A_491, %mul3A_496 : vector<16xf32>
        %swap3A_498 = arith.index_cast %scan3A_166 : i32 to index
        %swap3A_499 = arith.constant 208 : index
        %swap3A_500 = tpu.vector_load %arg15[%swap3A_498, %swap3A_499] {strides = array<i32>} : memref<32x256xf32, #tpu.memory_space<vmem>>, vector<1x16xf32>,
        %swap3A_501 = vector.shape_cast %swap3A_500 : vector<1x16xf32> to vector<16xf32>
        %swap3A_502 = vector.shape_cast %add3A_497 : vector<16xf32> to vector<1x16xf32>
        tpu.vector_store %arg15[%swap3A_498, %swap3A_499], %swap3A_502 {strides = array<i32>} : memref<32x256xf32, #tpu.memory_space<vmem>>, vector<1x16xf32>,
        %get3A_503 = arith.index_cast %scan3A_166 : i32 to index
        %get3A_504 = arith.constant 224 : index
        %get3A_505 = tpu.vector_load %arg11[%get3A_503, %get3A_504] {strides = array<i32>} : memref<32x256xf32, #tpu.memory_space<vmem>>, vector<1x16xf32>,
        %get3A_506 = vector.shape_cast %get3A_505 : vector<1x16xf32> to vector<16xf32>
        %mul3A_507 = arith.mulf %broadcast_in_dim3A, %get3A_506 : vector<16xf32>
        %get3A_508 = arith.index_cast %scan3A_166 : i32 to index
        %get3A_509 = arith.constant 224 : index
        %get3A_510 = tpu.vector_load %arg12[%get3A_508, %get3A_509] {strides = array<i32>} : memref<32x256xf32, #tpu.memory_space<vmem>>, vector<1x16xf32>,
        %get3A_511 = vector.shape_cast %get3A_510 : vector<1x16xf32> to vector<16xf32>
        %mul3A_512 = arith.mulf %broadcast_in_dim3A_185, %get3A_511 : vector<16xf32>
        %add3A_513 = arith.addf %mul3A_507, %mul3A_512 : vector<16xf32>
        %get3A_514 = arith.index_cast %scan3A_166 : i32 to index
        %get3A_515 = arith.constant 224 : index
        %get3A_516 = tpu.vector_load %arg13[%get3A_514, %get3A_515] {strides = array<i32>} : memref<32x256xf32, #tpu.memory_space<vmem>>, vector<1x16xf32>,
        %get3A_517 = vector.shape_cast %get3A_516 : vector<1x16xf32> to vector<16xf32>
        %mul3A_518 = arith.mulf %broadcast_in_dim3A_195, %get3A_517 : vector<16xf32>
        %add3A_519 = arith.addf %add3A_513, %mul3A_518 : vector<16xf32>
        %swap3A_520 = arith.index_cast %scan3A_166 : i32 to index
        %swap3A_521 = arith.constant 224 : index
        %swap3A_522 = tpu.vector_load %arg15[%swap3A_520, %swap3A_521] {strides = array<i32>} : memref<32x256xf32, #tpu.memory_space<vmem>>, vector<1x16xf32>,
        %swap3A_523 = vector.shape_cast %swap3A_522 : vector<1x16xf32> to vector<16xf32>
        %swap3A_524 = vector.shape_cast %add3A_519 : vector<16xf32> to vector<1x16xf32>
        tpu.vector_store %arg15[%swap3A_520, %swap3A_521], %swap3A_524 {strides = array<i32>} : memref<32x256xf32, #tpu.memory_space<vmem>>, vector<1x16xf32>,
        %get3A_525 = arith.index_cast %scan3A_166 : i32 to index
        %get3A_526 = arith.constant 240 : index
        %get3A_527 = tpu.vector_load %arg11[%get3A_525, %get3A_526] {strides = array<i32>} : memref<32x256xf32, #tpu.memory_space<vmem>>, vector<1x16xf32>,
        %get3A_528 = vector.shape_cast %get3A_527 : vector<1x16xf32> to vector<16xf32>
        %mul3A_529 = arith.mulf %broadcast_in_dim3A, %get3A_528 : vector<16xf32>
        %get3A_530 = arith.index_cast %scan3A_166 : i32 to index
        %get3A_531 = arith.constant 240 : index
        %get3A_532 = tpu.vector_load %arg12[%get3A_530, %get3A_531] {strides = array<i32>} : memref<32x256xf32, #tpu.memory_space<vmem>>, vector<1x16xf32>,
        %get3A_533 = vector.shape_cast %get3A_532 : vector<1x16xf32> to vector<16xf32>
        %mul3A_534 = arith.mulf %broadcast_in_dim3A_185, %get3A_533 : vector<16xf32>
        %add3A_535 = arith.addf %mul3A_529, %mul3A_534 : vector<16xf32>
        %get3A_536 = arith.index_cast %scan3A_166 : i32 to index
        %get3A_537 = arith.constant 240 : index
        %get3A_538 = tpu.vector_load %arg13[%get3A_536, %get3A_537] {strides = array<i32>} : memref<32x256xf32, #tpu.memory_space<vmem>>, vector<1x16xf32>,
        %get3A_539 = vector.shape_cast %get3A_538 : vector<1x16xf32> to vector<16xf32>
        %mul3A_540 = arith.mulf %broadcast_in_dim3A_195, %get3A_539 : vector<16xf32>
        %add3A_541 = arith.addf %add3A_535, %mul3A_540 : vector<16xf32>
        %swap3A_542 = arith.index_cast %scan3A_166 : i32 to index
        %swap3A_543 = arith.constant 240 : index
        %swap3A_544 = tpu.vector_load %arg15[%swap3A_542, %swap3A_543] {strides = array<i32>} : memref<32x256xf32, #tpu.memory_space<vmem>>, vector<1x16xf32>,
        %swap3A_545 = vector.shape_cast %swap3A_544 : vector<1x16xf32> to vector<16xf32>
        %swap3A_546 = vector.shape_cast %add3A_541 : vector<16xf32> to vector<1x16xf32>
        tpu.vector_store %arg15[%swap3A_542, %swap3A_543], %swap3A_546 {strides = array<i32>} : memref<32x256xf32, #tpu.memory_space<vmem>>, vector<1x16xf32>,
      }
      %scan3A_151 = arith.constant 32 : i32
      %mul3A_152 = arith.constant 32 : i32
      %mul3A_153 = arith.muli %add3A_122, %mul3A_152 : i32
      %add3A_154 = arith.addi %mul3A_2, %mul3A_153 : i32
      %dma_start3A_155 = arith.constant 0 : i32
      %dma_start3A_156 = tpu.memref_slice %arg5[%add3A_154, %dma_start3A_155] : memref<32768x256xf32, #tpu.memory_space<hbm>> -> memref<32x256xf32, #tpu.memory_space<hbm>>
      %dma_start3A_157 = arith.constant 0 : i32
      %dma_start3A_158 = tpu.memref_slice %arg5[%add3A_154, %dma_start3A_157] : memref<32768x256xf32, #tpu.memory_space<hbm>> -> memref<32x256xf32, #tpu.memory_space<hbm>>
      tpu.enqueue_dma source(%arg15 : memref<32x256xf32, #tpu.memory_space<vmem>>) target(%dma_start3A_158 : memref<32x256xf32, #tpu.memory_space<hbm>>) target_semaphore(%arg19 : memref<!tpu.dma_semaphore, #tpu.memory_space<semaphore_mem>>)
      %add3A_159 = arith.constant 2 : i32
      %add3A_160 = arith.addi %add3A_122, %add3A_159 : i32
      %lt3A_161 = arith.constant 32 : i32
      %lt3A_162 = arith.cmpi slt, %add3A_160, %lt3A_161 : i32
      %convert_element_type3A_163 = arith.extui %lt3A_162 : i1 to i32
      %cond3A_164 = arith.constant 0 : i32
      %cond3A_165 = arith.cmpi ne, %convert_element_type3A_163, %cond3A_164 : i32
      scf.if %cond3A_165 {
        %add3A_166 = arith.constant 2 : i32
        %add3A_167 = arith.addi %add3A_122, %add3A_166 : i32
        %dma_start3A_168 = arith.constant 0 : i32
        %dma_start3A_169 = arith.constant 0 : i32
        %dma_start3A_170 = tpu.memref_slice %arg6[%dma_start3A_168, %add3A_167, %dma_start3A_169] : memref<3x32x32xi32, #tpu.memory_space<vmem>> -> memref<1x1x32xi32, #tpu.memory_space<vmem>>
        %dma_start3A_171 = tpu.memref_squeeze %dma_start3A_170 : memref<1x1x32xi32, #tpu.memory_space<vmem>> -> memref<32xi32, #tpu.memory_space<vmem>>
        %dma_start3A_172 = arith.constant 0 : i32
        %dma_start3A_173 = arith.constant 0 : i32
        %dma_start3A_174 = tpu.memref_slice %arg2[%dma_start3A_172, %dma_start3A_173] : memref<8192x256xf32, #tpu.memory_space<hbm>> -> memref<8192x256xf32, #tpu.memory_space<hbm>>
        tpu.enqueue_indirect_dma source(%dma_start3A_174 : memref<8192x256xf32, #tpu.memory_space<hbm>>) target(%arg11 : memref<32x256xf32, #tpu.memory_space<vmem>>) offsets(%dma_start3A_171 : memref<32xi32, #tpu.memory_space<vmem>>) semaphore(%arg17 : memref<!tpu.dma_semaphore, #tpu.memory_space<semaphore_mem>>)
        %dma_start3A_175 = arith.constant 1 : i32
        %dma_start3A_176 = arith.constant 0 : i32
        %dma_start3A_177 = tpu.memref_slice %arg6[%dma_start3A_175, %add3A_167, %dma_start3A_176] : memref<3x32x32xi32, #tpu.memory_space<vmem>> -> memref<1x1x32xi32, #tpu.memory_space<vmem>>
        %dma_start3A_178 = tpu.memref_squeeze %dma_start3A_177 : memref<1x1x32xi32, #tpu.memory_space<vmem>> -> memref<32xi32, #tpu.memory_space<vmem>>
        %dma_start3A_179 = arith.constant 0 : i32
        %dma_start3A_180 = arith.constant 0 : i32
        %dma_start3A_181 = tpu.memref_slice %arg2[%dma_start3A_179, %dma_start3A_180] : memref<8192x256xf32, #tpu.memory_space<hbm>> -> memref<8192x256xf32, #tpu.memory_space<hbm>>
        tpu.enqueue_indirect_dma source(%dma_start3A_181 : memref<8192x256xf32, #tpu.memory_space<hbm>>) target(%arg12 : memref<32x256xf32, #tpu.memory_space<vmem>>) offsets(%dma_start3A_178 : memref<32xi32, #tpu.memory_space<vmem>>) semaphore(%arg17 : memref<!tpu.dma_semaphore, #tpu.memory_space<semaphore_mem>>)
        %dma_start3A_182 = arith.constant 2 : i32
        %dma_start3A_183 = arith.constant 0 : i32
        %dma_start3A_184 = tpu.memref_slice %arg6[%dma_start3A_182, %add3A_167, %dma_start3A_183] : memref<3x32x32xi32, #tpu.memory_space<vmem>> -> memref<1x1x32xi32, #tpu.memory_space<vmem>>
        %dma_start3A_185 = tpu.memref_squeeze %dma_start3A_184 : memref<1x1x32xi32, #tpu.memory_space<vmem>> -> memref<32xi32, #tpu.memory_space<vmem>>
        %dma_start3A_186 = arith.constant 0 : i32
        %dma_start3A_187 = arith.constant 0 : i32
        %dma_start3A_188 = tpu.memref_slice %arg2[%dma_start3A_186, %dma_start3A_187] : memref<8192x256xf32, #tpu.memory_space<hbm>> -> memref<8192x256xf32, #tpu.memory_space<hbm>>
        tpu.enqueue_indirect_dma source(%dma_start3A_188 : memref<8192x256xf32, #tpu.memory_space<hbm>>) target(%arg13 : memref<32x256xf32, #tpu.memory_space<vmem>>) offsets(%dma_start3A_185 : memref<32xi32, #tpu.memory_space<vmem>>) semaphore(%arg17 : memref<!tpu.dma_semaphore, #tpu.memory_space<semaphore_mem>>)
      } else {
      }
    }
    %scan3A_65 = arith.constant 16 : i32
    %dma_wait3A = arith.constant 0 : i32
    %dma_wait3A_66 = arith.constant 0 : i32
    %dma_wait3A_67 = tpu.memref_slice %arg2[%dma_wait3A, %dma_wait3A_66] : memref<8192x256xf32, #tpu.memory_space<hbm>> -> memref<32x256xf32, #tpu.memory_space<hbm>>
    %dma_wait3A_68 = arith.constant 0 : i32
    %dma_wait3A_69 = arith.constant 0 : i32
    %dma_wait3A_70 = tpu.memref_slice %arg2[%dma_wait3A_68, %dma_wait3A_69] : memref<8192x256xf32, #tpu.memory_space<hbm>> -> memref<32x256xf32, #tpu.memory_space<hbm>>
    tpu.wait_dma2 semaphore(%arg18 : memref<!tpu.dma_semaphore, #tpu.memory_space<semaphore_mem>>) src(%dma_wait3A_70 : memref<32x256xf32, #tpu.memory_space<hbm>>) dst(%arg14 : memref<32x256xf32, #tpu.memory_space<vmem>>)
    %dma_wait3A_71 = arith.constant 0 : i32
    %dma_wait3A_72 = arith.constant 0 : i32
    %dma_wait3A_73 = tpu.memref_slice %arg2[%dma_wait3A_71, %dma_wait3A_72] : memref<8192x256xf32, #tpu.memory_space<hbm>> -> memref<32x256xf32, #tpu.memory_space<hbm>>
    %dma_wait3A_74 = arith.constant 0 : i32
    %dma_wait3A_75 = arith.constant 0 : i32
    %dma_wait3A_76 = tpu.memref_slice %arg2[%dma_wait3A_74, %dma_wait3A_75] : memref<8192x256xf32, #tpu.memory_space<hbm>> -> memref<32x256xf32, #tpu.memory_space<hbm>>
    tpu.wait_dma2 semaphore(%arg19 : memref<!tpu.dma_semaphore, #tpu.memory_space<semaphore_mem>>) src(%dma_wait3A_76 : memref<32x256xf32, #tpu.memory_space<hbm>>) dst(%arg15 : memref<32x256xf32, #tpu.memory_space<vmem>>)
    return
  }
}

module attributes {stable_mosaic.version = 14 : i64} {
  func.func @_three_nn_kernel(%arg0: i32, %arg1: memref<1x3x1024xf32, #tpu.memory_space<vmem>>, %arg2: memref<1x2048x3xf32, #tpu.memory_space<vmem>>, %arg3: memref<3x1024xi32, #tpu.memory_space<vmem>>, %arg4: memref<3x1024xf32, #tpu.memory_space<vmem>>) attributes {dimension_semantics = [#tpu.dimension_semantics<arbitrary>], iteration_bounds = array<i64: 32>, scalar_prefetch = 0 : i64, scratch_operands = 0 : i64, tpu.core_type = #tpu.core_type<tc>, window_params = [{transform_indices = @transform_0, window_bounds = array<i64: 1, 3, 1024>}, {transform_indices = @transform_1, window_bounds = array<i64: 1, 2048, 3>}, {transform_indices = @transform_2, window_bounds = array<i64: 3, 1024>}, {transform_indices = @transform_3, window_bounds = array<i64: 3, 1024>}]} {
    %get3A = arith.constant 0 : index
    %get3A_0 = arith.constant 0 : index
    %get3A_1 = arith.constant 0 : index
    %get3A_2 = vector.load %arg1[%get3A, %get3A_0, %get3A_1] : memref<1x3x1024xf32, #tpu.memory_space<vmem>>, vector<1x3x1024xf32>
    %get3A_3 = vector.shape_cast %get3A_2 : vector<1x3x1024xf32> to vector<3x1024xf32>
    %get3A_4 = arith.constant 0 : index
    %get3A_5 = arith.constant 0 : index
    %get3A_6 = arith.constant 0 : index
    %get3A_7 = vector.load %arg2[%get3A_4, %get3A_5, %get3A_6] : memref<1x2048x3xf32, #tpu.memory_space<vmem>>, vector<1x2048x3xf32>
    %get3A_8 = vector.shape_cast %get3A_7 : vector<1x2048x3xf32> to vector<2048x3xf32>
    %mul3A = arith.mulf %get3A_8, %get3A_8 : vector<2048x3xf32>
    %reduce_sum3A = arith.constant dense<0.000000e+00> : vector<2048xf32>
    %reduce_sum3A_9 = vector.multi_reduction <add>, %mul3A, %reduce_sum3A [1] : vector<2048x3xf32> to vector<2048xf32>
    %broadcast_in_dim3A = vector.shape_cast %reduce_sum3A_9 : vector<2048xf32> to vector<2048x1xf32>
    %dot_general3A = arith.constant dense<0.000000e+00> : vector<2048x1024xf32>
    %dot_general3A_10 = tpu.matmul %get3A_8, %get3A_3, %dot_general3A {dimension_numbers = #tpu.dot_dimension_numbers<[1], [0], [0], [1], [0, 0, 1, 1], [], []>, transpose_lhs_hint = false} : vector<2048x3xf32>, vector<3x1024xf32>, vector<2048x1024xf32> -> vector<2048x1024xf32>
    %mul3A_11 = arith.constant 2.000000e+00 : f32
    %mul3A_12 = vector.broadcast %mul3A_11 : f32 to vector<2048x1024xf32>
    %mul3A_13 = arith.mulf %mul3A_12, %dot_general3A_10 : vector<2048x1024xf32>
    %sub3A = vector.broadcast %broadcast_in_dim3A : vector<2048x1xf32> to vector<2048x1024xf32>
    %sub3A_14 = arith.subf %sub3A, %mul3A_13 : vector<2048x1024xf32>
    %mul3A_15 = arith.mulf %get3A_3, %get3A_3 : vector<3x1024xf32>
    %reduce_sum3A_16 = arith.constant dense<0.000000e+00> : vector<1024xf32>
    %reduce_sum3A_17 = vector.multi_reduction <add>, %mul3A_15, %reduce_sum3A_16 [0] : vector<3x1024xf32> to vector<1024xf32>
    %broadcast_in_dim3A_18 = vector.shape_cast %reduce_sum3A_17 : vector<1024xf32> to vector<1x1024xf32>
    %iota3A = tpu.iota {dimensions = array<i32: 0>} : vector<2048x1024xi32>
    %reduce_min3A = arith.constant dense<0x7F800000> : vector<1024xf32>
    %reduce_min3A_19 = vector.multi_reduction <minimumf>, %sub3A_14, %reduce_min3A [0] : vector<2048x1024xf32> to vector<1024xf32>
    %broadcast_in_dim3A_20 = vector.shape_cast %reduce_min3A_19 : vector<1024xf32> to vector<1x1024xf32>
    %eq3A = vector.broadcast %broadcast_in_dim3A_20 : vector<1x1024xf32> to vector<2048x1024xf32>
    %eq3A_21 = arith.cmpf oeq, %sub3A_14, %eq3A : vector<2048x1024xf32>
    %jit3A = arith.constant 2048 : i32
    %broadcast_in_dim3A_22 = vector.broadcast %jit3A : i32 to vector<2048x1024xi32>
    %select_n3A = arith.select %eq3A_21, %iota3A, %broadcast_in_dim3A_22 : vector<2048x1024xi1>, vector<2048x1024xi32>
    %reduce_min3A_23 = arith.constant dense<2147483647> : vector<1024xi32>
    %reduce_min3A_24 = vector.multi_reduction <minsi>, %select_n3A, %reduce_min3A_23 [0] : vector<2048x1024xi32> to vector<1024xi32>
    %broadcast_in_dim3A_25 = vector.shape_cast %reduce_min3A_24 : vector<1024xi32> to vector<1x1024xi32>
    %eq3A_26 = vector.broadcast %broadcast_in_dim3A_20 : vector<1x1024xf32> to vector<2048x1024xf32>
    %eq3A_27 = arith.cmpf oeq, %sub3A_14, %eq3A_26 : vector<2048x1024xf32>
    %jit3A_28 = arith.constant 0x7F800000 : f32
    %broadcast_in_dim3A_29 = vector.broadcast %jit3A_28 : f32 to vector<2048x1024xf32>
    %select_n3A_30 = arith.select %eq3A_27, %broadcast_in_dim3A_29, %sub3A_14 : vector<2048x1024xi1>, vector<2048x1024xf32>
    %reduce_min3A_31 = arith.constant dense<0x7F800000> : vector<1024xf32>
    %reduce_min3A_32 = vector.multi_reduction <minimumf>, %select_n3A_30, %reduce_min3A_31 [0] : vector<2048x1024xf32> to vector<1024xf32>
    %broadcast_in_dim3A_33 = vector.shape_cast %reduce_min3A_32 : vector<1024xf32> to vector<1x1024xf32>
    %eq3A_34 = vector.broadcast %broadcast_in_dim3A_33 : vector<1x1024xf32> to vector<2048x1024xf32>
    %eq3A_35 = arith.cmpf oeq, %select_n3A_30, %eq3A_34 : vector<2048x1024xf32>
    %jit3A_36 = arith.constant 2048 : i32
    %broadcast_in_dim3A_37 = vector.broadcast %jit3A_36 : i32 to vector<2048x1024xi32>
    %select_n3A_38 = arith.select %eq3A_35, %iota3A, %broadcast_in_dim3A_37 : vector<2048x1024xi1>, vector<2048x1024xi32>
    %reduce_min3A_39 = arith.constant dense<2147483647> : vector<1024xi32>
    %reduce_min3A_40 = vector.multi_reduction <minsi>, %select_n3A_38, %reduce_min3A_39 [0] : vector<2048x1024xi32> to vector<1024xi32>
    %broadcast_in_dim3A_41 = vector.shape_cast %reduce_min3A_40 : vector<1024xi32> to vector<1x1024xi32>
    %eq3A_42 = vector.broadcast %broadcast_in_dim3A_33 : vector<1x1024xf32> to vector<2048x1024xf32>
    %eq3A_43 = arith.cmpf oeq, %select_n3A_30, %eq3A_42 : vector<2048x1024xf32>
    %jit3A_44 = arith.constant 0x7F800000 : f32
    %broadcast_in_dim3A_45 = vector.broadcast %jit3A_44 : f32 to vector<2048x1024xf32>
    %select_n3A_46 = arith.select %eq3A_43, %broadcast_in_dim3A_45, %select_n3A_30 : vector<2048x1024xi1>, vector<2048x1024xf32>
    %reduce_min3A_47 = arith.constant dense<0x7F800000> : vector<1024xf32>
    %reduce_min3A_48 = vector.multi_reduction <minimumf>, %select_n3A_46, %reduce_min3A_47 [0] : vector<2048x1024xf32> to vector<1024xf32>
    %broadcast_in_dim3A_49 = vector.shape_cast %reduce_min3A_48 : vector<1024xf32> to vector<1x1024xf32>
    %eq3A_50 = vector.broadcast %broadcast_in_dim3A_49 : vector<1x1024xf32> to vector<2048x1024xf32>
    %eq3A_51 = arith.cmpf oeq, %select_n3A_46, %eq3A_50 : vector<2048x1024xf32>
    %jit3A_52 = arith.constant 2048 : i32
    %broadcast_in_dim3A_53 = vector.broadcast %jit3A_52 : i32 to vector<2048x1024xi32>
    %select_n3A_54 = arith.select %eq3A_51, %iota3A, %broadcast_in_dim3A_53 : vector<2048x1024xi1>, vector<2048x1024xi32>
    %reduce_min3A_55 = arith.constant dense<2147483647> : vector<1024xi32>
    %reduce_min3A_56 = vector.multi_reduction <minsi>, %select_n3A_54, %reduce_min3A_55 [0] : vector<2048x1024xi32> to vector<1024xi32>
    %broadcast_in_dim3A_57 = vector.shape_cast %reduce_min3A_56 : vector<1024xi32> to vector<1x1024xi32>
    %add3A = arith.addf %broadcast_in_dim3A_20, %broadcast_in_dim3A_18 : vector<1x1024xf32>
    %max3A = arith.constant 0.000000e+00 : f32
    %max3A_58 = vector.broadcast %max3A : f32 to vector<1x1024xf32>
    %max3A_59 = arith.maximumf %add3A, %max3A_58 : vector<1x1024xf32>
    %add3A_60 = arith.addf %broadcast_in_dim3A_33, %broadcast_in_dim3A_18 : vector<1x1024xf32>
    %max3A_61 = arith.constant 0.000000e+00 : f32
    %max3A_62 = vector.broadcast %max3A_61 : f32 to vector<1x1024xf32>
    %max3A_63 = arith.maximumf %add3A_60, %max3A_62 : vector<1x1024xf32>
    %add3A_64 = arith.addf %broadcast_in_dim3A_49, %broadcast_in_dim3A_18 : vector<1x1024xf32>
    %max3A_65 = arith.constant 0.000000e+00 : f32
    %max3A_66 = vector.broadcast %max3A_65 : f32 to vector<1x1024xf32>
    %max3A_67 = arith.maximumf %add3A_64, %max3A_66 : vector<1x1024xf32>
    %lt3A = arith.constant 1.000000e-10 : f32
    %lt3A_68 = vector.broadcast %lt3A : f32 to vector<1x1024xf32>
    %lt3A_69 = arith.cmpf olt, %max3A_59, %lt3A_68 : vector<1x1024xf32>
    %jit3A_70 = arith.constant 1.000000e-10 : f32
    %broadcast_in_dim3A_71 = vector.broadcast %jit3A_70 : f32 to vector<1x1024xf32>
    %select_n3A_72 = arith.select %lt3A_69, %broadcast_in_dim3A_71, %max3A_59 : vector<1x1024xi1>, vector<1x1024xf32>
    %lt3A_73 = arith.constant 1.000000e-10 : f32
    %lt3A_74 = vector.broadcast %lt3A_73 : f32 to vector<1x1024xf32>
    %lt3A_75 = arith.cmpf olt, %max3A_63, %lt3A_74 : vector<1x1024xf32>
    %jit3A_76 = arith.constant 1.000000e-10 : f32
    %broadcast_in_dim3A_77 = vector.broadcast %jit3A_76 : f32 to vector<1x1024xf32>
    %select_n3A_78 = arith.select %lt3A_75, %broadcast_in_dim3A_77, %max3A_63 : vector<1x1024xi1>, vector<1x1024xf32>
    %lt3A_79 = arith.constant 1.000000e-10 : f32
    %lt3A_80 = vector.broadcast %lt3A_79 : f32 to vector<1x1024xf32>
    %lt3A_81 = arith.cmpf olt, %max3A_67, %lt3A_80 : vector<1x1024xf32>
    %jit3A_82 = arith.constant 1.000000e-10 : f32
    %broadcast_in_dim3A_83 = vector.broadcast %jit3A_82 : f32 to vector<1x1024xf32>
    %select_n3A_84 = arith.select %lt3A_81, %broadcast_in_dim3A_83, %max3A_67 : vector<1x1024xi1>, vector<1x1024xf32>
    %add3A_85 = arith.constant 9.99999993E-9 : f32
    %add3A_86 = vector.broadcast %add3A_85 : f32 to vector<1x1024xf32>
    %add3A_87 = arith.addf %select_n3A_72, %add3A_86 : vector<1x1024xf32>
    %div3A = arith.constant 1.000000e+00 : f32
    %div3A_88 = vector.broadcast %div3A : f32 to vector<1x1024xf32>
    %div3A_89 = arith.divf %div3A_88, %add3A_87 : vector<1x1024xf32>
    %add3A_90 = arith.constant 9.99999993E-9 : f32
    %add3A_91 = vector.broadcast %add3A_90 : f32 to vector<1x1024xf32>
    %add3A_92 = arith.addf %select_n3A_78, %add3A_91 : vector<1x1024xf32>
    %div3A_93 = arith.constant 1.000000e+00 : f32
    %div3A_94 = vector.broadcast %div3A_93 : f32 to vector<1x1024xf32>
    %div3A_95 = arith.divf %div3A_94, %add3A_92 : vector<1x1024xf32>
    %add3A_96 = arith.constant 9.99999993E-9 : f32
    %add3A_97 = vector.broadcast %add3A_96 : f32 to vector<1x1024xf32>
    %add3A_98 = arith.addf %select_n3A_84, %add3A_97 : vector<1x1024xf32>
    %div3A_99 = arith.constant 1.000000e+00 : f32
    %div3A_100 = vector.broadcast %div3A_99 : f32 to vector<1x1024xf32>
    %div3A_101 = arith.divf %div3A_100, %add3A_98 : vector<1x1024xf32>
    %add3A_102 = arith.addf %div3A_89, %div3A_95 : vector<1x1024xf32>
    %add3A_103 = arith.addf %add3A_102, %div3A_101 : vector<1x1024xf32>
    %jit3A_104 = arith.constant 8 : i32
    %div3A_105 = arith.divsi %arg0, %jit3A_104 : i32
    %sign3A = arith.constant 0 : i32
    %sign3A_106 = arith.cmpi sgt, %arg0, %sign3A : i32
    %sign3A_107 = arith.extui %sign3A_106 : i1 to i32
    %sign3A_108 = arith.constant 0 : i32
    %sign3A_109 = arith.cmpi slt, %arg0, %sign3A_108 : i32
    %sign3A_110 = arith.extui %sign3A_109 : i1 to i32
    %sign3A_111 = arith.subi %sign3A_107, %sign3A_110 : i32
    %sign3A_112 = arith.constant 0 : i32
    %sign3A_113 = arith.cmpi sgt, %jit3A_104, %sign3A_112 : i32
    %sign3A_114 = arith.extui %sign3A_113 : i1 to i32
    %sign3A_115 = arith.constant 0 : i32
    %sign3A_116 = arith.cmpi slt, %jit3A_104, %sign3A_115 : i32
    %sign3A_117 = arith.extui %sign3A_116 : i1 to i32
    %sign3A_118 = arith.subi %sign3A_114, %sign3A_117 : i32
    %ne3A = arith.cmpi ne, %sign3A_111, %sign3A_118 : i32
    %rem3A = arith.remsi %arg0, %jit3A_104 : i32
    %ne3A_119 = arith.constant 0 : i32
    %ne3A_120 = arith.cmpi ne, %rem3A, %ne3A_119 : i32
    %and3A = arith.andi %ne3A, %ne3A_120 : i1
    %sub3A_121 = arith.constant 1 : i32
    %sub3A_122 = arith.subi %div3A_105, %sub3A_121 : i32
    %select_n3A_123 = arith.select %and3A, %sub3A_122, %div3A_105 : i32
    %add3A_124 = arith.constant 0 : i32
    %add3A_125 = arith.addi %add3A_124, %select_n3A_123 : i32
    %mul3A_126 = arith.constant 2048 : i32
    %mul3A_127 = arith.muli %add3A_125, %mul3A_126 : i32
    %concatenate3A = tpu.concatenate %broadcast_in_dim3A_25, %broadcast_in_dim3A_41, %broadcast_in_dim3A_57 in 0 : vector<1x1024xi32>, vector<1x1024xi32>, vector<1x1024xi32> -> vector<3x1024xi32>
    %add3A_128 = vector.broadcast %mul3A_127 : i32 to vector<3x1024xi32>
    %add3A_129 = arith.addi %concatenate3A, %add3A_128 : vector<3x1024xi32>
    %swap3A = arith.constant 0 : index
    %swap3A_130 = arith.constant 0 : index
    %swap3A_131 = vector.load %arg3[%swap3A, %swap3A_130] : memref<3x1024xi32, #tpu.memory_space<vmem>>, vector<3x1024xi32>
    tpu.vector_store %arg3[%swap3A, %swap3A_130], %add3A_129 {strides = array<i32>} : memref<3x1024xi32, #tpu.memory_space<vmem>>, vector<3x1024xi32>,
    %div3A_132 = arith.divf %div3A_89, %add3A_103 : vector<1x1024xf32>
    %div3A_133 = arith.divf %div3A_95, %add3A_103 : vector<1x1024xf32>
    %div3A_134 = arith.divf %div3A_101, %add3A_103 : vector<1x1024xf32>
    %concatenate3A_135 = tpu.concatenate %div3A_132, %div3A_133, %div3A_134 in 0 : vector<1x1024xf32>, vector<1x1024xf32>, vector<1x1024xf32> -> vector<3x1024xf32>
    %swap3A_136 = arith.constant 0 : index
    %swap3A_137 = arith.constant 0 : index
    %swap3A_138 = vector.load %arg4[%swap3A_136, %swap3A_137] : memref<3x1024xf32, #tpu.memory_space<vmem>>, vector<3x1024xf32>
    tpu.vector_store %arg4[%swap3A_136, %swap3A_137], %concatenate3A_135 {strides = array<i32>} : memref<3x1024xf32, #tpu.memory_space<vmem>>, vector<3x1024xf32>,
    return
  }
  func.func @transform_0(%arg0: i32) -> (i32, i32, i32) {
    %jit3A = arith.constant 8 : i32
    %div3A = arith.divsi %arg0, %jit3A : i32
    %sign3A = arith.constant 0 : i32
    %sign3A_0 = arith.cmpi sgt, %arg0, %sign3A : i32
    %sign3A_1 = arith.extui %sign3A_0 : i1 to i32
    %sign3A_2 = arith.constant 0 : i32
    %sign3A_3 = arith.cmpi slt, %arg0, %sign3A_2 : i32
    %sign3A_4 = arith.extui %sign3A_3 : i1 to i32
    %sign3A_5 = arith.subi %sign3A_1, %sign3A_4 : i32
    %sign3A_6 = arith.constant 0 : i32
    %sign3A_7 = arith.cmpi sgt, %jit3A, %sign3A_6 : i32
    %sign3A_8 = arith.extui %sign3A_7 : i1 to i32
    %sign3A_9 = arith.constant 0 : i32
    %sign3A_10 = arith.cmpi slt, %jit3A, %sign3A_9 : i32
    %sign3A_11 = arith.extui %sign3A_10 : i1 to i32
    %sign3A_12 = arith.subi %sign3A_8, %sign3A_11 : i32
    %ne3A = arith.cmpi ne, %sign3A_5, %sign3A_12 : i32
    %rem3A = arith.remsi %arg0, %jit3A : i32
    %ne3A_13 = arith.constant 0 : i32
    %ne3A_14 = arith.cmpi ne, %rem3A, %ne3A_13 : i32
    %and3A = arith.andi %ne3A, %ne3A_14 : i1
    %sub3A = arith.constant 1 : i32
    %sub3A_15 = arith.subi %div3A, %sub3A : i32
    %select_n3A = arith.select %and3A, %sub3A_15, %div3A : i32
    %jit3A_16 = arith.constant 8 : i32
    %eq3A = arith.constant 0 : i32
    %eq3A_17 = arith.cmpi eq, %jit3A_16, %eq3A : i32
    %jit3A_18 = arith.constant 1 : i32
    %select_n3A_19 = arith.select %eq3A_17, %jit3A_18, %jit3A_16 : i32
    %rem3A_20 = arith.remsi %arg0, %select_n3A_19 : i32
    %ne3A_21 = arith.constant 0 : i32
    %ne3A_22 = arith.cmpi ne, %rem3A_20, %ne3A_21 : i32
    %lt3A = arith.constant 0 : i32
    %lt3A_23 = arith.cmpi slt, %rem3A_20, %lt3A : i32
    %lt3A_24 = arith.constant 0 : i32
    %lt3A_25 = arith.cmpi slt, %select_n3A_19, %lt3A_24 : i32
    %ne3A_26 = arith.xori %lt3A_23, %lt3A_25 : i1
    %and3A_27 = arith.andi %ne3A_26, %ne3A_22 : i1
    %add3A = arith.addi %rem3A_20, %select_n3A_19 : i32
    %select_n3A_28 = arith.select %and3A_27, %add3A, %rem3A_20 : i32
    %c0_i32 = arith.constant 0 : i32
    %c0_i32_29 = arith.constant 0 : i32
    return %select_n3A, %c0_i32, %select_n3A_28 : i32, i32, i32
  }
  func.func @transform_1(%arg0: i32) -> (i32, i32, i32) {
    %jit3A = arith.constant 8 : i32
    %div3A = arith.divsi %arg0, %jit3A : i32
    %sign3A = arith.constant 0 : i32
    %sign3A_0 = arith.cmpi sgt, %arg0, %sign3A : i32
    %sign3A_1 = arith.extui %sign3A_0 : i1 to i32
    %sign3A_2 = arith.constant 0 : i32
    %sign3A_3 = arith.cmpi slt, %arg0, %sign3A_2 : i32
    %sign3A_4 = arith.extui %sign3A_3 : i1 to i32
    %sign3A_5 = arith.subi %sign3A_1, %sign3A_4 : i32
    %sign3A_6 = arith.constant 0 : i32
    %sign3A_7 = arith.cmpi sgt, %jit3A, %sign3A_6 : i32
    %sign3A_8 = arith.extui %sign3A_7 : i1 to i32
    %sign3A_9 = arith.constant 0 : i32
    %sign3A_10 = arith.cmpi slt, %jit3A, %sign3A_9 : i32
    %sign3A_11 = arith.extui %sign3A_10 : i1 to i32
    %sign3A_12 = arith.subi %sign3A_8, %sign3A_11 : i32
    %ne3A = arith.cmpi ne, %sign3A_5, %sign3A_12 : i32
    %rem3A = arith.remsi %arg0, %jit3A : i32
    %ne3A_13 = arith.constant 0 : i32
    %ne3A_14 = arith.cmpi ne, %rem3A, %ne3A_13 : i32
    %and3A = arith.andi %ne3A, %ne3A_14 : i1
    %sub3A = arith.constant 1 : i32
    %sub3A_15 = arith.subi %div3A, %sub3A : i32
    %select_n3A = arith.select %and3A, %sub3A_15, %div3A : i32
    %c0_i32 = arith.constant 0 : i32
    %c0_i32_16 = arith.constant 0 : i32
    %c0_i32_17 = arith.constant 0 : i32
    return %select_n3A, %c0_i32, %c0_i32_16 : i32, i32, i32
  }
  func.func @transform_2(%arg0: i32) -> (i32, i32) {
    %c0_i32 = arith.constant 0 : i32
    %c0_i32_0 = arith.constant 0 : i32
    return %c0_i32, %arg0 : i32, i32
  }
  func.func @transform_3(%arg0: i32) -> (i32, i32) {
    %c0_i32 = arith.constant 0 : i32
    %c0_i32_0 = arith.constant 0 : i32
    return %c0_i32, %arg0 : i32, i32
  }
}

module attributes {stable_mosaic.version = 14 : i64} {
  func.func @_conv1_kernel(%arg0: i32, %arg1: i32, %arg2: memref<1x1024x256xf32, #tpu.memory_space<vmem>>, %arg3: memref<1x128x1024xf32, #tpu.memory_space<vmem>>, %arg4: memref<256x384xf32, #tpu.memory_space<vmem>>, %arg5: memref<1x1024x256xf32, #tpu.memory_space<vmem>>, %arg6: memref<2x256xf32, #tpu.memory_space<vmem>>) attributes {dimension_semantics = [#tpu.dimension_semantics<arbitrary>, #tpu.dimension_semantics<arbitrary>], iteration_bounds = array<i64: 4, 8>, scalar_prefetch = 0 : i64, scratch_operands = 0 : i64, tpu.core_type = #tpu.core_type<tc>, window_params = [{transform_indices = @transform_0, window_bounds = array<i64: 1, 1024, 256>}, {transform_indices = @transform_1, window_bounds = array<i64: 1, 128, 1024>}, {pipeline_mode = #tpu.pipeline_mode<synchronous>, transform_indices = @transform_2, window_bounds = array<i64: 256, 384>}, {transform_indices = @transform_3, window_bounds = array<i64: 1, 1024, 256>}, {pipeline_mode = #tpu.pipeline_mode<synchronous>, transform_indices = @transform_4, window_bounds = array<i64: 2, 256>}]} {
    %eq3A = arith.constant 0 : i32
    %eq3A_0 = arith.cmpi eq, %arg0, %eq3A : i32
    %eq3A_1 = arith.constant 0 : i32
    %eq3A_2 = arith.cmpi eq, %arg1, %eq3A_1 : i32
    %and3A = arith.andi %eq3A_0, %eq3A_2 : i1
    %convert_element_type3A = arith.extui %and3A : i1 to i32
    %cond3A = arith.constant 0 : i32
    %cond3A_3 = arith.cmpi ne, %convert_element_type3A, %cond3A : i32
    scf.if %cond3A_3 {
      %broadcast_in_dim3A_36 = arith.constant 0.000000e+00 : f32
      %broadcast_in_dim3A_37 = vector.broadcast %broadcast_in_dim3A_36 : f32 to vector<2x256xf32>
      %swap3A_38 = arith.constant 0 : index
      %swap3A_39 = arith.constant 0 : index
      %swap3A_40 = vector.load %arg6[%swap3A_38, %swap3A_39] : memref<2x256xf32, #tpu.memory_space<vmem>>, vector<2x256xf32>
      tpu.vector_store %arg6[%swap3A_38, %swap3A_39], %broadcast_in_dim3A_37 {strides = array<i32>} : memref<2x256xf32, #tpu.memory_space<vmem>>, vector<2x256xf32>,
    } else {
    }
    %get3A = arith.constant 0 : index
    %get3A_4 = arith.constant 0 : index
    %get3A_5 = arith.constant 0 : index
    %get3A_6 = vector.load %arg2[%get3A, %get3A_4, %get3A_5] : memref<1x1024x256xf32, #tpu.memory_space<vmem>>, vector<1x1024x256xf32>
    %get3A_7 = vector.shape_cast %get3A_6 : vector<1x1024x256xf32> to vector<1024x256xf32>
    %get3A_8 = arith.constant 0 : index
    %get3A_9 = arith.constant 0 : index
    %get3A_10 = arith.constant 0 : index
    %get3A_11 = vector.load %arg3[%get3A_8, %get3A_9, %get3A_10] : memref<1x128x1024xf32, #tpu.memory_space<vmem>>, vector<1x128x1024xf32>
    %get3A_12 = vector.shape_cast %get3A_11 : vector<1x128x1024xf32> to vector<128x1024xf32>
    %get3A_13 = arith.constant 0 : index
    %get3A_14 = arith.constant 0 : index
    %get3A_15 = vector.load %arg4[%get3A_13, %get3A_14] : memref<256x384xf32, #tpu.memory_space<vmem>>, vector<256x384xf32>
    %slice3A = vector.extract_strided_slice %get3A_15 {offsets = [0, 0], sizes = [256, 256], strides = [1, 1]} : vector<256x384xf32> to vector<256x256xf32>
    %dot_general3A = arith.constant dense<0.000000e+00> : vector<1024x256xf32>
    %dot_general3A_16 = tpu.matmul %get3A_7, %slice3A, %dot_general3A {dimension_numbers = #tpu.dot_dimension_numbers<[1], [1], [0], [0], [0, 0, 1, 0], [], []>, transpose_lhs_hint = false} : vector<1024x256xf32>, vector<256x256xf32>, vector<1024x256xf32> -> vector<1024x256xf32>
    %slice3A_17 = vector.extract_strided_slice %get3A_15 {offsets = [0, 256], sizes = [256, 128], strides = [1, 1]} : vector<256x384xf32> to vector<256x128xf32>
    %dot_general3A_18 = arith.constant dense<0.000000e+00> : vector<1024x256xf32>
    %dot_general3A_19 = tpu.matmul %get3A_12, %slice3A_17, %dot_general3A_18 {dimension_numbers = #tpu.dot_dimension_numbers<[0], [1], [1], [0], [0, 1, 1, 0], [], []>, transpose_lhs_hint = false} : vector<128x1024xf32>, vector<256x128xf32>, vector<1024x256xf32> -> vector<1024x256xf32>
    %add3A = arith.addf %dot_general3A_16, %dot_general3A_19 : vector<1024x256xf32>
    %swap3A = arith.constant 0 : index
    %swap3A_20 = arith.constant 0 : index
    %swap3A_21 = arith.constant 0 : index
    %swap3A_22 = vector.load %arg5[%swap3A, %swap3A_20, %swap3A_21] : memref<1x1024x256xf32, #tpu.memory_space<vmem>>, vector<1x1024x256xf32>
    %swap3A_23 = vector.shape_cast %swap3A_22 : vector<1x1024x256xf32> to vector<1024x256xf32>
    %swap3A_24 = vector.shape_cast %add3A : vector<1024x256xf32> to vector<1x1024x256xf32>
    tpu.vector_store %arg5[%swap3A, %swap3A_20, %swap3A_21], %swap3A_24 {strides = array<i32>} : memref<1x1024x256xf32, #tpu.memory_space<vmem>>, vector<1x1024x256xf32>,
    %reduce_sum3A = arith.constant dense<0.000000e+00> : vector<256xf32>
    %reduce_sum3A_25 = vector.multi_reduction <add>, %add3A, %reduce_sum3A [0] : vector<1024x256xf32> to vector<256xf32>
    %broadcast_in_dim3A = vector.shape_cast %reduce_sum3A_25 : vector<256xf32> to vector<1x256xf32>
    %mul3A = arith.mulf %add3A, %add3A : vector<1024x256xf32>
    %reduce_sum3A_26 = arith.constant dense<0.000000e+00> : vector<256xf32>
    %reduce_sum3A_27 = vector.multi_reduction <add>, %mul3A, %reduce_sum3A_26 [0] : vector<1024x256xf32> to vector<256xf32>
    %broadcast_in_dim3A_28 = vector.shape_cast %reduce_sum3A_27 : vector<256xf32> to vector<1x256xf32>
    %get3A_29 = arith.constant 0 : index
    %get3A_30 = arith.constant 0 : index
    %get3A_31 = vector.load %arg6[%get3A_29, %get3A_30] : memref<2x256xf32, #tpu.memory_space<vmem>>, vector<2x256xf32>
    %concatenate3A = tpu.concatenate %broadcast_in_dim3A, %broadcast_in_dim3A_28 in 0 : vector<1x256xf32>, vector<1x256xf32> -> vector<2x256xf32>
    %add3A_32 = arith.addf %get3A_31, %concatenate3A : vector<2x256xf32>
    %swap3A_33 = arith.constant 0 : index
    %swap3A_34 = arith.constant 0 : index
    %swap3A_35 = vector.load %arg6[%swap3A_33, %swap3A_34] : memref<2x256xf32, #tpu.memory_space<vmem>>, vector<2x256xf32>
    tpu.vector_store %arg6[%swap3A_33, %swap3A_34], %add3A_32 {strides = array<i32>} : memref<2x256xf32, #tpu.memory_space<vmem>>, vector<2x256xf32>,
    return
  }
  func.func @transform_0(%arg0: i32, %arg1: i32) -> (i32, i32, i32) {
    %c0_i32 = arith.constant 0 : i32
    %c0_i32_0 = arith.constant 0 : i32
    return %arg0, %arg1, %c0_i32 : i32, i32, i32
  }
  func.func @transform_1(%arg0: i32, %arg1: i32) -> (i32, i32, i32) {
    %c0_i32 = arith.constant 0 : i32
    %c0_i32_0 = arith.constant 0 : i32
    return %arg0, %c0_i32, %arg1 : i32, i32, i32
  }
  func.func @transform_2(%arg0: i32, %arg1: i32) -> (i32, i32) {
    %c0_i32 = arith.constant 0 : i32
    %c0_i32_0 = arith.constant 0 : i32
    %c0_i32_1 = arith.constant 0 : i32
    return %c0_i32, %c0_i32_0 : i32, i32
  }
  func.func @transform_3(%arg0: i32, %arg1: i32) -> (i32, i32, i32) {
    %c0_i32 = arith.constant 0 : i32
    %c0_i32_0 = arith.constant 0 : i32
    return %arg0, %arg1, %c0_i32 : i32, i32, i32
  }
  func.func @transform_4(%arg0: i32, %arg1: i32) -> (i32, i32) {
    %c0_i32 = arith.constant 0 : i32
    %c0_i32_0 = arith.constant 0 : i32
    %c0_i32_1 = arith.constant 0 : i32
    return %c0_i32, %c0_i32_0 : i32, i32
  }
}

module attributes {stable_mosaic.version = 14 : i64} {
  func.func @_bn_conv2_kernel(%arg0: i32, %arg1: i32, %arg2: memref<1x1024x256xf32, #tpu.memory_space<vmem>>, %arg3: memref<2x256xf32, #tpu.memory_space<vmem>>, %arg4: memref<1x256xf32, #tpu.memory_space<vmem>>, %arg5: memref<1x256xf32, #tpu.memory_space<vmem>>, %arg6: memref<128x256xf32, #tpu.memory_space<vmem>>, %arg7: memref<1x1024x128xf32, #tpu.memory_space<vmem>>, %arg8: memref<2x128xf32, #tpu.memory_space<vmem>>) attributes {dimension_semantics = [#tpu.dimension_semantics<arbitrary>, #tpu.dimension_semantics<arbitrary>], iteration_bounds = array<i64: 4, 8>, scalar_prefetch = 0 : i64, scratch_operands = 0 : i64, tpu.core_type = #tpu.core_type<tc>, window_params = [{transform_indices = @transform_0, window_bounds = array<i64: 1, 1024, 256>}, {pipeline_mode = #tpu.pipeline_mode<synchronous>, transform_indices = @transform_1, window_bounds = array<i64: 2, 256>}, {pipeline_mode = #tpu.pipeline_mode<synchronous>, transform_indices = @transform_2, window_bounds = array<i64: 1, 256>}, {pipeline_mode = #tpu.pipeline_mode<synchronous>, transform_indices = @transform_3, window_bounds = array<i64: 1, 256>}, {pipeline_mode = #tpu.pipeline_mode<synchronous>, transform_indices = @transform_4, window_bounds = array<i64: 128, 256>}, {transform_indices = @transform_5, window_bounds = array<i64: 1, 1024, 128>}, {pipeline_mode = #tpu.pipeline_mode<synchronous>, transform_indices = @transform_6, window_bounds = array<i64: 2, 128>}]} {
    %eq3A = arith.constant 0 : i32
    %eq3A_0 = arith.cmpi eq, %arg0, %eq3A : i32
    %eq3A_1 = arith.constant 0 : i32
    %eq3A_2 = arith.cmpi eq, %arg1, %eq3A_1 : i32
    %and3A = arith.andi %eq3A_0, %eq3A_2 : i1
    %convert_element_type3A = arith.extui %and3A : i1 to i32
    %cond3A = arith.constant 0 : i32
    %cond3A_3 = arith.cmpi ne, %convert_element_type3A, %cond3A : i32
    scf.if %cond3A_3 {
      %broadcast_in_dim3A_60 = arith.constant 0.000000e+00 : f32
      %broadcast_in_dim3A_61 = vector.broadcast %broadcast_in_dim3A_60 : f32 to vector<2x128xf32>
      %swap3A_62 = arith.constant 0 : index
      %swap3A_63 = arith.constant 0 : index
      %swap3A_64 = vector.load %arg8[%swap3A_62, %swap3A_63] : memref<2x128xf32, #tpu.memory_space<vmem>>, vector<2x128xf32>
      tpu.vector_store %arg8[%swap3A_62, %swap3A_63], %broadcast_in_dim3A_61 {strides = array<i32>} : memref<2x128xf32, #tpu.memory_space<vmem>>, vector<2x128xf32>,
    } else {
    }
    %get3A = arith.constant 0 : index
    %get3A_4 = arith.constant 0 : index
    %get3A_5 = vector.load %arg3[%get3A, %get3A_4] : memref<2x256xf32, #tpu.memory_space<vmem>>, vector<2x256xf32>
    %slice3A = vector.extract_strided_slice %get3A_5 {offsets = [0, 0], sizes = [1, 256], strides = [1, 1]} : vector<2x256xf32> to vector<1x256xf32>
    %mul3A = arith.constant 3.05175781E-5 : f32
    %mul3A_6 = vector.broadcast %mul3A : f32 to vector<1x256xf32>
    %mul3A_7 = arith.mulf %slice3A, %mul3A_6 : vector<1x256xf32>
    %slice3A_8 = vector.extract_strided_slice %get3A_5 {offsets = [1, 0], sizes = [1, 256], strides = [1, 1]} : vector<2x256xf32> to vector<1x256xf32>
    %mul3A_9 = arith.constant 3.05175781E-5 : f32
    %mul3A_10 = vector.broadcast %mul3A_9 : f32 to vector<1x256xf32>
    %mul3A_11 = arith.mulf %slice3A_8, %mul3A_10 : vector<1x256xf32>
    %mul3A_12 = arith.mulf %mul3A_7, %mul3A_7 : vector<1x256xf32>
    %sub3A = arith.subf %mul3A_11, %mul3A_12 : vector<1x256xf32>
    %add3A = arith.constant 1.000000e-03 : f32
    %add3A_13 = vector.broadcast %add3A : f32 to vector<1x256xf32>
    %add3A_14 = arith.addf %sub3A, %add3A_13 : vector<1x256xf32>
    %rsqrt3A = math.rsqrt %add3A_14 : vector<1x256xf32>
    %get3A_15 = arith.constant 0 : index
    %get3A_16 = arith.constant 0 : index
    %get3A_17 = arith.constant 0 : index
    %get3A_18 = vector.load %arg2[%get3A_15, %get3A_16, %get3A_17] : memref<1x1024x256xf32, #tpu.memory_space<vmem>>, vector<1x1024x256xf32>
    %get3A_19 = vector.shape_cast %get3A_18 : vector<1x1024x256xf32> to vector<1024x256xf32>
    %sub3A_20 = vector.broadcast %mul3A_7 : vector<1x256xf32> to vector<1024x256xf32>
    %sub3A_21 = arith.subf %get3A_19, %sub3A_20 : vector<1024x256xf32>
    %mul3A_22 = vector.broadcast %rsqrt3A : vector<1x256xf32> to vector<1024x256xf32>
    %mul3A_23 = arith.mulf %sub3A_21, %mul3A_22 : vector<1024x256xf32>
    %get3A_24 = arith.constant 0 : index
    %get3A_25 = arith.constant 0 : index
    %get3A_26 = vector.load %arg4[%get3A_24, %get3A_25] : memref<1x256xf32, #tpu.memory_space<vmem>>, vector<1x256xf32>
    %mul3A_27 = vector.broadcast %get3A_26 : vector<1x256xf32> to vector<1024x256xf32>
    %mul3A_28 = arith.mulf %mul3A_23, %mul3A_27 : vector<1024x256xf32>
    %get3A_29 = arith.constant 0 : index
    %get3A_30 = arith.constant 0 : index
    %get3A_31 = vector.load %arg5[%get3A_29, %get3A_30] : memref<1x256xf32, #tpu.memory_space<vmem>>, vector<1x256xf32>
    %add3A_32 = vector.broadcast %get3A_31 : vector<1x256xf32> to vector<1024x256xf32>
    %add3A_33 = arith.addf %mul3A_28, %add3A_32 : vector<1024x256xf32>
    %ge3A = arith.constant 0.000000e+00 : f32
    %ge3A_34 = vector.broadcast %ge3A : f32 to vector<1024x256xf32>
    %ge3A_35 = arith.cmpf oge, %add3A_33, %ge3A_34 : vector<1024x256xf32>
    %mul3A_36 = arith.constant 0.00999999977 : f32
    %mul3A_37 = vector.broadcast %mul3A_36 : f32 to vector<1024x256xf32>
    %mul3A_38 = arith.mulf %mul3A_37, %add3A_33 : vector<1024x256xf32>
    %select_n3A = arith.select %ge3A_35, %add3A_33, %mul3A_38 : vector<1024x256xi1>, vector<1024x256xf32>
    %get3A_39 = arith.constant 0 : index
    %get3A_40 = arith.constant 0 : index
    %get3A_41 = vector.load %arg6[%get3A_39, %get3A_40] : memref<128x256xf32, #tpu.memory_space<vmem>>, vector<128x256xf32>
    %dot_general3A = arith.constant dense<0.000000e+00> : vector<1024x128xf32>
    %dot_general3A_42 = tpu.matmul %select_n3A, %get3A_41, %dot_general3A {dimension_numbers = #tpu.dot_dimension_numbers<[1], [1], [0], [0], [0, 0, 1, 0], [], []>, transpose_lhs_hint = false} : vector<1024x256xf32>, vector<128x256xf32>, vector<1024x128xf32> -> vector<1024x128xf32>
    %swap3A = arith.constant 0 : index
    %swap3A_43 = arith.constant 0 : index
    %swap3A_44 = arith.constant 0 : index
    %swap3A_45 = vector.load %arg7[%swap3A, %swap3A_43, %swap3A_44] : memref<1x1024x128xf32, #tpu.memory_space<vmem>>, vector<1x1024x128xf32>
    %swap3A_46 = vector.shape_cast %swap3A_45 : vector<1x1024x128xf32> to vector<1024x128xf32>
    %swap3A_47 = vector.shape_cast %dot_general3A_42 : vector<1024x128xf32> to vector<1x1024x128xf32>
    tpu.vector_store %arg7[%swap3A, %swap3A_43, %swap3A_44], %swap3A_47 {strides = array<i32>} : memref<1x1024x128xf32, #tpu.memory_space<vmem>>, vector<1x1024x128xf32>,
    %reduce_sum3A = arith.constant dense<0.000000e+00> : vector<128xf32>
    %reduce_sum3A_48 = vector.multi_reduction <add>, %dot_general3A_42, %reduce_sum3A [0] : vector<1024x128xf32> to vector<128xf32>
    %broadcast_in_dim3A = vector.shape_cast %reduce_sum3A_48 : vector<128xf32> to vector<1x128xf32>
    %mul3A_49 = arith.mulf %dot_general3A_42, %dot_general3A_42 : vector<1024x128xf32>
    %reduce_sum3A_50 = arith.constant dense<0.000000e+00> : vector<128xf32>
    %reduce_sum3A_51 = vector.multi_reduction <add>, %mul3A_49, %reduce_sum3A_50 [0] : vector<1024x128xf32> to vector<128xf32>
    %broadcast_in_dim3A_52 = vector.shape_cast %reduce_sum3A_51 : vector<128xf32> to vector<1x128xf32>
    %get3A_53 = arith.constant 0 : index
    %get3A_54 = arith.constant 0 : index
    %get3A_55 = vector.load %arg8[%get3A_53, %get3A_54] : memref<2x128xf32, #tpu.memory_space<vmem>>, vector<2x128xf32>
    %concatenate3A = tpu.concatenate %broadcast_in_dim3A, %broadcast_in_dim3A_52 in 0 : vector<1x128xf32>, vector<1x128xf32> -> vector<2x128xf32>
    %add3A_56 = arith.addf %get3A_55, %concatenate3A : vector<2x128xf32>
    %swap3A_57 = arith.constant 0 : index
    %swap3A_58 = arith.constant 0 : index
    %swap3A_59 = vector.load %arg8[%swap3A_57, %swap3A_58] : memref<2x128xf32, #tpu.memory_space<vmem>>, vector<2x128xf32>
    tpu.vector_store %arg8[%swap3A_57, %swap3A_58], %add3A_56 {strides = array<i32>} : memref<2x128xf32, #tpu.memory_space<vmem>>, vector<2x128xf32>,
    return
  }
  func.func @transform_0(%arg0: i32, %arg1: i32) -> (i32, i32, i32) {
    %c0_i32 = arith.constant 0 : i32
    %c0_i32_0 = arith.constant 0 : i32
    return %arg0, %arg1, %c0_i32 : i32, i32, i32
  }
  func.func @transform_1(%arg0: i32, %arg1: i32) -> (i32, i32) {
    %c0_i32 = arith.constant 0 : i32
    %c0_i32_0 = arith.constant 0 : i32
    %c0_i32_1 = arith.constant 0 : i32
    return %c0_i32, %c0_i32_0 : i32, i32
  }
  func.func @transform_2(%arg0: i32, %arg1: i32) -> (i32, i32) {
    %c0_i32 = arith.constant 0 : i32
    %c0_i32_0 = arith.constant 0 : i32
    %c0_i32_1 = arith.constant 0 : i32
    return %c0_i32, %c0_i32_0 : i32, i32
  }
  func.func @transform_3(%arg0: i32, %arg1: i32) -> (i32, i32) {
    %c0_i32 = arith.constant 0 : i32
    %c0_i32_0 = arith.constant 0 : i32
    %c0_i32_1 = arith.constant 0 : i32
    return %c0_i32, %c0_i32_0 : i32, i32
  }
  func.func @transform_4(%arg0: i32, %arg1: i32) -> (i32, i32) {
    %c0_i32 = arith.constant 0 : i32
    %c0_i32_0 = arith.constant 0 : i32
    %c0_i32_1 = arith.constant 0 : i32
    return %c0_i32, %c0_i32_0 : i32, i32
  }
  func.func @transform_5(%arg0: i32, %arg1: i32) -> (i32, i32, i32) {
    %c0_i32 = arith.constant 0 : i32
    %c0_i32_0 = arith.constant 0 : i32
    return %arg0, %arg1, %c0_i32 : i32, i32, i32
  }
  func.func @transform_6(%arg0: i32, %arg1: i32) -> (i32, i32) {
    %c0_i32 = arith.constant 0 : i32
    %c0_i32_0 = arith.constant 0 : i32
    %c0_i32_1 = arith.constant 0 : i32
    return %c0_i32, %c0_i32_0 : i32, i32
  }
}

module attributes {stable_mosaic.version = 14 : i64} {
  func.func @_bn_out_kernel(%arg0: i32, %arg1: i32, %arg2: memref<1x1024x128xf32, #tpu.memory_space<vmem>>, %arg3: memref<2x128xf32, #tpu.memory_space<vmem>>, %arg4: memref<1x128xf32, #tpu.memory_space<vmem>>, %arg5: memref<1x128xf32, #tpu.memory_space<vmem>>, %arg6: memref<1x128x1024xf32, #tpu.memory_space<vmem>>) attributes {dimension_semantics = [#tpu.dimension_semantics<arbitrary>, #tpu.dimension_semantics<arbitrary>], iteration_bounds = array<i64: 4, 8>, scalar_prefetch = 0 : i64, scratch_operands = 0 : i64, tpu.core_type = #tpu.core_type<tc>, window_params = [{transform_indices = @transform_0, window_bounds = array<i64: 1, 1024, 128>}, {pipeline_mode = #tpu.pipeline_mode<synchronous>, transform_indices = @transform_1, window_bounds = array<i64: 2, 128>}, {pipeline_mode = #tpu.pipeline_mode<synchronous>, transform_indices = @transform_2, window_bounds = array<i64: 1, 128>}, {pipeline_mode = #tpu.pipeline_mode<synchronous>, transform_indices = @transform_3, window_bounds = array<i64: 1, 128>}, {transform_indices = @transform_4, window_bounds = array<i64: 1, 128, 1024>}]} {
    %get3A = arith.constant 0 : index
    %get3A_0 = arith.constant 0 : index
    %get3A_1 = vector.load %arg3[%get3A, %get3A_0] : memref<2x128xf32, #tpu.memory_space<vmem>>, vector<2x128xf32>
    %slice3A = vector.extract_strided_slice %get3A_1 {offsets = [0, 0], sizes = [1, 128], strides = [1, 1]} : vector<2x128xf32> to vector<1x128xf32>
    %mul3A = arith.constant 3.05175781E-5 : f32
    %mul3A_2 = vector.broadcast %mul3A : f32 to vector<1x128xf32>
    %mul3A_3 = arith.mulf %slice3A, %mul3A_2 : vector<1x128xf32>
    %slice3A_4 = vector.extract_strided_slice %get3A_1 {offsets = [1, 0], sizes = [1, 128], strides = [1, 1]} : vector<2x128xf32> to vector<1x128xf32>
    %mul3A_5 = arith.constant 3.05175781E-5 : f32
    %mul3A_6 = vector.broadcast %mul3A_5 : f32 to vector<1x128xf32>
    %mul3A_7 = arith.mulf %slice3A_4, %mul3A_6 : vector<1x128xf32>
    %mul3A_8 = arith.mulf %mul3A_3, %mul3A_3 : vector<1x128xf32>
    %sub3A = arith.subf %mul3A_7, %mul3A_8 : vector<1x128xf32>
    %add3A = arith.constant 1.000000e-03 : f32
    %add3A_9 = vector.broadcast %add3A : f32 to vector<1x128xf32>
    %add3A_10 = arith.addf %sub3A, %add3A_9 : vector<1x128xf32>
    %rsqrt3A = math.rsqrt %add3A_10 : vector<1x128xf32>
    %get3A_11 = arith.constant 0 : index
    %get3A_12 = arith.constant 0 : index
    %get3A_13 = arith.constant 0 : index
    %get3A_14 = vector.load %arg2[%get3A_11, %get3A_12, %get3A_13] : memref<1x1024x128xf32, #tpu.memory_space<vmem>>, vector<1x1024x128xf32>
    %get3A_15 = vector.shape_cast %get3A_14 : vector<1x1024x128xf32> to vector<1024x128xf32>
    %sub3A_16 = vector.broadcast %mul3A_3 : vector<1x128xf32> to vector<1024x128xf32>
    %sub3A_17 = arith.subf %get3A_15, %sub3A_16 : vector<1024x128xf32>
    %mul3A_18 = vector.broadcast %rsqrt3A : vector<1x128xf32> to vector<1024x128xf32>
    %mul3A_19 = arith.mulf %sub3A_17, %mul3A_18 : vector<1024x128xf32>
    %get3A_20 = arith.constant 0 : index
    %get3A_21 = arith.constant 0 : index
    %get3A_22 = vector.load %arg4[%get3A_20, %get3A_21] : memref<1x128xf32, #tpu.memory_space<vmem>>, vector<1x128xf32>
    %mul3A_23 = vector.broadcast %get3A_22 : vector<1x128xf32> to vector<1024x128xf32>
    %mul3A_24 = arith.mulf %mul3A_19, %mul3A_23 : vector<1024x128xf32>
    %get3A_25 = arith.constant 0 : index
    %get3A_26 = arith.constant 0 : index
    %get3A_27 = vector.load %arg5[%get3A_25, %get3A_26] : memref<1x128xf32, #tpu.memory_space<vmem>>, vector<1x128xf32>
    %add3A_28 = vector.broadcast %get3A_27 : vector<1x128xf32> to vector<1024x128xf32>
    %add3A_29 = arith.addf %mul3A_24, %add3A_28 : vector<1024x128xf32>
    %ge3A = arith.constant 0.000000e+00 : f32
    %ge3A_30 = vector.broadcast %ge3A : f32 to vector<1024x128xf32>
    %ge3A_31 = arith.cmpf oge, %add3A_29, %ge3A_30 : vector<1024x128xf32>
    %mul3A_32 = arith.constant 0.00999999977 : f32
    %mul3A_33 = vector.broadcast %mul3A_32 : f32 to vector<1024x128xf32>
    %mul3A_34 = arith.mulf %mul3A_33, %add3A_29 : vector<1024x128xf32>
    %select_n3A = arith.select %ge3A_31, %add3A_29, %mul3A_34 : vector<1024x128xi1>, vector<1024x128xf32>
    %transpose3A = tpu.transpose %select_n3A, [1, 0] : vector<1024x128xf32> -> vector<128x1024xf32>
    %swap3A = arith.constant 0 : index
    %swap3A_35 = arith.constant 0 : index
    %swap3A_36 = arith.constant 0 : index
    %swap3A_37 = vector.load %arg6[%swap3A, %swap3A_35, %swap3A_36] : memref<1x128x1024xf32, #tpu.memory_space<vmem>>, vector<1x128x1024xf32>
    %swap3A_38 = vector.shape_cast %swap3A_37 : vector<1x128x1024xf32> to vector<128x1024xf32>
    %swap3A_39 = vector.shape_cast %transpose3A : vector<128x1024xf32> to vector<1x128x1024xf32>
    tpu.vector_store %arg6[%swap3A, %swap3A_35, %swap3A_36], %swap3A_39 {strides = array<i32>} : memref<1x128x1024xf32, #tpu.memory_space<vmem>>, vector<1x128x1024xf32>,
    return
  }
  func.func @transform_0(%arg0: i32, %arg1: i32) -> (i32, i32, i32) {
    %c0_i32 = arith.constant 0 : i32
    %c0_i32_0 = arith.constant 0 : i32
    return %arg0, %arg1, %c0_i32 : i32, i32, i32
  }
  func.func @transform_1(%arg0: i32, %arg1: i32) -> (i32, i32) {
    %c0_i32 = arith.constant 0 : i32
    %c0_i32_0 = arith.constant 0 : i32
    %c0_i32_1 = arith.constant 0 : i32
    return %c0_i32, %c0_i32_0 : i32, i32
  }
  func.func @transform_2(%arg0: i32, %arg1: i32) -> (i32, i32) {
    %c0_i32 = arith.constant 0 : i32
    %c0_i32_0 = arith.constant 0 : i32
    %c0_i32_1 = arith.constant 0 : i32
    return %c0_i32, %c0_i32_0 : i32, i32
  }
  func.func @transform_3(%arg0: i32, %arg1: i32) -> (i32, i32) {
    %c0_i32 = arith.constant 0 : i32
    %c0_i32_0 = arith.constant 0 : i32
    %c0_i32_1 = arith.constant 0 : i32
    return %c0_i32, %c0_i32_0 : i32, i32
  }
  func.func @transform_4(%arg0: i32, %arg1: i32) -> (i32, i32, i32) {
    %c0_i32 = arith.constant 0 : i32
    %c0_i32_0 = arith.constant 0 : i32
    return %arg0, %c0_i32, %arg1 : i32, i32, i32
  }
}

</mosaic_0001>

<sc_bundles>
// kernel: kernel.7.cloned.1.call-start
scs
__scs_entry_jumppad:
0x0: {  	(pc) =	sbr.rel $0x88, $3  }
0x1: {  	(tag) =	ssettag $0x0;
	lr =	simm.s32 $0x1  }
0x2: {  	[smem:$0x3F97] =	sst lr;
	_ =	strace $0xD0000000  }
0x3: {  	_ = 	snop  }
0x4: {  	_ = 	snop  }
0x5: {  	_ = 	snop  }
0x6: {  	_ = 	snop  }
0x7: {  	_ = 	snop  }
__scs_overlays_trampoline_lowered:
0x8: {  	[smem:$0x3FA6] =	sst s0  }
0x9: {  	[smem:$0x3FA7] =	sst s1  }
0xa: {  	[smem:$0x3FA8] =	sst s2  }
0xb: {  	[smem:$0x3FA9] =	sst s3  }
0xc: {  	[smem:$0x3FAA] =	sst s4  }
0xd: {  	[smem:$0x3FAB] =	sst s5  }
0xe: {  	[smem:$0x3FAC] =	sst s6  }
0xf: {  	[smem:$0x3FAD] =	sst s7  }
0x10: {  	[smem:$0x3FAE] =	sst s8  }
0x11: {  	[smem:$0x3FAF] =	sst s9;
	s0 =	simm.s32 @!p0 $0x0  }
0x12: {  	s1 =	sld [smem:$0x3F95];
	s0 =	simm.s32 @p0 $0x1  }
0x13: {  	[smem:$0x3FB0] =	sst s0;
	s0 =	simm.s32 @!p1 $0x0  }
0x14: {  	s2 =	sld [smem:$0x3F94];
	s0 =	simm.s32 @p1 $0x1  }
0x15: {  	[smem:$0x3FB1] =	sst s0;
	s0 =	simm.s32 @!p2 $0x0  }
0x16: {  	s3 =	sld [smem:$0x3FDB];
	s0 =	simm.s32 @p2 $0x1  }
0x17: {  	s4 =	simm.s32 $0x1BF5;
	[smem:$0x3FB3] =	sst s0  }
0x18: {  	s0 =	sld [smem:$0x3F96];
	_ =	swait.ge [sflag:s4], $0x0  }
0x19: {  	s7 =	sld [smem:$0x3F97]  }
0x1a: {  	s8 =	sadd.s32 $0xFFFFE003, lr  }
0x1b: {  	s9 =	sadd.s32 $0xFFFFFEF7, lr;
	s5 =	simm.s32 $0xFFFFFFFF;
	p2 =	slt.u32 s8, $0xFFFFF086  }
0x1c: {  	p1 =	slt.u32 s9, $0xF7A;
	s5 =	simm.s32 @!p2 $0x0  }
0x1d: {  	s5 =	simm.s32 @p1 $0x1;
	p0 =	seq.s32 s7, s2  }
0x1e: {  	s7 =	smul.u32 @!p0 $0xF7A, s2;
	p2 =	seq.s32 @!p0 s5, $0x0  }
0x1f: {  	s9 =	smul.u32 $0xF7A, s1;
	s8 =	simm.s32 @!p0 $0x1BF5;
	p2 =	por !p2, p0  }
0x20: {  	[sflag:s8] =	ssyncset.s32 @!p0 $0xFFFFF086;
	s6 =	sadd.s32 @!p0 s3, s7;
	s7 =	simm.s32 @!p0 $0x108  }
0x21: {  	s3 =	sadd.s32 s3, s9;
	s6 =	sadd.s32 @!p0 $0x88, s6;
	s7 =	simm.s32 @p2 $0x1082  }
0x22: {  	[simem:s7], [sflag:s8] =	dma.local @!p0 [hbm:s6], $0xF7A  }
0x23: {  	s9 =	sor.u32 $0xD0000000, s2;
	s6 =	simm.s32 $0x108;
	_ =	swait.ge @!p0 [sflag:s8], $0x0  }
0x24: {  	s3 =	sadd.s32 $0x88, s3;
	s6 =	simm.s32 @!p1 $0x1082;
	[sflag:s4] =	ssyncset.s32 $0xFFFFF086  }
0x25: {  	[simem:s6], [sflag:s4] =	dma.local [hbm:s3], $0xF7A  }
0x26: {  	[smem:$0x3F97] =	sst s1;
	(tag) =	ssettag s2;
	_ =	strace s9  }
0x27: {  	s1 =	sld [smem:$0x3FA7]  }
0x28: {  	s2 =	sld [smem:$0x3FA8]  }
0x29: {  	s4 =	sld [smem:$0x3FAA]  }
0x2a: {  	p0 =	seq.s32 s5, $0x0;
	s5 =	sld [smem:$0x3FAB]  }
0x2b: {  	s6 =	sld [smem:$0x3FAC]  }
0x2c: {  	s7 =	sld [smem:$0x3FAD]  }
0x2d: {  	s3 =	simm.s32 $0x108;
	s8 =	sld [smem:$0x3FAE]  }
0x2e: {  	s3 =	simm.s32 @!p0 $0x1082;
	s9 =	sld [smem:$0x3FAF]  }
0x2f: {  	lr =	sadd.s32 s0, s3;
	s0 =	sld [smem:$0x3FA6]  }
0x30: {  	s3 =	sld [smem:$0x3FA9]  }
0x31: {  	[smem:$0x3FB2] =	sst s10  }
0x32: {  	s10 =	sld [smem:$0x3FB0];
	_ =	sdelay $0x3  }
0x33: {  	p0 =	seq.s32 s10, $0x1;
	s10 =	sld [smem:$0x3FB2];
	_ =	sdelay $0x3  }
0x34: {  	[smem:$0x3FB2] =	sst s10  }
0x35: {  	s10 =	sld [smem:$0x3FB1];
	_ =	sdelay $0x3  }
0x36: {  	p1 =	seq.s32 s10, $0x1;
	s10 =	sld [smem:$0x3FB2];
	_ =	sdelay $0x3  }
0x37: {  	[smem:$0x3FB2] =	sst s10  }
0x38: {  	s10 =	sld [smem:$0x3FB3]  }
0x39: {  	_ = 	snop;
	(pc) =	sbr.ind lr, $3  }
0x3a: {  	_ = 	snop  }
0x3b: {  	_ = 	snop  }
0x3c: {  	p2 =	seq.s32 s10, $0x1;
	s10 =	sld [smem:$0x3FB2]  }
0x3d: {  	_ =	shalt  }
0x3e: {  	_ =	shalt  }
0x3f: {  	_ =	shalt  }
0x40: {  	_ =	shalt  }
0x41: {  	_ =	shalt  }
0x42: {  	_ =	shalt  }
0x43: {  	_ =	shalt  }
0x44: {  	_ =	shalt  }
0x45: {  	_ =	shalt  }
0x46: {  	_ =	shalt  }
0x47: {  	_ =	shalt  }
0x48: {  	_ =	shalt  }
0x49: {  	_ =	shalt  }
0x4a: {  	_ =	shalt  }
0x4b: {  	_ =	shalt  }
0x4c: {  	_ =	shalt  }
0x4d: {  	_ =	shalt  }
0x4e: {  	_ =	shalt  }
0x4f: {  	_ =	shalt  }
0x50: {  	_ =	shalt  }
0x51: {  	_ =	shalt  }
0x52: {  	_ =	shalt  }
0x53: {  	_ =	shalt  }
0x54: {  	_ =	shalt  }
0x55: {  	_ =	shalt  }
0x56: {  	_ =	shalt  }
0x57: {  	_ =	shalt  }
0x58: {  	_ =	shalt  }
0x59: {  	_ =	shalt  }
0x5a: {  	_ =	shalt  }
0x5b: {  	_ =	shalt  }
0x5c: {  	_ =	shalt  }
0x5d: {  	_ =	shalt  }
0x5e: {  	_ =	shalt  }
0x5f: {  	_ =	shalt  }
0x60: {  	_ =	shalt  }
0x61: {  	_ =	shalt  }
0x62: {  	_ =	shalt  }
0x63: {  	_ =	shalt  }
0x64: {  	_ =	shalt  }
0x65: {  	_ =	shalt  }
0x66: {  	_ =	shalt  }
0x67: {  	_ =	shalt  }
0x68: {  	_ =	shalt  }
0x69: {  	_ =	shalt  }
0x6a: {  	_ =	shalt  }
0x6b: {  	_ =	shalt  }
0x6c: {  	_ =	shalt  }
0x6d: {  	_ =	shalt  }
0x6e: {  	_ =	shalt  }
0x6f: {  	_ =	shalt  }
0x70: {  	_ =	shalt  }
0x71: {  	_ =	shalt  }
0x72: {  	_ =	shalt  }
0x73: {  	_ =	shalt  }
0x74: {  	_ =	shalt  }
0x75: {  	_ =	shalt  }
0x76: {  	_ =	shalt  }
0x77: {  	_ =	shalt  }
0x78: {  	_ =	shalt  }
0x79: {  	_ =	shalt  }
0x7a: {  	_ =	shalt  }
0x7b: {  	_ =	shalt  }
0x7c: {  	_ =	shalt  }
0x7d: {  	_ =	shalt  }
0x7e: {  	_ =	shalt  }
0x7f: {  	_ =	shalt  }
0x80: {  	_ =	shalt  }
0x81: {  	_ =	shalt  }
0x82: {  	_ =	shalt  }
0x83: {  	_ =	shalt  }
0x84: {  	_ =	shalt  }
0x85: {  	_ =	shalt  }
0x86: {  	_ =	shalt  }
0x87: {  	_ =	shalt  }
.Lfunc_end0:
.L_simem_size_0:
called_computation_lowered:
.L_overlay_start_0:
0x88: {  	s2 =	sld [smem:$0x3FD9]  }
0x89: {  	s3 =	sld [smem:$0x3FFE];
	_ =	sdelay $0x1  }
0x8a: {  	s1 =	srdreg.scid  }
0x8b: {  	s0 =	sand.u32 $0x1, s1  }
0x8c: {  	s14 =	sshll.u32 s0, $0xA;
	s2 =	sadd.s32 s3, s2  }
0x8d: {  	s2 =	sadd.s32 s2, s14  }
0x8e: {  	[smem:$0x3FBE] =	sst s2  }
0x8f: {  	_ = 	snop  }
0x90: {  	s2 =	sld [smem:$0x3FD0];
	_ =	sdelay $0x2  }
0x91: {  	s15 =	simm.s32 $0xA;
	s4 =	simm.s32 $0x10  }
0x92: {  	[smem:s4], [sflag:s15] =	dma.local [hbm:s2], $0x1  }
0x93: {  	_ =	swait.eq [sflag:s15], $0x1  }
0x94: {  	[sflag:s15] =	ssyncset.done $0x0  }
0x95: {  	s16 =	sld [smem:$0x10];
	[sflag:s15] =	ssyncadd.s32 $0xFFFFFFFF  }
0x96: {  	s17 =	sld [smem:$0x11];
	(tm) =	ssettm $0x1  }
0x97: {  	s18 =	sld [smem:$0x3FFB];
	_ =	sdelay $0x3  }
0x98: {  	_ =	strace s18  }
0x99: {  	s4 =	sld [smem:$0x3FFC];
	_ =	sdelay $0x3  }
0x9a: {  	_ =	strace s4  }
0x9b: {  	s4 =	sld [smem:$0x3FFD];
	_ =	sdelay $0x3  }
0x9c: {  	_ =	strace s4  }
0x9d: {  	_ =	strace $0x8FFFFFFF  }
0x9e: {  	s19 =	sld [smem:$0x3FDB];
	_ =	sdelay $0x1  }
0x9f: {  	s5 =	simm.s32 $_scs_section_size  }
0xa0: {  	s6 =	simm.s32 $_size__tile_overlayer_lowered;
	s7 =	simm.s32 $_tile_overlayer_lowered  }
0xa1: {  	s22 =	simm.s32 $0x1BFF;
	s21 =	sshll.u32 s7, $0x1;
	s4 =	sadd.s32 s5, s19  }
0xa2: {  	s8 =	simm.s32 $0x0;
	s20 =	sshll.u32 s6, $0x1;
	s6 =	sadd.s32 s21, s4  }
0xa3: {  	[timem:s8], [sflag:s22] =	dma.local [hbm:s6], s20  }
0xa4: {  	_ =	swait.ge [sflag:s22], s20  }
0xa5: {  	s5 =	ssub.s32 $0x0, s20;
	[sflag:s22] =	ssyncset.done $0x0  }
0xa6: {  	[sflag:s22] =	ssyncadd.s32 s5;
	_ =	sdelay $0x1  }
0xa7: {  	s23 =	simm.s32 $0x1B8B  }
0xa8: {  	_ =	swait.ge [sflag:s23], $0x1  }
0xa9: {  	[sflag:s23] =	ssyncset.done $0x0  }
0xaa: {  	s25 =	simm.s32 $0x1B8E;
	s24 =	sld [smem:$0x3FFE];
	[sflag:s23] =	ssyncadd.s32 $0xFFFFFFFF  }
0xab: {  	s26 =	simm.s32 $execute0_lowered;
	[smem:$0x3FD2] =	sst s25  }
0xac: {  	s6 =	sshll.u32 s26, $0x1;
	_ =	strace $0x80000046;
	[dreg:$0x1] =	wrdreg $0xFFFFFFFF  }
0xad: {  	s28 =	simm.s32 $_size_execute0_lowered;
	s4 =	sadd.s32 s4, s6;
	[dreg:$0x0] =	wrdreg $0x0  }
0xae: {  	s6 =	sshll.u32 s28, $0x1;
	[dreg:$0x2] =	wrdreg s4  }
0xaf: {  	[dreg:$0x3] =	wrdreg s6  }
0xb0: {  	[dreg:$0x4] =	wrdreg $0xC0  }
0xb1: {  	_ =	task [dreg:s8], $0x5FFFF  }
0xb2: {  	[dreg:$0x1] =	wrdreg $0xFFFFFFFF  }
0xb3: {  	[dreg:$0x0] =	wrdreg $0x60  }
0xb4: {  	[dreg:$0x2] =	wrdreg s17  }
0xb5: {  	[dreg:$0x3] =	wrdreg s24  }
0xb6: {  	[dreg:$0x4] =	wrdreg s16  }
0xb7: {  	[dreg:$0x5] =	wrdreg $0x9  }
0xb8: {  	_ =	task.clear_ibuf [dreg:s8], $0x6FFFF;
	_ =	strace $0x90000046  }
0xb9: {  	s29 =	simm.s32 $0x9;
	_ =	strace $0x80000048  }
0xba: {  	_ =	swait.ge [sflag:s29], $0x1  }
0xbb: {  	[sflag:s29] =	ssyncadd.s32 $0xFFFFFFFF  }
0xbc: {  	_ =	strace $0x90000048  }
0xbd: {  	_ =	sfence  }
0xbe: {  	s30 =	sld [smem:$0x0];
	_ =	sdelay $0x2  }
0xbf: {  	s31 =	sshll.u32 s1, $0xD;
	s1 =	sshrl.u32 s1, $0x2  }
0xc0: {  	s3 =	sand.u32 $0x4000, s31;
	s1 =	sadd.s32 s1, s30  }
0xc1: {  	s0 =	sor.u32 s3, s0;
	s1 =	sshll.u32 s1, $0x11  }
0xc2: {  	s0 =	sor.u32 s1, s0  }
0xc3: {  	s0 =	sadd.s32 $0x8F2B, s0  }
0xc4: {  	[sflag:s0] =	ssyncadd.remote.s32 $0x1  }
0xc5: {  	_ =	sfence.sel $0xFFFF  }
0xc6: {  	[dreg:$0x0] =	wrdreg $0xFFFFFFFF;
	(pc) =	sbr.abs _section_cstart, $3  }
0xc7: {  	[dreg:$0x1] =	wrdreg $0xFFFFFFFF  }
0xc8: {  	_ =	task.clear_ibuf [dreg:s8], $0x2FFFF;
	_ =	strace $0x9FFFFFFF  }
0xc9: {  	(tm) =	ssettm $0x7FFFFFFF  }
tec
execute0_lowered:
.L_overlay_start_1:
0x0: {  	(tag) =	ssettag $0x1  }
0x1: {  	s1 =	rddreg [dreg:$0x0]  }
0x2: {  	s0 =	rddreg [dreg:$0x1]  }
0x3: {  	s2 =	rddreg [dreg:$0x2];
	s4 =	srdreg.scid  }
0x4: {  	s5 =	stileid.u32;
	s3 =	simm.s32 $0x0;
	s15 =	simm.s32 $0xCD80  }
0x5: {  	s16 =	simm.s32 $0xD580;
	s8 =	simm.s32 $0xF580;
	s9 =	simm.s32 $0x1  }
0x6: {  	s11 =	simm.s32 $0xFD80;
	s17 =	simm.s32 $0x11D80;
	s12 =	simm.s32 $0x0  }
0x7: {  	s4 =	sand.u32 $0x1, s4;
	s5 =	sshll.u32 s5, $0x1;
	[smem:$0x7FF] =	sst s3  }
0x8: {  	s5 =	sor.u32 s4, s5;
	_ =	strace $0x80000047;
	s4 =	ssub.s32 $0x2, s4  }
0x9: {  	s6 =	sshll.u32 s5, $0x9;
	s7 =	sshll.u32 s5, $0xF;
	s5 =	sshll.u32 s5, $0x7  }
0xa: {  	s25 =	sshrl.u32 s4, $0x1;
	s6 =	sadd.s32 s6, s0;
	s2 =	sadd.s32 s2, s5  }
0xb: {  	s0 =	sadd.s32 s7, s0;
	s26 =	sadd.s32 $0x2E00, s6;
	[dreg:$0x5] =	wrdreg s2  }
0xc: {  	s4 =	ssub.s32 s4, s25;
	s28 =	sadd.s32 $0x6E00, s6;
	[dreg:$0x4] =	wrdreg s26  }
.Ltmp0:
0xd: {  	s29 =	sadd.s32 $0x1000, s2;
	[dreg:$0x6] =	wrdreg s28;
	(pc) =	sbr.rel .LBB2_1-.Ltmp0, $4  }
0xe: {  	s7 =	simm.s32 $0xED80;
	s30 =	sadd.s32 $0xAE00, s6;
	[dreg:$0x7] =	wrdreg s29  }
0xf: {  	v2 =	vlaneseq.u32;
	s5 =	simm.s32 $0x2;
	s2 =	sadd.s32 $0x2000, s2;
	[dreg:$0x8] =	wrdreg s30  }
0x10: {  	vm0 =	vmmov $0xffff;
	v1 =	vshrl.u32 v2, $0x3;
	s10 =	sadd.s32 $0xEE00, s0;
	s31 =	smax.u32 s4, $0x1;
	[dreg:$0x9] =	wrdreg s2  }
0x11: {  	v0 =	vand.u32 $0x7, v2;
	v2 =	vor.u32 $0x8, v2;
	v1 =	vmul.u32 $0x8, v1;
	s4 =	simm.s32 $0xDD80;
	s6 =	simm.s32 $0xE580;
	[dreg:$0xa] =	wrdreg s31  }
.LBB2_10:
0x12: {  	s0 =	simm.s32 $0x3  }
0x13: {  	_ =	swait.ge [sflag:s0], $0x2000  }
0x14: {  	[sflag:s0] =	ssyncset.done $0x0  }
0x15: {  	s2 =	simm.s32 $0x4;
	[sflag:s0] =	ssyncadd.s32 $0xFFFFE000  }
0x16: {  	_ =	swait.ge [sflag:s2], $0x2000  }
0x17: {  	s12 =	rddreg [dreg:$0xb]  }
0x18: {  	s31 =	rddreg [dreg:$0xa];
	s12 =	sadd.s32 $0x1, s12  }
0x19: {  	p0 =	sne.s32 s12, s31  }
.Ltmp1:
0x1a: {  	_ = 	snop;
	(pc) =	sbr.rel @!p0 .LBB2_11-.Ltmp1, $3  }
0x1b: {  	_ =	sdelay $0x1  }
0x1c: {  	[sflag:s2] =	ssyncset.done $0x0  }
0x1d: {  	[sflag:s2] =	ssyncadd.s32 $0xFFFFE000  }
.LBB2_1:
0x1e: {  	[dreg:$0xb] =	wrdreg s12  }
0x1f: {  	s0 =	rddreg [dreg:$0x4];
	s2 =	simm.s32 $0x5  }
0x20: {  	[tilespmem:s3], [sflag:$0x5] =	stream.linear.gather [hbm4b:s0+s3], $0x1000, $0x38;
	[tilespmem:$0x13D80] =	vst v63  }
0x21: {  	_ =	swait.ge [sflag:s2], $0x1000  }
0x22: {  	[sflag:s2] =	ssyncset.done $0x0  }
0x23: {  	s31 =	simm.s32 $0x3000;
	s19 =	rddreg [dreg:$0x5];
	[sflag:s2] =	ssyncadd.s32 $0xFFFFF000  }
0x24: {  	[tilespmem:s31], [sflag:$0x5] =	stream.linear.gather [hbm4b:s19+s3], $0x400, $0x38;
	[tilespmem:$0x13D80] =	vst v63  }
0x25: {  	_ =	swait.ge [sflag:s2], $0x400  }
0x26: {  	[sflag:s2] =	ssyncset.done $0x0  }
0x27: {  	s21 =	simm.s32 $0x1000;
	s20 =	rddreg [dreg:$0x6];
	[sflag:s2] =	ssyncadd.s32 $0xFFFFFC00  }
0x28: {  	[tilespmem:s21], [sflag:$0x5] =	stream.linear.gather [hbm4b:s20+s3], $0x1000, $0x38;
	[tilespmem:$0x13D80] =	vst v63  }
0x29: {  	_ =	swait.ge [sflag:s2], $0x1000  }
0x2a: {  	[sflag:s2] =	ssyncset.done $0x0  }
0x2b: {  	s23 =	simm.s32 $0x3480;
	s22 =	rddreg [dreg:$0x7];
	[sflag:s2] =	ssyncadd.s32 $0xFFFFF000  }
0x2c: {  	[tilespmem:s23], [sflag:$0x5] =	stream.linear.gather [hbm4b:s22+s3], $0x400, $0x38;
	[tilespmem:$0x13D80] =	vst v63  }
0x2d: {  	_ =	swait.ge [sflag:s2], $0x400  }
0x2e: {  	[sflag:s2] =	ssyncset.done $0x0  }
0x2f: {  	s25 =	simm.s32 $0x2000;
	s24 =	rddreg [dreg:$0x8];
	[sflag:s2] =	ssyncadd.s32 $0xFFFFFC00  }
0x30: {  	[tilespmem:s25], [sflag:$0x5] =	stream.linear.gather [hbm4b:s24+s3], $0x1000, $0x38;
	[tilespmem:$0x13D80] =	vst v63  }
0x31: {  	_ =	swait.ge [sflag:s2], $0x1000  }
0x32: {  	[sflag:s2] =	ssyncset.done $0x0  }
0x33: {  	s28 =	simm.s32 $0x3900;
	s26 =	rddreg [dreg:$0x9];
	[sflag:s2] =	ssyncadd.s32 $0xFFFFF000  }
0x34: {  	[tilespmem:s28], [sflag:$0x5] =	stream.linear.gather [hbm4b:s26+s3], $0x400, $0x38;
	[tilespmem:$0x13D80] =	vst v63  }
0x35: {  	_ =	swait.ge [sflag:s2], $0x400  }
0x36: {  	[sflag:s2] =	ssyncset.done $0x0  }
0x37: {  	[sflag:s2] =	ssyncadd.s32 $0xFFFFFC00  }
0x38: {  	v3 =	vld [tilespmem:$0x0];
	_ =	sdelay $0x4  }
0x39: {  	v4 =	vshll.u32 v3, $0x1  }
0x3a: {  	v3 =	vand.u32 $0x7, v3;
	v4 =	vand.u32 $0xFFFFFFF0, v4  }
0x3b: {  	v3 =	vor.u32 v3, v4  }
0x3c: {  	v4 =	vperm.xlane v3, v0;
	_ =	sdelay $0x1  }
0x3d: {  	v3 =	vperm.xlane v3, v2;
	v4 =	vadd.s32 v1, v4;
	_ =	sdelay $0x1  }
0x3e: {  	v3 =	vadd.s32 v1, v3;
	_ =	sdelay $0x1  }
0x3f: {  	s29 =	simm.s32 $0x3D80  }
0x40: {  	[tilespmem:s29], [sflag:$0x1] =	stream.indirect_vreg.gather [hbm4b:s1+s3], $0x80, v4, vm0, $0xb8;
	[tilespmem:$0x13D80] =	vst v63  }
0x41: {  	s30 =	simm.s32 $0x4580  }
0x42: {  	[tilespmem:s30], [sflag:$0x1] =	stream.indirect_vreg.gather [hbm4b:s1+s3], $0x80, v3, vm0, $0xb8;
	[tilespmem:$0x13D80] =	vst v63  }
0x43: {  	v3 =	vld [tilespmem:$0x10];
	_ =	sdelay $0x4  }
0x44: {  	v53 =	vshll.u32 v3, $0x1  }
0x45: {  	v3 =	vand.u32 $0x7, v3;
	v4 =	vand.u32 $0xFFFFFFF0, v53  }
0x46: {  	v3 =	vor.u32 v3, v4  }
0x47: {  	v4 =	vperm.xlane v3, v0;
	_ =	sdelay $0x1  }
0x48: {  	v3 =	vperm.xlane v3, v2;
	v4 =	vadd.s32 v1, v4;
	_ =	sdelay $0x1  }
0x49: {  	v3 =	vadd.s32 v1, v3;
	_ =	sdelay $0x1  }
0x4a: {  	s2 =	simm.s32 $0x4D80  }
0x4b: {  	[tilespmem:s2], [sflag:$0x1] =	stream.indirect_vreg.gather [hbm4b:s1+s3], $0x80, v4, vm0, $0xb8;
	[tilespmem:$0x13D80] =	vst v63  }
0x4c: {  	s12 =	simm.s32 $0x5580  }
0x4d: {  	[tilespmem:s12], [sflag:$0x1] =	stream.indirect_vreg.gather [hbm4b:s1+s3], $0x80, v3, vm0, $0xb8;
	[tilespmem:$0x13D80] =	vst v63  }
0x4e: {  	v3 =	vld [tilespmem:$0x1000];
	_ =	sdelay $0x4  }
0x4f: {  	v54 =	vshll.u32 v3, $0x1  }
0x50: {  	v3 =	vand.u32 $0x7, v3;
	v4 =	vand.u32 $0xFFFFFFF0, v54  }
0x51: {  	v3 =	vor.u32 v3, v4  }
0x52: {  	v4 =	vperm.xlane v3, v0;
	_ =	sdelay $0x1  }
0x53: {  	v3 =	vperm.xlane v3, v2;
	v4 =	vadd.s32 v1, v4;
	_ =	sdelay $0x1  }
0x54: {  	v3 =	vadd.s32 v1, v3;
	_ =	sdelay $0x1  }
0x55: {  	s13 =	simm.s32 $0x5D80  }
0x56: {  	[tilespmem:s13], [sflag:$0x1] =	stream.indirect_vreg.gather [hbm4b:s1+s3], $0x80, v4, vm0, $0xb8;
	[tilespmem:$0x13D80] =	vst v63  }
0x57: {  	s14 =	simm.s32 $0x6580  }
0x58: {  	[tilespmem:s14], [sflag:$0x1] =	stream.indirect_vreg.gather [hbm4b:s1+s3], $0x80, v3, vm0, $0xb8;
	[tilespmem:$0x13D80] =	vst v63  }
0x59: {  	v3 =	vld [tilespmem:$0x1010];
	_ =	sdelay $0x4  }
0x5a: {  	v55 =	vshll.u32 v3, $0x1  }
0x5b: {  	v3 =	vand.u32 $0x7, v3;
	v4 =	vand.u32 $0xFFFFFFF0, v55  }
0x5c: {  	v3 =	vor.u32 v3, v4  }
0x5d: {  	v4 =	vperm.xlane v3, v0;
	_ =	sdelay $0x1  }
0x5e: {  	v3 =	vperm.xlane v3, v2;
	v4 =	vadd.s32 v1, v4;
	_ =	sdelay $0x1  }
0x5f: {  	v3 =	vadd.s32 v1, v3;
	_ =	sdelay $0x1  }
0x60: {  	s18 =	simm.s32 $0x6D80  }
0x61: {  	[tilespmem:s18], [sflag:$0x1] =	stream.indirect_vreg.gather [hbm4b:s1+s3], $0x80, v4, vm0, $0xb8;
	[tilespmem:$0x13D80] =	vst v63  }
0x62: {  	s19 =	simm.s32 $0x7580  }
0x63: {  	[tilespmem:s19], [sflag:$0x1] =	stream.indirect_vreg.gather [hbm4b:s1+s3], $0x80, v3, vm0, $0xb8;
	[tilespmem:$0x13D80] =	vst v63  }
0x64: {  	v3 =	vld [tilespmem:$0x2000];
	_ =	sdelay $0x4  }
0x65: {  	v56 =	vshll.u32 v3, $0x1  }
0x66: {  	v3 =	vand.u32 $0x7, v3;
	v4 =	vand.u32 $0xFFFFFFF0, v56  }
0x67: {  	v3 =	vor.u32 v3, v4  }
0x68: {  	v4 =	vperm.xlane v3, v0;
	_ =	sdelay $0x1  }
0x69: {  	v3 =	vperm.xlane v3, v2;
	v4 =	vadd.s32 v1, v4;
	_ =	sdelay $0x1  }
0x6a: {  	v3 =	vadd.s32 v1, v3;
	_ =	sdelay $0x1  }
0x6b: {  	s20 =	simm.s32 $0x7D80  }
0x6c: {  	[tilespmem:s20], [sflag:$0x1] =	stream.indirect_vreg.gather [hbm4b:s1+s3], $0x80, v4, vm0, $0xb8;
	[tilespmem:$0x13D80] =	vst v63  }
0x6d: {  	s21 =	simm.s32 $0x8580  }
0x6e: {  	[tilespmem:s21], [sflag:$0x1] =	stream.indirect_vreg.gather [hbm4b:s1+s3], $0x80, v3, vm0, $0xb8;
	[tilespmem:$0x13D80] =	vst v63  }
0x6f: {  	v3 =	vld [tilespmem:$0x2010];
	_ =	sdelay $0x4  }
0x70: {  	v57 =	vshll.u32 v3, $0x1  }
0x71: {  	v3 =	vand.u32 $0x7, v3;
	v4 =	vand.u32 $0xFFFFFFF0, v57  }
0x72: {  	v3 =	vor.u32 v3, v4  }
0x73: {  	v4 =	vperm.xlane v3, v0;
	_ =	sdelay $0x1  }
0x74: {  	v3 =	vperm.xlane v3, v2;
	v4 =	vadd.s32 v1, v4;
	_ =	sdelay $0x1  }
0x75: {  	v3 =	vadd.s32 v1, v3;
	_ =	sdelay $0x1  }
0x76: {  	s22 =	simm.s32 $0x8D80  }
0x77: {  	[tilespmem:s22], [sflag:$0x1] =	stream.indirect_vreg.gather [hbm4b:s1+s3], $0x80, v4, vm0, $0xb8;
	[tilespmem:$0x13D80] =	vst v63  }
0x78: {  	s23 =	simm.s32 $0x9580  }
0x79: {  	[tilespmem:s23], [sflag:$0x1] =	stream.indirect_vreg.gather [hbm4b:s1+s3], $0x80, v3, vm0, $0xb8;
	[tilespmem:$0x13D80] =	vst v63  }
0x7a: {  	v3 =	vld [tilespmem:$0x80];
	_ =	sdelay $0x4  }
0x7b: {  	v58 =	vshll.u32 v3, $0x1  }
0x7c: {  	v3 =	vand.u32 $0x7, v3;
	v4 =	vand.u32 $0xFFFFFFF0, v58  }
0x7d: {  	v3 =	vor.u32 v3, v4  }
0x7e: {  	v4 =	vperm.xlane v3, v0;
	_ =	sdelay $0x1  }
0x7f: {  	v3 =	vperm.xlane v3, v2;
	v4 =	vadd.s32 v1, v4;
	_ =	sdelay $0x1  }
0x80: {  	v3 =	vadd.s32 v1, v3;
	_ =	sdelay $0x1  }
0x81: {  	s24 =	simm.s32 $0x9D80  }
0x82: {  	[tilespmem:s24], [sflag:$0x2] =	stream.indirect_vreg.gather [hbm4b:s1+s3], $0x80, v4, vm0, $0xb8;
	[tilespmem:$0x13D80] =	vst v63  }
0x83: {  	s25 =	simm.s32 $0xA580  }
0x84: {  	[tilespmem:s25], [sflag:$0x2] =	stream.indirect_vreg.gather [hbm4b:s1+s3], $0x80, v3, vm0, $0xb8;
	[tilespmem:$0x13D80] =	vst v63  }
0x85: {  	v3 =	vld [tilespmem:$0x90];
	_ =	sdelay $0x4  }
0x86: {  	v59 =	vshll.u32 v3, $0x1  }
0x87: {  	v3 =	vand.u32 $0x7, v3;
	v4 =	vand.u32 $0xFFFFFFF0, v59  }
0x88: {  	v3 =	vor.u32 v3, v4  }
0x89: {  	v4 =	vperm.xlane v3, v0;
	_ =	sdelay $0x1  }
0x8a: {  	v3 =	vperm.xlane v3, v2;
	v4 =	vadd.s32 v1, v4;
	_ =	sdelay $0x1  }
0x8b: {  	v3 =	vadd.s32 v1, v3;
	_ =	sdelay $0x1  }
0x8c: {  	s26 =	simm.s32 $0xAD80  }
0x8d: {  	[tilespmem:s26], [sflag:$0x2] =	stream.indirect_vreg.gather [hbm4b:s1+s3], $0x80, v4, vm0, $0xb8;
	[tilespmem:$0x13D80] =	vst v63  }
0x8e: {  	s28 =	simm.s32 $0xB580  }
0x8f: {  	[tilespmem:s28], [sflag:$0x2] =	stream.indirect_vreg.gather [hbm4b:s1+s3], $0x80, v3, vm0, $0xb8;
	[tilespmem:$0x13D80] =	vst v63  }
0x90: {  	v3 =	vld [tilespmem:$0x1080];
	_ =	sdelay $0x4  }
0x91: {  	v60 =	vshll.u32 v3, $0x1  }
0x92: {  	v3 =	vand.u32 $0x7, v3;
	v4 =	vand.u32 $0xFFFFFFF0, v60  }
0x93: {  	v3 =	vor.u32 v3, v4  }
0x94: {  	v4 =	vperm.xlane v3, v0;
	_ =	sdelay $0x1  }
0x95: {  	v3 =	vperm.xlane v3, v2;
	v4 =	vadd.s32 v1, v4;
	_ =	sdelay $0x1  }
0x96: {  	v3 =	vadd.s32 v1, v3;
	_ =	sdelay $0x1  }
0x97: {  	s29 =	simm.s32 $0xBD80  }
0x98: {  	[tilespmem:s29], [sflag:$0x2] =	stream.indirect_vreg.gather [hbm4b:s1+s3], $0x80, v4, vm0, $0xb8;
	[tilespmem:$0x13D80] =	vst v63  }
0x99: {  	s30 =	simm.s32 $0xC580  }
0x9a: {  	[tilespmem:s30], [sflag:$0x2] =	stream.indirect_vreg.gather [hbm4b:s1+s3], $0x80, v3, vm0, $0xb8;
	[tilespmem:$0x13D80] =	vst v63  }
0x9b: {  	v3 =	vld [tilespmem:$0x1090];
	_ =	sdelay $0x4  }
0x9c: {  	v61 =	vshll.u32 v3, $0x1  }
0x9d: {  	v3 =	vand.u32 $0x7, v3;
	v4 =	vand.u32 $0xFFFFFFF0, v61  }
0x9e: {  	v3 =	vor.u32 v3, v4  }
0x9f: {  	v4 =	vperm.xlane v3, v0;
	_ =	sdelay $0x1  }
0xa0: {  	v3 =	vperm.xlane v3, v2;
	v4 =	vadd.s32 v1, v4;
	_ =	sdelay $0x1  }
0xa1: {  	v3 =	vadd.s32 v1, v3;
	_ =	sdelay $0x2  }
0xa2: {  	[tilespmem:s15], [sflag:$0x2] =	stream.indirect_vreg.gather [hbm4b:s1+s3], $0x80, v4, vm0, $0xb8;
	[tilespmem:$0x13D80] =	vst v63  }
0xa3: {  	_ = 	snop  }
0xa4: {  	[tilespmem:s16], [sflag:$0x2] =	stream.indirect_vreg.gather [hbm4b:s1+s3], $0x80, v3, vm0, $0xb8;
	[tilespmem:$0x13D80] =	vst v63  }
0xa5: {  	v3 =	vld [tilespmem:$0x2080];
	_ =	sdelay $0x4  }
0xa6: {  	v62 =	vshll.u32 v3, $0x1  }
0xa7: {  	v3 =	vand.u32 $0x7, v3;
	v4 =	vand.u32 $0xFFFFFFF0, v62  }
0xa8: {  	v3 =	vor.u32 v3, v4  }
0xa9: {  	v4 =	vperm.xlane v3, v0;
	_ =	sdelay $0x1  }
0xaa: {  	v3 =	vperm.xlane v3, v2;
	v4 =	vadd.s32 v1, v4;
	_ =	sdelay $0x1  }
0xab: {  	v3 =	vadd.s32 v1, v3;
	_ =	sdelay $0x2  }
0xac: {  	[tilespmem:s4], [sflag:$0x2] =	stream.indirect_vreg.gather [hbm4b:s1+s3], $0x80, v4, vm0, $0xb8;
	[tilespmem:$0x13D80] =	vst v63  }
0xad: {  	_ = 	snop  }
0xae: {  	[tilespmem:s6], [sflag:$0x2] =	stream.indirect_vreg.gather [hbm4b:s1+s3], $0x80, v3, vm0, $0xb8;
	[tilespmem:$0x13D80] =	vst v63  }
0xaf: {  	v3 =	vld [tilespmem:$0x2090];
	_ =	sdelay $0x4  }
0xb0: {  	v63 =	vshll.u32 v3, $0x1  }
0xb1: {  	v3 =	vand.u32 $0x7, v3;
	v4 =	vand.u32 $0xFFFFFFF0, v63  }
0xb2: {  	v3 =	vor.u32 v3, v4  }
0xb3: {  	v4 =	vperm.xlane v3, v0;
	_ =	sdelay $0x1  }
0xb4: {  	v3 =	vperm.xlane v3, v2;
	v4 =	vadd.s32 v1, v4;
	_ =	sdelay $0x1  }
0xb5: {  	v3 =	vadd.s32 v1, v3;
	_ =	sdelay $0x1  }
0xb6: {  	s19 =	simm.s32 $0x3020  }
0xb7: {  	[tilespmem:s7], [sflag:$0x2] =	stream.indirect_vreg.gather [hbm4b:s1+s3], $0x80, v4, vm0, $0xb8;
	[tilespmem:$0x13D80] =	vst v63  }
0xb8: {  	s20 =	simm.s32 $0x0;
	s21 =	simm.s32 $0x0;
	s22 =	simm.s32 $0x0  }
0xb9: {  	[tilespmem:s8], [sflag:$0x2] =	stream.indirect_vreg.gather [hbm4b:s1+s3], $0x80, v3, vm0, $0xb8;
	[tilespmem:$0x13D80] =	vst v63  }
.LBB2_2:
0xba: {  	_ =	swait.ge [sflag:s9], $0x2000  }
0xbb: {  	[sflag:s9] =	ssyncset.done $0x0  }
0xbc: {  	[sflag:s9] =	ssyncadd.s32 $0xFFFFE000  }
0xbd: {  	_ =	swait.ge [sflag:s9], $0x2000  }
0xbe: {  	[sflag:s9] =	ssyncset.done $0x0  }
0xbf: {  	[sflag:s9] =	ssyncadd.s32 $0xFFFFE000  }
0xc0: {  	_ =	swait.ge [sflag:s9], $0x2000  }
0xc1: {  	p0 =	seq.s32 s22, $0x0;
	[sflag:s9] =	ssyncset.done $0x0  }
0xc2: {  	s0 =	simm.s32 @!p0 $0x3;
	[sflag:s9] =	ssyncadd.s32 $0xFFFFE000  }
0xc3: {  	s26 =	simm.s32 $0x0;
	_ =	swait.ge @!p0 [sflag:s0], $0x2000  }
0xc4: {  	s2 =	sand.u32 $0x1800, s26;
	s12 =	sand.u32 $0x380, s26;
	[sflag:s0] =	ssyncset.done @!p0 $0x0  }
0xc5: {  	s25 =	sor.u32 s12, s2;
	[sflag:s0] =	ssyncadd.s32 @!p0 $0xFFFFE000  }
0xc6: {  	v18 =	vld [tilespmem:s25+$0x3D80]  }
0xc7: {  	v20 =	vld [tilespmem:s25+$0x5D80]  }
0xc8: {  	v4 =	vld [tilespmem:s25+$0x3D90]  }
0xc9: {  	v3 =	vld [tilespmem:s25+$0x5D90]  }
0xca: {  	v16 =	vld [tilespmem:s25+$0x3DA0]  }
0xcb: {  	v12 =	vld [tilespmem:s25+$0x5DA0]  }
0xcc: {  	v37 =	vld [tilespmem:s25+$0x5DB0]  }
0xcd: {  	v25 =	vld [tilespmem:s25+$0x3DC0]  }
0xce: {  	v5 =	vld [tilespmem:s25+$0x7D90]  }
0xcf: {  	v14 =	vld [tilespmem:s25+$0x61A0]  }
0xd0: {  	v7 =	vld [tilespmem:s25+$0x61B0]  }
0xd1: {  	v9 =	vld [tilespmem:s25+$0x7DE0]  }
0xd2: {  	v6 =	vld [tilespmem:s25+$0x8180]  }
0xd3: {  	v8 =	vld [tilespmem:s25+$0x4180]  }
0xd4: {  	v13 =	vld [tilespmem:s25+$0x7DF0]  }
0xd5: {  	v10 =	vld [tilespmem:s25+$0x5DC0]  }
0xd6: {  	v17 =	vld [tilespmem:s25+$0x61C0]  }
0xd7: {  	v11 =	vld [tilespmem:s25+$0x81B0]  }
0xd8: {  	v23 =	vld [tilespmem:s25+$0x81C0]  }
0xd9: {  	v27 =	vld [tilespmem:s25+$0x81A0]  }
0xda: {  	v33 =	vld [tilespmem:s25+$0x7DA0]  }
0xdb: {  	v24 =	vld [tilespmem:s25+$0x41E0]  }
0xdc: {  	v30 =	vld [tilespmem:s25+$0x8190]  }
0xdd: {  	v35 =	vld [tilespmem:s25+$0x4190]  }
0xde: {  	v36 =	vld [tilespmem:s25+$0x41D0]  }
0xdf: {  	v26 =	vld [tilespmem:s25+$0x81D0]  }
0xe0: {  	v22 =	vld [tilespmem:s25+$0x41F0]  }
0xe1: {  	v29 =	vld [tilespmem:s25+$0x61E0]  }
0xe2: {  	v21 =	vld [tilespmem:s25+$0x6180]  }
0xe3: {  	v31 =	vld [tilespmem:s25+$0x41B0]  }
0xe4: {  	v43 =	vld [tilespmem:s25+$0x81E0]  }
0xe5: {  	v41 =	vld [tilespmem:s25+$0x6190]  }
0xe6: {  	s13 =	sshll.u32 s22, $0x6;
	v39 =	vld [tilespmem:s25+$0x5DF0]  }
0xe7: {  	s0 =	sand.u32 $0x380, s13;
	v32 =	vld [tilespmem:s25+$0x61D0]  }
0xe8: {  	s14 =	sand.u32 $0x5F, s21;
	s28 =	sadd.s32 $0x3480, s0;
	v28 =	vld.msk [tilespmem:s31+$0x0 ss:$0x0], $0xffff  }
0xe9: {  	v34 =	vld [tilespmem:s25+$0x3DB0];
	s18 =	sadd.s32 s14, s28  }
0xea: {  	v19 =	vld.msk [tilespmem:s18+$0x0 ss:$0x0], $0xffff  }
0xeb: {  	s29 =	sadd.s32 $0x3900, s0;
	v42 =	vld [tilespmem:s25+$0x5DD0]  }
0xec: {  	v44 =	vld [tilespmem:s25+$0x7DB0];
	s0 =	sadd.s32 s14, s29  }
0xed: {  	v15 =	vld.msk [tilespmem:s0+$0x0 ss:$0x0], $0xffff  }
0xee: {  	v38 =	vld [tilespmem:s25+$0x7DD0];
	v45 =	vmul.f32 v34, v28;
	v50 =	vmul.f32 v18, v28  }
0xef: {  	v49 =	vld [tilespmem:s25+$0x41A0];
	v31 =	vmul.f32 v31, v28;
	v48 =	vmul.f32 v20, v19  }
0xf0: {  	v47 =	vld [tilespmem:s25+$0x3DE0];
	v40 =	vmul.f32 v32, v19;
	v32 =	vmul.f32 v21, v19  }
0xf1: {  	v34 =	vld [tilespmem:s25+$0x3DD0];
	v20 =	vmul.f32 v29, v19;
	v39 =	vmul.f32 v39, v19  }
0xf2: {  	s23 =	sand.u32 $0x7F, s20;
	s24 =	sand.u32 $0x3FFFFF80, s21;
	v21 =	vld [tilespmem:s25+$0x7D80];
	v18 =	vmul.f32 v43, v15;
	v46 =	vmul.f32 v44, v15  }
0xf3: {  	s30 =	sadd.s32 $0x1, s21;
	s12 =	simm.s32 $0x100;
	s0 =	sor.u32 s23, s24;
	v29 =	vmul.f32 v26, v15;
	v44 =	vld [tilespmem:s25+$0x61F0];
	v26 =	vmul.f32 v24, v28  }
0xf4: {  	s24 =	sshll.u32 s22, $0x1;
	s18 =	smov.u32 s31;
	s23 =	sadd.s32 $0x34A0, s0;
	v43 =	vmul.f32 v49, v28;
	v24 =	vadd.f32 v48, v50;
	v48 =	vmul.f32 v37, v19;
	v37 =	vld [tilespmem:s25+$0x5DE0]  }
.LBB2_3:
0xf5: {  	s0 =	sand.u32 $0x5F, s30;
	v49 =	vmul.f32 v25, v28;
	v25 =	vld [tilespmem:s25+$0x3DF0];
	v41 =	vmul.f32 v41, v19;
	s26 =	sadd.s32 $0x80, s26;
	s18 =	sadd.s32 $0x1, s18  }
0xf6: {  	s13 =	sand.u32 $0x1800, s12;
	v42 =	vmul.f32 v42, v19;
	s2 =	sadd.s32 s0, s28;
	s14 =	sand.u32 $0x380, s26;
	v45 =	vadd.f32 v48, v45;
	v48 =	vmul.f32 v34, v28;
	v50 =	vld [tilespmem:s25+$0x41C0]  }
0xf7: {  	p1 =	sne.s32 s12, $0x1F00;
	s12 =	sadd.s32 $0x100, s12;
	v51 =	vmul.f32 v16, v28;
	v53 =	vmul.f32 v38, v15;
	s13 =	sor.u32 s14, s13;
	v52 =	vld [tilespmem:s25+$0x7DC0]  }
0xf8: {  	v33 =	vmul.f32 v33, v15;
	v34 =	vld [tilespmem:s13+$0x3D80];
	v16 =	vadd.f32 v46, v45;
	v45 =	vmul.f32 v47, v28  }
0xf9: {  	v35 =	vmul.f32 v35, v28;
	v36 =	vmul.f32 v36, v28;
	v38 =	vld [tilespmem:s13+$0x5D80]  }
0xfa: {  	v44 =	vmul.f32 v44, v19;
	v47 =	vmul.f32 v5, v15;
	v46 =	vld [tilespmem:s13+$0x3D90];
	[tilespmem:s25+$0xFDB0] =	vst v16  }
0xfb: {  	v5 =	vadd.f32 v42, v48;
	v42 =	vmul.f32 v37, v19;
	v54 =	vld [tilespmem:s13+$0x5D90];
	v48 =	vmul.f32 v50, v28  }
0xfc: {  	v14 =	vmul.f32 v14, v19;
	v36 =	vadd.f32 v40, v36;
	v16 =	vld [tilespmem:s13+$0x3DA0];
	v50 =	vmul.f32 v52, v15  }
0xfd: {  	v30 =	vmul.f32 v30, v15;
	v52 =	vadd.f32 v53, v5;
	v53 =	vmul.f32 v25, v28;
	v40 =	vld [tilespmem:s13+$0x5DA0]  }
0xfe: {  	v27 =	vmul.f32 v27, v15;
	v14 =	vadd.f32 v14, v43;
	v42 =	vadd.f32 v42, v45;
	v37 =	vld [tilespmem:s13+$0x5DB0]  }
0xff: {  	v12 =	vmul.f32 v12, v19;
	v23 =	vmul.f32 v23, v15;
	v35 =	vadd.f32 v41, v35;
	v25 =	vld [tilespmem:s13+$0x3DC0]  }
0x100: {  	v41 =	vmul.f32 v11, v15;
	v11 =	vmul.f32 v17, v19;
	v27 =	vadd.f32 v27, v14;
	v5 =	vld [tilespmem:s13+$0x7D90]  }
0x101: {  	v10 =	vmul.f32 v10, v19;
	v13 =	vmul.f32 v13, v15;
	v17 =	vadd.f32 v39, v53;
	v14 =	vld [tilespmem:s13+$0x61A0]  }
0x102: {  	v8 =	vmul.f32 v8, v28;
	v51 =	vadd.f32 v12, v51;
	v11 =	vadd.f32 v11, v48;
	[tilespmem:s25+$0x101A0] =	vst v27;
	v27 =	vld [tilespmem:s25+$0x81F0]  }
0x103: {  	v43 =	vmul.f32 v4, v28;
	v10 =	vadd.f32 v10, v49;
	v13 =	vadd.f32 v13, v17;
	v39 =	vld [tilespmem:s13+$0x61B0];
	[tilespmem:s25+$0xFDD0] =	vst v52  }
0x104: {  	v22 =	vmul.f32 v22, v28;
	v4 =	vmovc v46;
	v17 =	vadd.f32 v32, v8;
	v32 =	vmul.f32 v6, v15;
	v45 =	vld [tilespmem:s13+$0x7DE0]  }
0x105: {  	v9 =	vmul.f32 v9, v15;
	v30 =	vadd.f32 v30, v35;
	v28 =	vadd.f32 v33, v51;
	v12 =	vmovc v40;
	v6 =	vld [tilespmem:s13+$0x8180]  }
0x106: {  	v22 =	vadd.f32 v44, v22;
	v33 =	vmul.f32 v7, v19;
	v32 =	vadd.f32 v32, v17;
	v8 =	vld [tilespmem:s13+$0x4180];
	[tilespmem:s25+$0xFDF0] =	vst v13  }
0x107: {  	v35 =	vadd.f32 v50, v10;
	v40 =	vadd.f32 v9, v42;
	v13 =	vld [tilespmem:s13+$0x7DF0];
	[tilespmem:s25+$0x10190] =	vst v30;
	v27 =	vmul.f32 v27, v15  }
0x108: {  	v19 =	vmul.f32 v3, v19;
	v23 =	vadd.f32 v23, v11;
	v10 =	vld [tilespmem:s13+$0x5DC0];
	[tilespmem:s25+$0xFDA0] =	vst v28;
	v28 =	vadd.f32 v33, v31  }
0x109: {  	v29 =	vadd.f32 v29, v36;
	v3 =	vmovc v54;
	v7 =	vmov v39;
	v17 =	vld [tilespmem:s13+$0x61C0];
	[tilespmem:s25+$0xFDE0] =	vst v40;
	v22 =	vadd.f32 v27, v22  }
0x10a: {  	v19 =	vadd.f32 v19, v43;
	v9 =	vmov v45;
	v11 =	vld [tilespmem:s13+$0x81B0];
	v28 =	vadd.f32 v41, v28;
	[tilespmem:s25+$0x101C0] =	vst v23  }
0x10b: {  	v15 =	vmul.f32 v21, v15;
	v23 =	vld [tilespmem:s13+$0x81C0];
	[tilespmem:s25+$0x10180] =	vst v32  }
0x10c: {  	v20 =	vadd.f32 v20, v26;
	v19 =	vadd.f32 v47, v19;
	v27 =	vld [tilespmem:s13+$0x81A0];
	[tilespmem:s25+$0x101D0] =	vst v29  }
0x10d: {  	v15 =	vadd.f32 v15, v24;
	v33 =	vld [tilespmem:s13+$0x7DA0];
	[tilespmem:s25+$0x101F0] =	vst v22  }
0x10e: {  	v18 =	vadd.f32 v18, v20;
	v26 =	vld [tilespmem:s13+$0x41E0];
	[tilespmem:s25+$0xFDC0] =	vst v35  }
0x10f: {  	v30 =	vld [tilespmem:s13+$0x8190];
	[tilespmem:s25+$0x101B0] =	vst v28  }
0x110: {  	v35 =	vld [tilespmem:s13+$0x4190];
	[tilespmem:s25+$0xFD90] =	vst v19  }
0x111: {  	v36 =	vld [tilespmem:s13+$0x41D0];
	[tilespmem:s25+$0x101E0] =	vst v18  }
0x112: {  	v29 =	vld [tilespmem:s13+$0x81D0];
	[tilespmem:s25+$0xFD80] =	vst v15;
	s25 =	smov.u32 s13  }
0x113: {  	v22 =	vld [tilespmem:s25+$0x41F0]  }
0x114: {  	v18 =	vld [tilespmem:s25+$0x61E0]  }
0x115: {  	v20 =	vld [tilespmem:s25+$0x6180]  }
0x116: {  	v31 =	vld [tilespmem:s25+$0x41B0]  }
0x117: {  	v24 =	vld [tilespmem:s25+$0x81E0]  }
0x118: {  	v41 =	vld [tilespmem:s25+$0x6190]  }
0x119: {  	v39 =	vld [tilespmem:s25+$0x5DF0]  }
0x11a: {  	v21 =	vld [tilespmem:s25+$0x61D0]  }
0x11b: {  	v19 =	vld.msk [tilespmem:s2+$0x0 ss:$0x0], $0xffff  }
0x11c: {  	v28 =	vld.msk [tilespmem:s18+$0x0 ss:$0x0], $0xffff  }
0x11d: {  	s0 =	sadd.s32 s0, s29;
	v32 =	vld [tilespmem:s25+$0x3DB0]  }
0x11e: {  	v15 =	vld.msk [tilespmem:s0+$0x0 ss:$0x0], $0xffff  }
0x11f: {  	v42 =	vld [tilespmem:s25+$0x5DD0]  }
0x120: {  	v43 =	vld [tilespmem:s25+$0x7DB0]  }
0x121: {  	v44 =	vmul.f32 v38, v19;
	v40 =	vmul.f32 v21, v19;
	v38 =	vld [tilespmem:s25+$0x7DD0]  }
0x122: {  	v45 =	vmul.f32 v32, v28;
	v32 =	vmul.f32 v20, v19;
	v49 =	vld [tilespmem:s25+$0x41A0]  }
.Ltmp2:
0x123: {  	v46 =	vmul.f32 v34, v28;
	v20 =	vmul.f32 v18, v19;
	v21 =	vld [tilespmem:s25+$0x7D80];
	(pc) =	sbr.rel @p1 .LBB2_3-.Ltmp2, $4  }
0x124: {  	v39 =	vmul.f32 v39, v19;
	v18 =	vmul.f32 v24, v15;
	v34 =	vld [tilespmem:s25+$0x3DD0]  }
0x125: {  	v24 =	vadd.f32 v44, v46;
	v29 =	vmul.f32 v29, v15;
	v46 =	vmul.f32 v43, v15;
	v44 =	vld [tilespmem:s25+$0x61F0]  }
0x126: {  	v31 =	vmul.f32 v31, v28;
	v26 =	vmul.f32 v26, v28;
	v47 =	vld [tilespmem:s25+$0x3DE0]  }
0x127: {  	s30 =	sadd.s32 $0x1, s30;
	v48 =	vmul.f32 v37, v19;
	v37 =	vld [tilespmem:s25+$0x5DE0];
	v43 =	vmul.f32 v49, v28  }
0x128: {  	v25 =	vmul.f32 v25, v28;
	v41 =	vmul.f32 v41, v19  }
0x129: {  	v42 =	vmul.f32 v42, v19;
	v16 =	vmul.f32 v16, v28  }
0x12a: {  	v38 =	vmul.f32 v38, v15;
	v33 =	vmul.f32 v33, v15  }
0x12b: {  	v35 =	vmul.f32 v35, v28;
	v36 =	vmul.f32 v36, v28  }
0x12c: {  	v14 =	vmul.f32 v14, v19;
	v27 =	vmul.f32 v27, v15  }
0x12d: {  	v30 =	vmul.f32 v30, v15;
	v12 =	vmul.f32 v12, v19  }
0x12e: {  	v13 =	vmul.f32 v13, v15;
	v17 =	vmul.f32 v17, v19  }
0x12f: {  	v8 =	vmul.f32 v8, v28;
	v9 =	vmul.f32 v9, v15  }
0x130: {  	v6 =	vmul.f32 v6, v15;
	v60 =	vadd.f32 v20, v26;
	v45 =	vadd.f32 v48, v45  }
0x131: {  	v4 =	vmul.f32 v4, v28;
	v14 =	vadd.f32 v14, v43;
	v36 =	vadd.f32 v40, v36  }
0x132: {  	v7 =	vmul.f32 v7, v19;
	v12 =	vadd.f32 v12, v16;
	v45 =	vadd.f32 v46, v45  }
0x133: {  	v3 =	vmul.f32 v3, v19;
	v8 =	vadd.f32 v32, v8;
	v14 =	vadd.f32 v27, v14  }
0x134: {  	v50 =	vld [tilespmem:s25+$0x7DC0];
	v56 =	vmul.f32 v11, v15;
	v35 =	vadd.f32 v41, v35;
	v12 =	vadd.f32 v33, v12;
	[tilespmem:s25+$0xFDB0] =	vst v45  }
0x135: {  	v49 =	vld [tilespmem:s25+$0x41C0];
	v34 =	vmul.f32 v34, v28;
	v7 =	vadd.f32 v7, v31;
	v6 =	vadd.f32 v6, v8;
	[tilespmem:s25+$0x101A0] =	vst v14  }
0x136: {  	v61 =	vld [tilespmem:s25+$0x3DF0];
	v5 =	vmul.f32 v5, v15;
	v3 =	vadd.f32 v3, v4;
	v55 =	vadd.f32 v29, v36;
	[tilespmem:s25+$0xFDA0] =	vst v12  }
0x137: {  	v10 =	vmul.f32 v10, v19;
	v34 =	vadd.f32 v42, v34;
	v59 =	vadd.f32 v56, v7;
	[tilespmem:s25+$0x10180] =	vst v6  }
0x138: {  	v47 =	vmul.f32 v47, v28;
	v37 =	vmul.f32 v37, v19;
	v3 =	vadd.f32 v5, v3;
	[tilespmem:s25+$0x101D0] =	vst v55  }
0x139: {  	v54 =	vadd.f32 v10, v25;
	v63 =	vmul.f32 v50, v15;
	v34 =	vadd.f32 v38, v34;
	[tilespmem:s25+$0x101B0] =	vst v59  }
0x13a: {  	v62 =	vmul.f32 v49, v28;
	v49 =	vadd.f32 v30, v35;
	v37 =	vadd.f32 v37, v47;
	v47 =	vld [tilespmem:s25+$0x81F0];
	[tilespmem:s25+$0xFD90] =	vst v3  }
0x13b: {  	v43 =	vmul.f32 v61, v28;
	v61 =	vmul.f32 v21, v15;
	[tilespmem:s25+$0xFDD0] =	vst v34;
	v58 =	vadd.f32 v63, v54  }
0x13c: {  	v44 =	vmul.f32 v44, v19;
	v48 =	vadd.f32 v17, v62;
	[tilespmem:s25+$0x10190] =	vst v49;
	v62 =	vadd.f32 v18, v60  }
0x13d: {  	v50 =	vmul.f32 v22, v28;
	v45 =	vadd.f32 v39, v43;
	v63 =	vadd.f32 v61, v24;
	[tilespmem:s25+$0xFDC0] =	vst v58  }
0x13e: {  	v23 =	vmul.f32 v23, v15;
	v9 =	vadd.f32 v9, v37;
	[tilespmem:s25+$0x101E0] =	vst v62  }
0x13f: {  	p1 =	seq.s32 s22, $0xF;
	v52 =	vadd.f32 v44, v50;
	v13 =	vadd.f32 v13, v45;
	[tilespmem:s25+$0xFD80] =	vst v63;
	v53 =	vmul.f32 v47, v15  }
.Ltmp3:
0x140: {  	v51 =	vadd.f32 v23, v48;
	[tilespmem:s25+$0xFDE0] =	vst v9;
	(pc) =	sbr.rel @p1 .LBB2_6-.Ltmp3, $4  }
0x141: {  	[tilespmem:s25+$0xFDF0] =	vst v13;
	v57 =	vadd.f32 v53, v52  }
0x142: {  	s0 =	sshll.u32 s22, $0xB;
	[tilespmem:s25+$0x101C0] =	vst v51  }
0x143: {  	s0 =	sadd.s32 s0, s10;
	[tilespmem:s25+$0x101F0] =	vst v57  }
0x144: {  	[hbm4b:s0+s3] =	stream.linear.scatter [tilespmem:s11], [sflag:$0x3], $0x2000, $0x38;
	[tilespmem:$0x13D80] =	vst v63  }
0x145: {  	s0 =	sshll.u32 s22, $0x8  }
0x146: {  	s0 =	sand.u32 $0x3FFFFF00, s0  }
0x147: {  	v3 =	vld [tilespmem:s0+$0x100];
	_ =	sdelay $0x4  }
0x148: {  	v4 =	vshll.u32 v3, $0x1  }
0x149: {  	v3 =	vand.u32 $0x7, v3;
	v4 =	vand.u32 $0xFFFFFFF0, v4  }
0x14a: {  	v3 =	vor.u32 v3, v4  }
0x14b: {  	v4 =	vperm.xlane v3, v0;
	_ =	sdelay $0x1  }
0x14c: {  	v3 =	vperm.xlane v3, v2;
	v4 =	vadd.s32 v1, v4;
	_ =	sdelay $0x1  }
0x14d: {  	v3 =	vadd.s32 v1, v3;
	_ =	sdelay $0x1  }
0x14e: {  	s2 =	simm.s32 $0x3D80  }
0x14f: {  	[tilespmem:s2], [sflag:$0x1] =	stream.indirect_vreg.gather [hbm4b:s1+s3], $0x80, v4, vm0, $0xb8;
	[tilespmem:$0x13D80] =	vst v63  }
0x150: {  	s29 =	simm.s32 $0x4580  }
0x151: {  	[tilespmem:s29], [sflag:$0x1] =	stream.indirect_vreg.gather [hbm4b:s1+s3], $0x80, v3, vm0, $0xb8;
	[tilespmem:$0x13D80] =	vst v63  }
0x152: {  	v3 =	vld [tilespmem:s0+$0x110];
	_ =	sdelay $0x4  }
0x153: {  	v59 =	vshll.u32 v3, $0x1  }
0x154: {  	v3 =	vand.u32 $0x7, v3;
	v4 =	vand.u32 $0xFFFFFFF0, v59  }
0x155: {  	v3 =	vor.u32 v3, v4  }
0x156: {  	v4 =	vperm.xlane v3, v0;
	_ =	sdelay $0x1  }
0x157: {  	v3 =	vperm.xlane v3, v2;
	v4 =	vadd.s32 v1, v4;
	_ =	sdelay $0x1  }
0x158: {  	v3 =	vadd.s32 v1, v3;
	_ =	sdelay $0x1  }
0x159: {  	s30 =	simm.s32 $0x4D80  }
0x15a: {  	[tilespmem:s30], [sflag:$0x1] =	stream.indirect_vreg.gather [hbm4b:s1+s3], $0x80, v4, vm0, $0xb8;
	[tilespmem:$0x13D80] =	vst v63  }
0x15b: {  	s12 =	simm.s32 $0x5580  }
0x15c: {  	[tilespmem:s12], [sflag:$0x1] =	stream.indirect_vreg.gather [hbm4b:s1+s3], $0x80, v3, vm0, $0xb8;
	[tilespmem:$0x13D80] =	vst v63  }
0x15d: {  	v3 =	vld [tilespmem:s0+$0x1100];
	_ =	sdelay $0x4  }
0x15e: {  	v60 =	vshll.u32 v3, $0x1  }
0x15f: {  	v3 =	vand.u32 $0x7, v3;
	v4 =	vand.u32 $0xFFFFFFF0, v60  }
0x160: {  	v3 =	vor.u32 v3, v4  }
0x161: {  	v4 =	vperm.xlane v3, v0;
	_ =	sdelay $0x1  }
0x162: {  	v3 =	vperm.xlane v3, v2;
	v4 =	vadd.s32 v1, v4;
	_ =	sdelay $0x1  }
0x163: {  	v3 =	vadd.s32 v1, v3;
	_ =	sdelay $0x1  }
0x164: {  	s13 =	simm.s32 $0x5D80  }
0x165: {  	[tilespmem:s13], [sflag:$0x1] =	stream.indirect_vreg.gather [hbm4b:s1+s3], $0x80, v4, vm0, $0xb8;
	[tilespmem:$0x13D80] =	vst v63  }
0x166: {  	s14 =	simm.s32 $0x6580  }
0x167: {  	[tilespmem:s14], [sflag:$0x1] =	stream.indirect_vreg.gather [hbm4b:s1+s3], $0x80, v3, vm0, $0xb8;
	[tilespmem:$0x13D80] =	vst v63  }
0x168: {  	v3 =	vld [tilespmem:s0+$0x1110];
	_ =	sdelay $0x4  }
0x169: {  	v61 =	vshll.u32 v3, $0x1  }
0x16a: {  	v3 =	vand.u32 $0x7, v3;
	v4 =	vand.u32 $0xFFFFFFF0, v61  }
0x16b: {  	v3 =	vor.u32 v3, v4  }
0x16c: {  	v4 =	vperm.xlane v3, v0;
	_ =	sdelay $0x1  }
0x16d: {  	v3 =	vperm.xlane v3, v2;
	v4 =	vadd.s32 v1, v4;
	_ =	sdelay $0x1  }
0x16e: {  	v3 =	vadd.s32 v1, v3;
	_ =	sdelay $0x1  }
0x16f: {  	s18 =	simm.s32 $0x6D80  }
0x170: {  	[tilespmem:s18], [sflag:$0x1] =	stream.indirect_vreg.gather [hbm4b:s1+s3], $0x80, v4, vm0, $0xb8;
	[tilespmem:$0x13D80] =	vst v63  }
0x171: {  	s25 =	simm.s32 $0x7580  }
0x172: {  	[tilespmem:s25], [sflag:$0x1] =	stream.indirect_vreg.gather [hbm4b:s1+s3], $0x80, v3, vm0, $0xb8;
	[tilespmem:$0x13D80] =	vst v63  }
0x173: {  	v3 =	vld [tilespmem:s0+$0x2100];
	_ =	sdelay $0x4  }
0x174: {  	v62 =	vshll.u32 v3, $0x1  }
0x175: {  	v3 =	vand.u32 $0x7, v3;
	v4 =	vand.u32 $0xFFFFFFF0, v62  }
0x176: {  	v3 =	vor.u32 v3, v4  }
0x177: {  	v4 =	vperm.xlane v3, v0;
	_ =	sdelay $0x1  }
0x178: {  	v3 =	vperm.xlane v3, v2;
	v4 =	vadd.s32 v1, v4;
	_ =	sdelay $0x1  }
0x179: {  	v3 =	vadd.s32 v1, v3;
	_ =	sdelay $0x1  }
0x17a: {  	s26 =	simm.s32 $0x7D80  }
0x17b: {  	[tilespmem:s26], [sflag:$0x1] =	stream.indirect_vreg.gather [hbm4b:s1+s3], $0x80, v4, vm0, $0xb8;
	[tilespmem:$0x13D80] =	vst v63  }
0x17c: {  	s28 =	simm.s32 $0x8580  }
0x17d: {  	[tilespmem:s28], [sflag:$0x1] =	stream.indirect_vreg.gather [hbm4b:s1+s3], $0x80, v3, vm0, $0xb8;
	[tilespmem:$0x13D80] =	vst v63  }
0x17e: {  	v3 =	vld [tilespmem:s0+$0x2110];
	_ =	sdelay $0x4  }
0x17f: {  	v63 =	vshll.u32 v3, $0x1  }
0x180: {  	v3 =	vand.u32 $0x7, v3;
	v4 =	vand.u32 $0xFFFFFFF0, v63  }
0x181: {  	v3 =	vor.u32 v3, v4  }
0x182: {  	v4 =	vperm.xlane v3, v0;
	_ =	sdelay $0x1  }
0x183: {  	v3 =	vperm.xlane v3, v2;
	v4 =	vadd.s32 v1, v4;
	_ =	sdelay $0x1  }
0x184: {  	v3 =	vadd.s32 v1, v3;
	_ =	sdelay $0x1  }
0x185: {  	s29 =	simm.s32 $0x8D80  }
0x186: {  	[tilespmem:s29], [sflag:$0x1] =	stream.indirect_vreg.gather [hbm4b:s1+s3], $0x80, v4, vm0, $0xb8;
	[tilespmem:$0x13D80] =	vst v63  }
0x187: {  	s30 =	simm.s32 $0x9580  }
0x188: {  	[tilespmem:s30], [sflag:$0x1] =	stream.indirect_vreg.gather [hbm4b:s1+s3], $0x80, v3, vm0, $0xb8;
	[tilespmem:$0x13D80] =	vst v63  }
.LBB2_6:
0x189: {  	_ =	swait.ge [sflag:s5], $0x2000  }
0x18a: {  	[sflag:s5] =	ssyncset.done $0x0  }
0x18b: {  	[sflag:s5] =	ssyncadd.s32 $0xFFFFE000  }
0x18c: {  	_ =	swait.ge [sflag:s5], $0x2000  }
0x18d: {  	[sflag:s5] =	ssyncset.done $0x0  }
0x18e: {  	[sflag:s5] =	ssyncadd.s32 $0xFFFFE000  }
0x18f: {  	_ =	swait.ge [sflag:s5], $0x2000  }
0x190: {  	[sflag:s5] =	ssyncset.done $0x0  }
0x191: {  	s0 =	simm.s32 @!p0 $0x4;
	[sflag:s5] =	ssyncadd.s32 $0xFFFFE000  }
0x192: {  	s2 =	simm.s32 $0x0;
	_ =	swait.ge @!p0 [sflag:s0], $0x2000  }
0x193: {  	s12 =	sand.u32 $0x1800, s2;
	s2 =	sand.u32 $0x380, s2;
	[sflag:s0] =	ssyncset.done @!p0 $0x0  }
0x194: {  	s25 =	sor.u32 s2, s12;
	[sflag:s0] =	ssyncadd.s32 @!p0 $0xFFFFE000  }
0x195: {  	v11 =	vld [tilespmem:s25+$0x9D80]  }
0x196: {  	v13 =	vld [tilespmem:s25+$0xBD80]  }
0x197: {  	v18 =	vld [tilespmem:s25+$0x9D90]  }
0x198: {  	v23 =	vld [tilespmem:s25+$0xBD90]  }
0x199: {  	v29 =	vld [tilespmem:s25+$0x9DA0]  }
0x19a: {  	v12 =	vld [tilespmem:s25+$0xBDA0]  }
0x19b: {  	v6 =	vld [tilespmem:s25+$0x9DB0]  }
0x19c: {  	v28 =	vld [tilespmem:s25+$0xBDB0]  }
0x19d: {  	v9 =	vld [tilespmem:s25+$0x9DC0]  }
0x19e: {  	v27 =	vld [tilespmem:s25+$0xBDC0]  }
0x19f: {  	v7 =	vld [tilespmem:s25+$0x9DD0]  }
0x1a0: {  	v17 =	vld [tilespmem:s25+$0xE1E0]  }
0x1a1: {  	v5 =	vld [tilespmem:s25+$0xDDC0]  }
0x1a2: {  	v8 =	vld [tilespmem:s25+$0xE1A0]  }
0x1a3: {  	v3 =	vld [tilespmem:s25+$0xE1B0]  }
0x1a4: {  	v10 =	vld [tilespmem:s25+$0xA1A0]  }
0x1a5: {  	v4 =	vld [tilespmem:s25+$0xBDE0]  }
0x1a6: {  	v14 =	vld [tilespmem:s25+$0xE1C0]  }
0x1a7: {  	v15 =	vld [tilespmem:s25+$0xC180]  }
0x1a8: {  	v21 =	vld [tilespmem:s25+$0xDDB0]  }
0x1a9: {  	v19 =	vld [tilespmem:s25+$0xA190]  }
0x1aa: {  	v25 =	vld [tilespmem:s25+$0xE180]  }
0x1ab: {  	v16 =	vld [tilespmem:s25+$0xDDE0]  }
0x1ac: {  	v41 =	vld [tilespmem:s25+$0xDD90]  }
0x1ad: {  	v34 =	vld [tilespmem:s25+$0xDDD0]  }
0x1ae: {  	v30 =	vld [tilespmem:s25+$0xE190]  }
0x1af: {  	v35 =	vld [tilespmem:s25+$0xDDA0]  }
0x1b0: {  	v40 =	vld [tilespmem:s25+$0xA1C0]  }
0x1b1: {  	v32 =	vld [tilespmem:s25+$0xA1B0]  }
0x1b2: {  	v36 =	vld [tilespmem:s25+$0xC190]  }
0x1b3: {  	v26 =	vld [tilespmem:s25+$0xE1D0]  }
0x1b4: {  	v38 =	vld [tilespmem:s25+$0xC1F0]  }
0x1b5: {  	v37 =	vld [tilespmem:s25+$0xA1F0]  }
0x1b6: {  	v33 =	vld [tilespmem:s25+$0xBDF0]  }
0x1b7: {  	v24 =	vld [tilespmem:s25+$0xA1D0]  }
0x1b8: {  	v31 =	vld.msk [tilespmem:s19+$0x0 ss:$0x0], $0xffff  }
0x1b9: {  	v20 =	vld.msk [tilespmem:s23+$0x0 ss:$0x0], $0xffff  }
0x1ba: {  	v42 =	vld [tilespmem:s25+$0x9DE0]  }
0x1bb: {  	v22 =	vld.msk [tilespmem:s23+$0x480 ss:$0x0], $0xffff  }
0x1bc: {  	v43 =	vld [tilespmem:s25+$0xE1F0]  }
0x1bd: {  	v46 =	vld [tilespmem:s25+$0xDDF0]  }
0x1be: {  	v50 =	vld [tilespmem:s25+$0xC1C0];
	v49 =	vmul.f32 v18, v31;
	v24 =	vmul.f32 v24, v31  }
0x1bf: {  	v51 =	vld [tilespmem:s25+$0x9DF0];
	v39 =	vmul.f32 v33, v20;
	v32 =	vmul.f32 v32, v31  }
0x1c0: {  	v48 =	vld [tilespmem:s25+$0xC1B0];
	v52 =	vmul.f32 v23, v20;
	v33 =	vmul.f32 v42, v31  }
0x1c1: {  	v44 =	vld [tilespmem:s25+$0xBDD0];
	v23 =	vmul.f32 v37, v31;
	v18 =	vmul.f32 v43, v22  }
0x1c2: {  	v45 =	vld [tilespmem:s25+$0xDD80];
	v43 =	vmul.f32 v29, v31;
	v37 =	vmul.f32 v46, v22  }
0x1c3: {  	s24 =	sor.u32 $0x1, s24;
	s18 =	sadd.s32 $0x1, s19;
	v47 =	vld [tilespmem:s25+$0xC1A0];
	v42 =	vmul.f32 v50, v20;
	v29 =	vmul.f32 v38, v20  }
0x1c4: {  	s2 =	simm.s32 $0x100;
	s12 =	simm.s32 $0x80;
	s23 =	sadd.s32 $0x1, s23;
	v36 =	vmul.f32 v36, v20;
	v46 =	vld [tilespmem:s25+$0xA1E0];
	v38 =	vadd.f32 v52, v49;
	v49 =	vmul.f32 v51, v31  }
.LBB2_7:
0x1c5: {  	s0 =	sand.u32 $0x1800, s2  }
0x1c6: {  	s13 =	sand.u32 $0x380, s12;
	v50 =	vmul.f32 v28, v20;
	v48 =	vmul.f32 v48, v20;
	v28 =	vld [tilespmem:s25+$0xC1E0];
	s14 =	smov.u32 s2;
	s26 =	sadd.s32 $0x100, s2  }
0x1c7: {  	p0 =	sne.s32 s2, $0x1F00;
	v41 =	vmul.f32 v41, v22;
	v27 =	vmul.f32 v27, v20;
	s0 =	sor.u32 s13, s0;
	v39 =	vadd.f32 v39, v49;
	v49 =	vld [tilespmem:s25+$0xA180]  }
0x1c8: {  	v51 =	vmul.f32 v11, v31;
	v44 =	vmul.f32 v44, v20;
	v11 =	vld [tilespmem:s0+$0x9D80]  }
0x1c9: {  	v45 =	vmul.f32 v45, v22;
	v52 =	vld [tilespmem:s0+$0xBD80];
	v37 =	vadd.f32 v37, v39;
	v47 =	vmul.f32 v47, v20  }
0x1ca: {  	v13 =	vmul.f32 v13, v20;
	v40 =	vmul.f32 v40, v31;
	v41 =	vadd.f32 v41, v38;
	v39 =	vld [tilespmem:s0+$0x9D90]  }
0x1cb: {  	v53 =	vmul.f32 v12, v20;
	v46 =	vmul.f32 v46, v31;
	v38 =	vld [tilespmem:s0+$0xBD90];
	[tilespmem:s25+$0x11DF0] =	vst v37  }
0x1cc: {  	v37 =	vld [tilespmem:s0+$0x9DA0];
	[tilespmem:s25+$0x11D90] =	vst v41;
	v41 =	vmul.f32 v49, v31;
	v49 =	vmul.f32 v17, v22  }
0x1cd: {  	v54 =	vmul.f32 v28, v20;
	v17 =	vadd.f32 v13, v51;
	v51 =	vmul.f32 v6, v31;
	v12 =	vld [tilespmem:s0+$0xBDA0]  }
0x1ce: {  	v55 =	vmul.f32 v9, v31;
	v30 =	vmul.f32 v30, v22;
	v6 =	vld [tilespmem:s0+$0x9DB0];
	v13 =	vmov v52  }
0x1cf: {  	v35 =	vmul.f32 v35, v22;
	v34 =	vmul.f32 v34, v22;
	v17 =	vadd.f32 v45, v17;
	v28 =	vld [tilespmem:s0+$0xBDB0]  }
0x1d0: {  	v16 =	vmul.f32 v16, v22;
	v45 =	vadd.f32 v27, v55;
	v52 =	vmul.f32 v7, v31;
	v9 =	vld [tilespmem:s0+$0x9DC0]  }
0x1d1: {  	v25 =	vmul.f32 v25, v22;
	v19 =	vmul.f32 v19, v31;
	v43 =	vadd.f32 v53, v43;
	v27 =	vld [tilespmem:s0+$0xBDC0];
	[tilespmem:s25+$0x11D80] =	vst v17  }
0x1d2: {  	v21 =	vmul.f32 v21, v22;
	v15 =	vmul.f32 v15, v20;
	v50 =	vadd.f32 v50, v51;
	v7 =	vld [tilespmem:s0+$0x9DD0]  }
0x1d3: {  	v14 =	vmul.f32 v14, v22;
	v26 =	vmul.f32 v26, v22;
	v40 =	vadd.f32 v42, v40;
	v17 =	vld [tilespmem:s0+$0xE1E0]  }
0x1d4: {  	v4 =	vmul.f32 v4, v20;
	v35 =	vadd.f32 v35, v43;
	v21 =	vadd.f32 v21, v50;
	v42 =	vld [tilespmem:s25+$0xC1D0]  }
0x1d5: {  	v10 =	vmul.f32 v10, v31;
	v31 =	vadd.f32 v14, v40;
	v44 =	vadd.f32 v44, v52;
	v43 =	vld [tilespmem:s0+$0xDDC0]  }
0x1d6: {  	v4 =	vadd.f32 v4, v33;
	v14 =	vadd.f32 v48, v32;
	v32 =	vmul.f32 v3, v22;
	v40 =	vld [tilespmem:s0+$0xE1A0];
	[tilespmem:s25+$0x11DA0] =	vst v35  }
0x1d7: {  	v8 =	vmul.f32 v8, v22;
	v19 =	vadd.f32 v36, v19;
	v33 =	vadd.f32 v47, v10;
	v3 =	vld [tilespmem:s0+$0xE1B0]  }
0x1d8: {  	v32 =	vadd.f32 v32, v14;
	v10 =	vld [tilespmem:s0+$0xA1A0];
	[tilespmem:s25+$0x11DB0] =	vst v21;
	v21 =	vmul.f32 v5, v22;
	v22 =	vadd.f32 v16, v4  }
0x1d9: {  	v35 =	vadd.f32 v8, v33;
	v16 =	vadd.f32 v15, v41;
	v4 =	vld [tilespmem:s0+$0xBDE0];
	v20 =	vmul.f32 v42, v20  }
0x1da: {  	v14 =	vld [tilespmem:s0+$0xE1C0];
	v33 =	vadd.f32 v21, v45;
	[tilespmem:s25+$0x121C0] =	vst v31;
	v31 =	vadd.f32 v54, v46;
	v5 =	vmov v43  }
0x1db: {  	v34 =	vadd.f32 v34, v44;
	v15 =	vld [tilespmem:s0+$0xC180];
	[tilespmem:s25+$0x121A0] =	vst v35;
	v20 =	vadd.f32 v20, v24;
	v8 =	vmov v40  }
0x1dc: {  	v24 =	vadd.f32 v30, v19;
	v21 =	vld [tilespmem:s0+$0xDDB0];
	[tilespmem:s25+$0x11DC0] =	vst v33;
	v30 =	vadd.f32 v49, v31  }
0x1dd: {  	v31 =	vadd.f32 v25, v16;
	v19 =	vld [tilespmem:s0+$0xA190];
	[tilespmem:s25+$0x11DD0] =	vst v34;
	v20 =	vadd.f32 v26, v20  }
0x1de: {  	v23 =	vadd.f32 v29, v23;
	v25 =	vld [tilespmem:s0+$0xE180];
	[tilespmem:s25+$0x121E0] =	vst v30  }
0x1df: {  	v16 =	vld [tilespmem:s0+$0xDDE0];
	[tilespmem:s25+$0x12180] =	vst v31  }
0x1e0: {  	v18 =	vadd.f32 v18, v23;
	v41 =	vld [tilespmem:s0+$0xDD90];
	[tilespmem:s25+$0x12190] =	vst v24  }
0x1e1: {  	v34 =	vld [tilespmem:s0+$0xDDD0];
	[tilespmem:s25+$0x121D0] =	vst v20  }
0x1e2: {  	v30 =	vld [tilespmem:s0+$0xE190];
	[tilespmem:s25+$0x121F0] =	vst v18  }
0x1e3: {  	v35 =	vld [tilespmem:s0+$0xDDA0];
	[tilespmem:s25+$0x121B0] =	vst v32  }
0x1e4: {  	v40 =	vld [tilespmem:s0+$0xA1C0];
	[tilespmem:s25+$0x11DE0] =	vst v22;
	s25 =	smov.u32 s0  }
0x1e5: {  	v18 =	vld [tilespmem:s25+$0xA1B0]  }
0x1e6: {  	v36 =	vld [tilespmem:s25+$0xC190]  }
0x1e7: {  	v26 =	vld [tilespmem:s25+$0xE1D0]  }
0x1e8: {  	v29 =	vld [tilespmem:s25+$0xC1F0]  }
0x1e9: {  	v23 =	vld [tilespmem:s25+$0xA1F0]  }
0x1ea: {  	v32 =	vld [tilespmem:s25+$0xBDF0]  }
0x1eb: {  	v24 =	vld [tilespmem:s25+$0xA1D0]  }
0x1ec: {  	v31 =	vld.msk [tilespmem:s18+$0x0 ss:$0x0], $0xffff  }
0x1ed: {  	v20 =	vld.msk [tilespmem:s23+$0x0 ss:$0x0], $0xffff  }
0x1ee: {  	v33 =	vld [tilespmem:s25+$0x9DE0]  }
0x1ef: {  	v22 =	vld.msk [tilespmem:s23+$0x480 ss:$0x0], $0xffff  }
0x1f0: {  	v42 =	vld [tilespmem:s25+$0xE1F0]  }
0x1f1: {  	v46 =	vld [tilespmem:s25+$0xDDF0]  }
0x1f2: {  	v43 =	vmul.f32 v39, v31;
	v24 =	vmul.f32 v24, v31;
	v49 =	vld [tilespmem:s25+$0xC1C0]  }
0x1f3: {  	v39 =	vmul.f32 v32, v20;
	v32 =	vmul.f32 v18, v31;
	v50 =	vld [tilespmem:s25+$0x9DF0]  }
.Ltmp4:
0x1f4: {  	v38 =	vmul.f32 v38, v20;
	v33 =	vmul.f32 v33, v31;
	v48 =	vld [tilespmem:s25+$0xC1B0];
	(pc) =	sbr.rel @p0 .LBB2_7-.Ltmp4, $4  }
0x1f5: {  	v23 =	vmul.f32 v23, v31;
	v44 =	vld [tilespmem:s25+$0xBDD0];
	v18 =	vmul.f32 v42, v22  }
0x1f6: {  	v38 =	vadd.f32 v38, v43;
	v43 =	vmul.f32 v37, v31;
	v45 =	vld [tilespmem:s25+$0xDD80];
	v37 =	vmul.f32 v46, v22  }
0x1f7: {  	s12 =	sadd.s32 $0x80, s12;
	v29 =	vmul.f32 v29, v20;
	v47 =	vld [tilespmem:s25+$0xC1A0];
	v42 =	vmul.f32 v49, v20  }
0x1f8: {  	s2 =	smov.u32 s26;
	s18 =	sadd.s32 $0x1, s18;
	s23 =	sadd.s32 $0x1, s23;
	v36 =	vmul.f32 v36, v20;
	v49 =	vmul.f32 v50, v31;
	v46 =	vld [tilespmem:s25+$0xA1E0]  }
0x1f9: {  	v28 =	vmul.f32 v28, v20;
	v48 =	vmul.f32 v48, v20  }
0x1fa: {  	v41 =	vmul.f32 v41, v22;
	v27 =	vmul.f32 v27, v20  }
0x1fb: {  	v11 =	vmul.f32 v11, v31;
	v13 =	vmul.f32 v13, v20  }
0x1fc: {  	v40 =	vmul.f32 v40, v31;
	v12 =	vmul.f32 v12, v20  }
0x1fd: {  	v17 =	vmul.f32 v17, v22;
	v6 =	vmul.f32 v6, v31  }
0x1fe: {  	v9 =	vmul.f32 v9, v31;
	v35 =	vmul.f32 v35, v22  }
0x1ff: {  	v34 =	vmul.f32 v34, v22;
	v7 =	vmul.f32 v7, v31  }
0x200: {  	v10 =	vmul.f32 v10, v31;
	v14 =	vmul.f32 v14, v22  }
0x201: {  	v8 =	vmul.f32 v8, v22;
	v5 =	vmul.f32 v5, v22  }
0x202: {  	v4 =	vmul.f32 v4, v20;
	v39 =	vadd.f32 v39, v49;
	v11 =	vadd.f32 v13, v11  }
0x203: {  	v50 =	vld [tilespmem:s25+$0xA180];
	v45 =	vmul.f32 v45, v22;
	v63 =	vadd.f32 v41, v38;
	v9 =	vadd.f32 v27, v9  }
0x204: {  	v51 =	vld [tilespmem:s25+$0xC1E0];
	v44 =	vmul.f32 v44, v20;
	v12 =	vadd.f32 v12, v43;
	v37 =	vadd.f32 v37, v39  }
0x205: {  	v6 =	vadd.f32 v28, v6;
	v43 =	vmul.f32 v21, v22;
	v11 =	vadd.f32 v45, v11;
	[tilespmem:s25+$0x11D90] =	vst v63  }
0x206: {  	v4 =	vadd.f32 v4, v33;
	v47 =	vmul.f32 v47, v20;
	v12 =	vadd.f32 v35, v12;
	[tilespmem:s25+$0x11DF0] =	vst v37  }
0x207: {  	v7 =	vadd.f32 v44, v7;
	v61 =	vmul.f32 v46, v31;
	v6 =	vadd.f32 v43, v6;
	[tilespmem:s25+$0x11D80] =	vst v11  }
0x208: {  	v45 =	vadd.f32 v42, v40;
	v5 =	vadd.f32 v5, v9;
	v63 =	vmul.f32 v16, v22;
	[tilespmem:s25+$0x11DA0] =	vst v12  }
0x209: {  	v49 =	vld [tilespmem:s25+$0xC1D0];
	v62 =	vmul.f32 v50, v31;
	v41 =	vmul.f32 v51, v20;
	v7 =	vadd.f32 v34, v7;
	[tilespmem:s25+$0x11DB0] =	vst v6  }
0x20a: {  	v10 =	vadd.f32 v47, v10;
	v51 =	vmul.f32 v15, v20;
	v13 =	vadd.f32 v14, v45;
	[tilespmem:s25+$0x11DC0] =	vst v5  }
0x20b: {  	v53 =	vmul.f32 v19, v31;
	v4 =	vadd.f32 v63, v4;
	v54 =	vadd.f32 v41, v61;
	[tilespmem:s25+$0x11DD0] =	vst v7  }
0x20c: {  	v50 =	vmul.f32 v25, v22;
	v52 =	vadd.f32 v8, v10;
	v55 =	vadd.f32 v51, v62;
	[tilespmem:s25+$0x121C0] =	vst v13  }
0x20d: {  	v57 =	vmul.f32 v30, v22;
	v8 =	vadd.f32 v36, v53;
	[tilespmem:s25+$0x11DE0] =	vst v4;
	v58 =	vadd.f32 v17, v54  }
0x20e: {  	v56 =	vmul.f32 v49, v20;
	v61 =	vadd.f32 v29, v23;
	[tilespmem:s25+$0x121A0] =	vst v52;
	v60 =	vadd.f32 v50, v55  }
0x20f: {  	v3 =	vmul.f32 v3, v22;
	v62 =	vadd.f32 v48, v32;
	v6 =	vadd.f32 v57, v8;
	[tilespmem:s25+$0x121E0] =	vst v58  }
0x210: {  	v59 =	vmul.f32 v26, v22;
	v12 =	vadd.f32 v56, v24;
	v5 =	vadd.f32 v18, v61;
	[tilespmem:s25+$0x12180] =	vst v60  }
.Ltmp5:
0x211: {  	v3 =	vadd.f32 v3, v62;
	[tilespmem:s25+$0x12190] =	vst v6;
	(pc) =	sbr.rel @p1 .LBB2_10-.Ltmp5, $4  }
0x212: {  	v9 =	vadd.f32 v59, v12;
	[tilespmem:s25+$0x121F0] =	vst v5  }
0x213: {  	s0 =	sshll.u32 s24, $0xA;
	[tilespmem:s25+$0x121B0] =	vst v3  }
0x214: {  	s0 =	sadd.s32 s0, s10;
	[tilespmem:s25+$0x121D0] =	vst v9  }
0x215: {  	[hbm4b:s0+s3] =	stream.linear.scatter [tilespmem:s17], [sflag:$0x4], $0x2000, $0x38;
	[tilespmem:$0x13D80] =	vst v63  }
0x216: {  	s0 =	sshll.u32 s22, $0x8  }
0x217: {  	s0 =	sand.u32 $0x3FFFFF00, s0  }
0x218: {  	v3 =	vld [tilespmem:s0+$0x180];
	_ =	sdelay $0x4  }
0x219: {  	v4 =	vshll.u32 v3, $0x1  }
0x21a: {  	v3 =	vand.u32 $0x7, v3;
	v4 =	vand.u32 $0xFFFFFFF0, v4  }
0x21b: {  	v3 =	vor.u32 v3, v4  }
0x21c: {  	v4 =	vperm.xlane v3, v0;
	_ =	sdelay $0x1  }
0x21d: {  	v3 =	vperm.xlane v3, v2;
	v4 =	vadd.s32 v1, v4;
	_ =	sdelay $0x1  }
0x21e: {  	v3 =	vadd.s32 v1, v3;
	_ =	sdelay $0x1  }
0x21f: {  	s2 =	simm.s32 $0x9D80  }
0x220: {  	[tilespmem:s2], [sflag:$0x2] =	stream.indirect_vreg.gather [hbm4b:s1+s3], $0x80, v4, vm0, $0xb8;
	[tilespmem:$0x13D80] =	vst v63  }
0x221: {  	s25 =	simm.s32 $0xA580  }
0x222: {  	[tilespmem:s25], [sflag:$0x2] =	stream.indirect_vreg.gather [hbm4b:s1+s3], $0x80, v3, vm0, $0xb8;
	[tilespmem:$0x13D80] =	vst v63  }
0x223: {  	v3 =	vld [tilespmem:s0+$0x190];
	_ =	sdelay $0x4  }
0x224: {  	v59 =	vshll.u32 v3, $0x1  }
0x225: {  	v3 =	vand.u32 $0x7, v3;
	v4 =	vand.u32 $0xFFFFFFF0, v59  }
0x226: {  	v3 =	vor.u32 v3, v4  }
0x227: {  	v4 =	vperm.xlane v3, v0;
	_ =	sdelay $0x1  }
0x228: {  	v3 =	vperm.xlane v3, v2;
	v4 =	vadd.s32 v1, v4;
	_ =	sdelay $0x1  }
0x229: {  	v3 =	vadd.s32 v1, v3;
	_ =	sdelay $0x1  }
0x22a: {  	s26 =	simm.s32 $0xAD80  }
0x22b: {  	[tilespmem:s26], [sflag:$0x2] =	stream.indirect_vreg.gather [hbm4b:s1+s3], $0x80, v4, vm0, $0xb8;
	[tilespmem:$0x13D80] =	vst v63  }
0x22c: {  	s28 =	simm.s32 $0xB580  }
0x22d: {  	[tilespmem:s28], [sflag:$0x2] =	stream.indirect_vreg.gather [hbm4b:s1+s3], $0x80, v3, vm0, $0xb8;
	[tilespmem:$0x13D80] =	vst v63  }
0x22e: {  	v3 =	vld [tilespmem:s0+$0x1180];
	_ =	sdelay $0x4  }
0x22f: {  	v60 =	vshll.u32 v3, $0x1  }
0x230: {  	v3 =	vand.u32 $0x7, v3;
	v4 =	vand.u32 $0xFFFFFFF0, v60  }
0x231: {  	v3 =	vor.u32 v3, v4  }
0x232: {  	v4 =	vperm.xlane v3, v0;
	_ =	sdelay $0x1  }
0x233: {  	v3 =	vperm.xlane v3, v2;
	v4 =	vadd.s32 v1, v4;
	_ =	sdelay $0x1  }
0x234: {  	v3 =	vadd.s32 v1, v3;
	_ =	sdelay $0x1  }
0x235: {  	s29 =	simm.s32 $0xBD80  }
0x236: {  	[tilespmem:s29], [sflag:$0x2] =	stream.indirect_vreg.gather [hbm4b:s1+s3], $0x80, v4, vm0, $0xb8;
	[tilespmem:$0x13D80] =	vst v63  }
0x237: {  	s30 =	simm.s32 $0xC580  }
0x238: {  	[tilespmem:s30], [sflag:$0x2] =	stream.indirect_vreg.gather [hbm4b:s1+s3], $0x80, v3, vm0, $0xb8;
	[tilespmem:$0x13D80] =	vst v63  }
0x239: {  	v3 =	vld [tilespmem:s0+$0x1190];
	_ =	sdelay $0x4  }
0x23a: {  	v61 =	vshll.u32 v3, $0x1  }
0x23b: {  	v3 =	vand.u32 $0x7, v3;
	v4 =	vand.u32 $0xFFFFFFF0, v61  }
0x23c: {  	v3 =	vor.u32 v3, v4  }
0x23d: {  	v4 =	vperm.xlane v3, v0;
	_ =	sdelay $0x1  }
0x23e: {  	v3 =	vperm.xlane v3, v2;
	v4 =	vadd.s32 v1, v4;
	_ =	sdelay $0x1  }
0x23f: {  	v3 =	vadd.s32 v1, v3;
	_ =	sdelay $0x2  }
0x240: {  	[tilespmem:s15], [sflag:$0x2] =	stream.indirect_vreg.gather [hbm4b:s1+s3], $0x80, v4, vm0, $0xb8;
	[tilespmem:$0x13D80] =	vst v63  }
0x241: {  	_ = 	snop  }
0x242: {  	[tilespmem:s16], [sflag:$0x2] =	stream.indirect_vreg.gather [hbm4b:s1+s3], $0x80, v3, vm0, $0xb8;
	[tilespmem:$0x13D80] =	vst v63  }
0x243: {  	v3 =	vld [tilespmem:s0+$0x2180];
	_ =	sdelay $0x4  }
0x244: {  	v62 =	vshll.u32 v3, $0x1  }
0x245: {  	v3 =	vand.u32 $0x7, v3;
	v4 =	vand.u32 $0xFFFFFFF0, v62  }
0x246: {  	v3 =	vor.u32 v3, v4  }
0x247: {  	v4 =	vperm.xlane v3, v0;
	_ =	sdelay $0x1  }
0x248: {  	v3 =	vperm.xlane v3, v2;
	v4 =	vadd.s32 v1, v4;
	_ =	sdelay $0x1  }
0x249: {  	v3 =	vadd.s32 v1, v3;
	_ =	sdelay $0x2  }
0x24a: {  	[tilespmem:s4], [sflag:$0x2] =	stream.indirect_vreg.gather [hbm4b:s1+s3], $0x80, v4, vm0, $0xb8;
	[tilespmem:$0x13D80] =	vst v63  }
0x24b: {  	_ = 	snop  }
0x24c: {  	[tilespmem:s6], [sflag:$0x2] =	stream.indirect_vreg.gather [hbm4b:s1+s3], $0x80, v3, vm0, $0xb8;
	[tilespmem:$0x13D80] =	vst v63  }
0x24d: {  	v3 =	vld [tilespmem:s0+$0x2190];
	_ =	sdelay $0x4  }
0x24e: {  	v63 =	vshll.u32 v3, $0x1  }
0x24f: {  	v3 =	vand.u32 $0x7, v3;
	v4 =	vand.u32 $0xFFFFFFF0, v63  }
0x250: {  	v3 =	vor.u32 v3, v4  }
0x251: {  	v4 =	vperm.xlane v3, v0;
	_ =	sdelay $0x1  }
0x252: {  	v3 =	vperm.xlane v3, v2;
	v4 =	vadd.s32 v1, v4;
	_ =	sdelay $0x1  }
0x253: {  	v3 =	vadd.s32 v1, v3  }
.Ltmp6:
0x254: {  	_ = 	snop;
	(pc) =	sbr.rel .LBB2_2-.Ltmp6, $4  }
0x255: {  	s22 =	sadd.s32 $0x1, s22;
	s21 =	sadd.s32 $0x40, s21  }
0x256: {  	[tilespmem:s7], [sflag:$0x2] =	stream.indirect_vreg.gather [hbm4b:s1+s3], $0x80, v4, vm0, $0xb8;
	[tilespmem:$0x13D80] =	vst v63  }
0x257: {  	s31 =	sadd.s32 $0x40, s31;
	s19 =	sadd.s32 $0x40, s19;
	s20 =	sadd.s32 $0x40, s20  }
0x258: {  	[tilespmem:s8], [sflag:$0x2] =	stream.indirect_vreg.gather [hbm4b:s1+s3], $0x80, v3, vm0, $0xb8;
	[tilespmem:$0x13D80] =	vst v63  }
.LBB2_11:
0x259: {  	_ =	sfence.sel $0x180000  }
0x25a: {  	[bflag:$0x0] =	sbarrier.arrive $0xFFFF  }
0x25b: {  	_ =	strace $0x90000047  }
0x25c: {  	s0 =	stileid.u32;
	[bflag:$0x2] =	sbarrier.arrive $0xFFFF  }
0x25d: {  	p0 =	sne.s32 s0, $0x0;
	s0 =	rddreg [dreg:$0x3]  }
0x25e: {  	s0 =	sadd.s32 @!p0 $0x100000, s0  }
0x25f: {  	[sflag:s0] =	ssyncadd.tile.s32 @!p0 $0x1;
	_ =	shalt  }
.Lfunc_end2:
_tile_overlayer_lowered:
.L_overlay_start_2:
0x260: {  	(tag) =	ssettag $0x2  }
0x261: {  	s0 =	rddreg [dreg:$0x0];
	s2 =	stileid.u32  }
0x262: {  	s1 =	rddreg [dreg:$0x1];
	p0 =	sne.s32 s2, $0x0  }
0x263: {  	s3 =	rddreg [dreg:$0x2];
	[bflag:$0x3] =	sbarrier.arrive $0xFFFF;
	s2 =	simm.s32 @!p0 $0x1C05  }
0x264: {  	[timem:s3], [sflag:s2] =	dma.local @!p0 [hbm:s0], s1  }
0x265: {  	s0 =	simm.s32 @!p0 $0x5  }
0x266: {  	_ =	swait.ge @!p0 [sflag:s0], s1  }
0x267: {  	s1 =	ssub.s32 @!p0 $0x0, s1;
	[sflag:s0] =	ssyncset.done @!p0 $0x0  }
0x268: {  	[sflag:s0] =	ssyncadd.s32 @!p0 s1  }
0x269: {  	[bflag:$0x3] =	sbarrier.arrive $0xFFFF  }
0x26a: {  	_ =	shalt  }

</sc_bundles>
